<compile_context>
chip_gen: v7x
topology: tpu7x:2x2x1
jax: 0.10.2.dev20260603
libtpu: 0.0.44.dev20260713+nightly
codegen_flags: <defaults>
</compile_context>

<pallas_src>
import functools

import jax
import jax.numpy as jnp
from jax import lax
from jax.experimental import pallas as pl
from jax.experimental.pallas import tpu as pltpu
from jax.experimental.pallas import tpu_sc as plsc

N = 10000
E = 320000
D = 128

NC = 2
NS = 16
NW = NC * NS
EPW = E // NW
C = 80
NCHUNK = EPW // C
RB = 80
NRB = N // RB
TPS = (NRB + NS - 1) // NS
NG = 5
CPG = NCHUNK // NG
RBLK = 2000
LG = C // 16

_mesh = plsc.VectorSubcoreMesh(core_axis_name="c", subcore_axis_name="s")
_sc_params = pltpu.CompilerParams(needs_layout_passes=False)



def _mm_body(h_ref, w_ref, o_ref):
    o_ref[...] = jnp.dot(h_ref[...], w_ref[...],
                         preferred_element_type=jnp.float32)


def _matmul(h, w_cat):
    return pl.pallas_call(
        _mm_body,
        grid=(N // RBLK,),
        in_specs=[
            pl.BlockSpec((RBLK, D), lambda i: (i, 0)),
            pl.BlockSpec((D, 2 * D), lambda i: (0, 0)),
        ],
        out_specs=pl.BlockSpec((RBLK, 2 * D), lambda i: (i, 0)),
        out_shape=jax.ShapeDtypeStruct((N, 2 * D), jnp.float32),
    )(h, w_cat)



@functools.partial(
    pl.kernel,
    out_type=jax.ShapeDtypeStruct((NW, NCHUNK, C), jnp.float32),
    mesh=_mesh,
    compiler_params=_sc_params,
    scratch_types=[
        pltpu.VMEM((N,), jnp.float32),
        pltpu.VMEM((N,), jnp.float32),
        pltpu.VMEM((NCHUNK, C), jnp.int32),
        pltpu.VMEM((NCHUNK, C), jnp.int32),
        pltpu.VMEM((NCHUNK, C), jnp.float32),
    ],
)
def _logits_k(a1_hbm, a2_hbm, src_hbm, dst_hbm, l_hbm,
              a1_v, a2_v, src_v, dst_v, l_v):
    cid = lax.axis_index("c")
    sid = lax.axis_index("s")
    wid = cid * NS + sid
    pltpu.sync_copy(a1_hbm, a1_v)
    pltpu.sync_copy(a2_hbm, a2_v)
    pltpu.sync_copy(src_hbm.at[wid], src_v)
    pltpu.sync_copy(dst_hbm.at[wid], dst_v)

    def chunk(k, carry):
        for g in range(LG):
            s_idx = src_v[k, pl.ds(g * 16, 16)]
            d_idx = dst_v[k, pl.ds(g * 16, 16)]
            v = plsc.load_gather(a1_v, [s_idx]) + plsc.load_gather(a2_v, [d_idx])
            l_v[k, pl.ds(g * 16, 16)] = jnp.maximum(v, 0.2 * v)
        return carry

    lax.fori_loop(0, NCHUNK, chunk, 0)
    pltpu.sync_copy(l_v, l_hbm.at[wid])



def _softmax_body(l_ref, o_ref):
    x = l_ref[...]
    e = jnp.exp(x - jnp.max(x))
    o_ref[...] = e * (1.0 / jnp.sum(e))


def _softmax(l2d):
    return pl.pallas_call(
        _softmax_body,
        out_shape=jax.ShapeDtypeStruct(l2d.shape, jnp.float32),
    )(l2d)



@functools.partial(
    pl.kernel,
    out_type=jax.ShapeDtypeStruct((NC, N, D), jnp.float32),
    mesh=_mesh,
    compiler_params=_sc_params,
    scratch_types=[
        pltpu.VMEM((CPG, C), jnp.int32),
        pltpu.VMEM((CPG, C), jnp.int32),
        pltpu.VMEM((CPG, C), jnp.float32),
        pltpu.VMEM((C, D), jnp.float32),
        pltpu.VMEM_SHARED((N, D), jnp.float32),
        pltpu.SemaphoreType.DMA,
    ],
)
def _scatter_k(g_hbm, src_hbm, dst_hbm, att_hbm, z_hbm,
               src_v, dst_v, att_v, rows_v, z_sh, sem):
    cid = lax.axis_index("c")
    sid = lax.axis_index("s")
    wid = cid * NS + sid

    def zrow(i, carry):
        for j in range(D // 16):
            rows_v[i, pl.ds(j * 16, 16)] = jnp.zeros((16,), jnp.float32)
        return carry

    lax.fori_loop(0, RB, zrow, 0)
    for t in range(TPS):
        b = sid + t * NS

        @pl.when(b < NRB)
        def _zero():
            off = pl.multiple_of(b * RB, RB)
            pltpu.sync_copy(rows_v, z_sh.at[pl.ds(off, RB)])

    plsc.subcore_barrier()

    def group(gi, carry):
        pltpu.sync_copy(src_hbm.at[wid, gi], src_v)
        pltpu.sync_copy(dst_hbm.at[wid, gi], dst_v)
        pltpu.sync_copy(att_hbm.at[wid, gi], att_v)

        def chunk(k, c1):
            pltpu.async_copy(g_hbm.at[src_v.at[k]], rows_v, sem).wait()

            def scale(g, c2):
                av = att_v[k, pl.ds(g * 16, 16)]
                for r in range(16):
                    s = av[r]
                    i = g * 16 + r
                    for j in range(D // 16):
                        rows_v[i, pl.ds(j * 16, 16)] = (
                            rows_v[i, pl.ds(j * 16, 16)] * s)
                return c2

            lax.fori_loop(0, LG, scale, 0)
            pltpu.sync_copy(rows_v, z_sh.at[dst_v.at[k]], add=True)
            return c1

        lax.fori_loop(0, CPG, chunk, 0)
        return carry

    lax.fori_loop(0, NG, group, 0)
    plsc.subcore_barrier()

    for t in range(TPS):
        b = sid + t * NS

        @pl.when(b < NRB)
        def _wb():
            off = pl.multiple_of(b * RB, RB)
            pltpu.sync_copy(z_sh.at[pl.ds(off, RB)], rows_v)
            pltpu.sync_copy(rows_v, z_hbm.at[cid, pl.ds(off, RB)])



def _final_body(z_ref, h_ref, b_ref, o_ref):
    z = z_ref[0] + z_ref[1] + b_ref[...]
    o_ref[...] = jnp.maximum(z, 0.0) + h_ref[...]


def _final(z, h, b_t2d):
    return pl.pallas_call(
        _final_body,
        grid=(N // RBLK,),
        in_specs=[
            pl.BlockSpec((NC, RBLK, D), lambda i: (0, i, 0)),
            pl.BlockSpec((RBLK, D), lambda i: (i, 0)),
            pl.BlockSpec((1, D), lambda i: (0, 0)),
        ],
        out_specs=pl.BlockSpec((RBLK, D), lambda i: (i, 0)),
        out_shape=jax.ShapeDtypeStruct((N, D), jnp.float32),
    )(z, h, b_t2d)



def kernel(h, edge_index, W_att, b_att, W_t, b_t):
    src = edge_index[0].astype(jnp.int32).reshape(NW, NCHUNK, C)
    dst = edge_index[1].astype(jnp.int32).reshape(NW, NCHUNK, C)

    wa1 = W_att[0, :D]
    wa2 = W_att[0, D:]
    w_cat = jnp.concatenate(
        [W_t.T, wa1[:, None], wa2[:, None],
         jnp.zeros((D, D - 2), jnp.float32)], axis=1)

    hw = _matmul(h, w_cat)
    g = hw[:, :D]
    a1 = hw[:, D] + b_att[0]
    a2 = hw[:, D + 1]

    l = _logits_k(a1, a2, src, dst)
    att2d = _softmax(l.reshape(E // D, D))
    att = att2d.reshape(E)

    z = _scatter_k(g, src.reshape(NW, NG, CPG, C), dst.reshape(NW, NG, CPG, C),
                   att.reshape(NW, NG, CPG, C))
    h_new = _final(z, h, b_t.reshape(1, D))
    return (h_new, att)

# --- scband reference (transcript-rebuilt; emitter-appended) ---
"""Pipeline reference for scband-gnnlayer-1400159339040 (READ-ONLY COPY).

The authoritative reference and input builder live on the scoring server;
editing this copy changes nothing except your own understanding.
"""

import jax, jax.numpy as jnp
import numpy as np

N = 10000
E = 320000
D = 128

def setup_inputs(seed: int = 0) -> dict:
    key = jax.random.key(seed)
    k_h, k_ei, k_wa, k_ba, k_wt, k_bt = jax.random.split(key, 6)
    h = jax.random.normal(k_h, (N, D), dtype=jnp.float32)
    edge_index = jax.random.randint(k_ei, (2, E), 0, N, dtype=jnp.int64)
    # attention: nn.Linear(2*D, 1)
    lim_a = 1.0 / np.sqrt(2 * D)
    W_att = jax.random.uniform(k_wa, (1, 2 * D), minval=-lim_a, maxval=lim_a, dtype=jnp.float32)
    b_att = jax.random.uniform(k_ba, (1,), minval=-lim_a, maxval=lim_a, dtype=jnp.float32)
    # transform: nn.Linear(D, D)
    lim_t = 1.0 / np.sqrt(D)
    W_t = jax.random.uniform(k_wt, (D, D), minval=-lim_t, maxval=lim_t, dtype=jnp.float32)
    b_t = jax.random.uniform(k_bt, (D,), minval=-lim_t, maxval=lim_t, dtype=jnp.float32)
    return {"h": h, "edge_index": edge_index, "W_att": W_att, "b_att": b_att, "W_t": W_t, "b_t": b_t}

def reference(h, edge_index, W_att, b_att, W_t, b_t):
    src = edge_index[0]
    dst = edge_index[1]
    h_src = jnp.take(h, src, axis=0)          # [E, D] gather
    h_dst = jnp.take(h, dst, axis=0)          # [E, D] gather
    edge_feat = jnp.concatenate([h_src, h_dst], axis=1)  # [E, 2D]
    logits = edge_feat @ W_att.T + b_att      # [E, 1]
    logits = jax.nn.leaky_relu(logits, negative_slope=0.2)
    att = jax.nn.softmax(logits.reshape(-1), axis=0)     # global softmax over all edges [E]
    msg = h_src * att[:, None]                # [E, D]
    h_agg = jnp.zeros_like(h).at[dst].add(msg)  # scatter-add into dst nodes
    h_new = jax.nn.relu(h_agg @ W_t.T + b_t)
    # dropout is identity in eval mode
    h_new = h_new + h                         # residual (requires out_dim == in_dim)
    return (h_new, att)

if __name__ == "__main__":
    import jax
    _d = setup_inputs()
    print(jax.jit(kernel)(*tuple(_d.values())))

</pallas_src>

<mosaic_0001>
#map = affine_map<(d0, d1) -> (0)>
#map1 = affine_map<(d0, d1) -> (0, 0, 0)>
module attributes {stable_mosaic.version = 14 : i64} {
  func.func @_logits_k(%arg0: i32, %arg1: i32, %arg2: memref<10000xf32, #tpu.memory_space<hbm>>, %arg3: memref<10000xf32, #tpu.memory_space<hbm>>, %arg4: memref<32x125x80xi32, #tpu.memory_space<hbm>>, %arg5: memref<32x125x80xi32, #tpu.memory_space<hbm>>, %arg6: memref<32x125x80xf32, #tpu.memory_space<hbm>>, %arg7: memref<10000xf32, #tpu.memory_space<vmem>>, %arg8: memref<10000xf32, #tpu.memory_space<vmem>>, %arg9: memref<125x80xi32, #tpu.memory_space<vmem>>, %arg10: memref<125x80xi32, #tpu.memory_space<vmem>>, %arg11: memref<125x80xf32, #tpu.memory_space<vmem>>) attributes {dimension_semantics = [#tpu.dimension_semantics<core_parallel>, #tpu.dimension_semantics<subcore_parallel>], iteration_bounds = array<i64: 2, 16>, scalar_prefetch = 0 : i64, scratch_operands = 5 : i64, tpu.core_type = #tpu.core_type<sc_vector_subcore>, window_params = [{transform_indices = #map}, {transform_indices = #map}, {transform_indices = #map1}, {transform_indices = #map1}, {transform_indices = #map1}]} {
    %mul3A = arith.constant 16 : i32
    %mul3A_0 = arith.muli %arg0, %mul3A : i32
    %add3A = arith.addi %mul3A_0, %arg1 : i32
    "tpu.region"() ({
      %run_scoped3A = tpu.sem_alloc : memref<!tpu.dma_semaphore, #tpu.memory_space<semaphore_mem>>
      tpu.enqueue_dma source(%arg2 : memref<10000xf32, #tpu.memory_space<hbm>>) target(%arg7 : memref<10000xf32, #tpu.memory_space<vmem>>) target_semaphore(%run_scoped3A : memref<!tpu.dma_semaphore, #tpu.memory_space<semaphore_mem>>)
      tpu.wait_dma2 semaphore(%run_scoped3A : memref<!tpu.dma_semaphore, #tpu.memory_space<semaphore_mem>>) src(%arg2 : memref<10000xf32, #tpu.memory_space<hbm>>) dst(%arg7 : memref<10000xf32, #tpu.memory_space<vmem>>)
      tpu.yield
    }) : () -> ()
    "tpu.region"() ({
      %run_scoped3A = tpu.sem_alloc : memref<!tpu.dma_semaphore, #tpu.memory_space<semaphore_mem>>
      tpu.enqueue_dma source(%arg3 : memref<10000xf32, #tpu.memory_space<hbm>>) target(%arg8 : memref<10000xf32, #tpu.memory_space<vmem>>) target_semaphore(%run_scoped3A : memref<!tpu.dma_semaphore, #tpu.memory_space<semaphore_mem>>)
      tpu.wait_dma2 semaphore(%run_scoped3A : memref<!tpu.dma_semaphore, #tpu.memory_space<semaphore_mem>>) src(%arg3 : memref<10000xf32, #tpu.memory_space<hbm>>) dst(%arg8 : memref<10000xf32, #tpu.memory_space<vmem>>)
      tpu.yield
    }) : () -> ()
    "tpu.region"() ({
      %run_scoped3A = tpu.sem_alloc : memref<!tpu.dma_semaphore, #tpu.memory_space<semaphore_mem>>
      %dma_start3A = arith.constant 0 : i32
      %dma_start3A_6 = arith.constant 0 : i32
      %dma_start3A_7 = tpu.memref_slice %arg4[%add3A, %dma_start3A, %dma_start3A_6] : memref<32x125x80xi32, #tpu.memory_space<hbm>> -> memref<1x125x80xi32, #tpu.memory_space<hbm>>
      %dma_start3A_8 = tpu.memref_squeeze %dma_start3A_7 : memref<1x125x80xi32, #tpu.memory_space<hbm>> -> memref<125x80xi32, #tpu.memory_space<hbm>>
      %dma_start3A_9 = arith.constant 0 : i32
      %dma_start3A_10 = arith.constant 0 : i32
      %dma_start3A_11 = tpu.memref_slice %arg4[%add3A, %dma_start3A_9, %dma_start3A_10] : memref<32x125x80xi32, #tpu.memory_space<hbm>> -> memref<1x125x80xi32, #tpu.memory_space<hbm>>
      %dma_start3A_12 = tpu.memref_squeeze %dma_start3A_11 : memref<1x125x80xi32, #tpu.memory_space<hbm>> -> memref<125x80xi32, #tpu.memory_space<hbm>>
      tpu.enqueue_dma source(%dma_start3A_12 : memref<125x80xi32, #tpu.memory_space<hbm>>) target(%arg9 : memref<125x80xi32, #tpu.memory_space<vmem>>) target_semaphore(%run_scoped3A : memref<!tpu.dma_semaphore, #tpu.memory_space<semaphore_mem>>)
      %dma_wait3A = arith.constant 0 : i32
      %dma_wait3A_13 = arith.constant 0 : i32
      %dma_wait3A_14 = tpu.memref_slice %arg4[%add3A, %dma_wait3A, %dma_wait3A_13] : memref<32x125x80xi32, #tpu.memory_space<hbm>> -> memref<1x125x80xi32, #tpu.memory_space<hbm>>
      %dma_wait3A_15 = tpu.memref_squeeze %dma_wait3A_14 : memref<1x125x80xi32, #tpu.memory_space<hbm>> -> memref<125x80xi32, #tpu.memory_space<hbm>>
      %dma_wait3A_16 = arith.constant 0 : i32
      %dma_wait3A_17 = arith.constant 0 : i32
      %dma_wait3A_18 = tpu.memref_slice %arg4[%add3A, %dma_wait3A_16, %dma_wait3A_17] : memref<32x125x80xi32, #tpu.memory_space<hbm>> -> memref<1x125x80xi32, #tpu.memory_space<hbm>>
      %dma_wait3A_19 = tpu.memref_squeeze %dma_wait3A_18 : memref<1x125x80xi32, #tpu.memory_space<hbm>> -> memref<125x80xi32, #tpu.memory_space<hbm>>
      tpu.wait_dma2 semaphore(%run_scoped3A : memref<!tpu.dma_semaphore, #tpu.memory_space<semaphore_mem>>) src(%dma_wait3A_19 : memref<125x80xi32, #tpu.memory_space<hbm>>) dst(%arg9 : memref<125x80xi32, #tpu.memory_space<vmem>>)
      tpu.yield
    }) : () -> ()
    "tpu.region"() ({
      %run_scoped3A = tpu.sem_alloc : memref<!tpu.dma_semaphore, #tpu.memory_space<semaphore_mem>>
      %dma_start3A = arith.constant 0 : i32
      %dma_start3A_6 = arith.constant 0 : i32
      %dma_start3A_7 = tpu.memref_slice %arg5[%add3A, %dma_start3A, %dma_start3A_6] : memref<32x125x80xi32, #tpu.memory_space<hbm>> -> memref<1x125x80xi32, #tpu.memory_space<hbm>>
      %dma_start3A_8 = tpu.memref_squeeze %dma_start3A_7 : memref<1x125x80xi32, #tpu.memory_space<hbm>> -> memref<125x80xi32, #tpu.memory_space<hbm>>
      %dma_start3A_9 = arith.constant 0 : i32
      %dma_start3A_10 = arith.constant 0 : i32
      %dma_start3A_11 = tpu.memref_slice %arg5[%add3A, %dma_start3A_9, %dma_start3A_10] : memref<32x125x80xi32, #tpu.memory_space<hbm>> -> memref<1x125x80xi32, #tpu.memory_space<hbm>>
      %dma_start3A_12 = tpu.memref_squeeze %dma_start3A_11 : memref<1x125x80xi32, #tpu.memory_space<hbm>> -> memref<125x80xi32, #tpu.memory_space<hbm>>
      tpu.enqueue_dma source(%dma_start3A_12 : memref<125x80xi32, #tpu.memory_space<hbm>>) target(%arg10 : memref<125x80xi32, #tpu.memory_space<vmem>>) target_semaphore(%run_scoped3A : memref<!tpu.dma_semaphore, #tpu.memory_space<semaphore_mem>>)
      %dma_wait3A = arith.constant 0 : i32
      %dma_wait3A_13 = arith.constant 0 : i32
      %dma_wait3A_14 = tpu.memref_slice %arg5[%add3A, %dma_wait3A, %dma_wait3A_13] : memref<32x125x80xi32, #tpu.memory_space<hbm>> -> memref<1x125x80xi32, #tpu.memory_space<hbm>>
      %dma_wait3A_15 = tpu.memref_squeeze %dma_wait3A_14 : memref<1x125x80xi32, #tpu.memory_space<hbm>> -> memref<125x80xi32, #tpu.memory_space<hbm>>
      %dma_wait3A_16 = arith.constant 0 : i32
      %dma_wait3A_17 = arith.constant 0 : i32
      %dma_wait3A_18 = tpu.memref_slice %arg5[%add3A, %dma_wait3A_16, %dma_wait3A_17] : memref<32x125x80xi32, #tpu.memory_space<hbm>> -> memref<1x125x80xi32, #tpu.memory_space<hbm>>
      %dma_wait3A_19 = tpu.memref_squeeze %dma_wait3A_18 : memref<1x125x80xi32, #tpu.memory_space<hbm>> -> memref<125x80xi32, #tpu.memory_space<hbm>>
      tpu.wait_dma2 semaphore(%run_scoped3A : memref<!tpu.dma_semaphore, #tpu.memory_space<semaphore_mem>>) src(%dma_wait3A_19 : memref<125x80xi32, #tpu.memory_space<hbm>>) dst(%arg10 : memref<125x80xi32, #tpu.memory_space<vmem>>)
      tpu.yield
    }) : () -> ()
    %scan3A = arith.constant 0 : i32
    %scan3A_1 = arith.constant 0 : i32
    %scan3A_2 = arith.constant 125 : i32
    %scan3A_3 = arith.addi %scan3A_1, %scan3A_2 : i32
    %scan3A_4 = arith.constant 1 : i32
    scf.for %scan3A_6 = %scan3A_1 to %scan3A_3 step %scan3A_4  : i32 {
      %get3A = arith.index_cast %scan3A_6 : i32 to index
      %get3A_7 = arith.constant 0 : index
      %get3A_8 = tpu.vector_load %arg9[%get3A, %get3A_7] {strides = array<i32>} : memref<125x80xi32, #tpu.memory_space<vmem>>, vector<16xi32>,
      %get3A_9 = arith.index_cast %scan3A_6 : i32 to index
      %get3A_10 = arith.constant 0 : index
      %get3A_11 = tpu.vector_load %arg10[%get3A_9, %get3A_10] {strides = array<i32>} : memref<125x80xi32, #tpu.memory_space<vmem>>, vector<16xi32>,
      %gather3A = tpu.vector_load_idx %arg7[%get3A_8] : memref<10000xf32, #tpu.memory_space<vmem>>[vector<16xi32>], vector<16xf32>,
      %gather3A_12 = tpu.vector_load_idx %arg8[%get3A_11] : memref<10000xf32, #tpu.memory_space<vmem>>[vector<16xi32>], vector<16xf32>,
      %add3A_13 = arith.addf %gather3A, %gather3A_12 : vector<16xf32>
      %mul3A_14 = arith.constant 2.000000e-01 : f32
      %mul3A_15 = vector.broadcast %mul3A_14 : f32 to vector<16xf32>
      %mul3A_16 = arith.mulf %mul3A_15, %add3A_13 : vector<16xf32>
      %max3A = arith.maximumf %add3A_13, %mul3A_16 : vector<16xf32>
      %swap3A = arith.index_cast %scan3A_6 : i32 to index
      %swap3A_17 = arith.constant 0 : index
      %swap3A_18 = tpu.vector_load %arg11[%swap3A, %swap3A_17] {strides = array<i32>} : memref<125x80xf32, #tpu.memory_space<vmem>>, vector<16xf32>,
      tpu.vector_store %arg11[%swap3A, %swap3A_17], %max3A {strides = array<i32>} : memref<125x80xf32, #tpu.memory_space<vmem>>, vector<16xf32>,
      %get3A_19 = arith.index_cast %scan3A_6 : i32 to index
      %get3A_20 = arith.constant 16 : index
      %get3A_21 = tpu.vector_load %arg9[%get3A_19, %get3A_20] {strides = array<i32>} : memref<125x80xi32, #tpu.memory_space<vmem>>, vector<16xi32>,
      %get3A_22 = arith.index_cast %scan3A_6 : i32 to index
      %get3A_23 = arith.constant 16 : index
      %get3A_24 = tpu.vector_load %arg10[%get3A_22, %get3A_23] {strides = array<i32>} : memref<125x80xi32, #tpu.memory_space<vmem>>, vector<16xi32>,
      %gather3A_25 = tpu.vector_load_idx %arg7[%get3A_21] : memref<10000xf32, #tpu.memory_space<vmem>>[vector<16xi32>], vector<16xf32>,
      %gather3A_26 = tpu.vector_load_idx %arg8[%get3A_24] : memref<10000xf32, #tpu.memory_space<vmem>>[vector<16xi32>], vector<16xf32>,
      %add3A_27 = arith.addf %gather3A_25, %gather3A_26 : vector<16xf32>
      %mul3A_28 = arith.constant 2.000000e-01 : f32
      %mul3A_29 = vector.broadcast %mul3A_28 : f32 to vector<16xf32>
      %mul3A_30 = arith.mulf %mul3A_29, %add3A_27 : vector<16xf32>
      %max3A_31 = arith.maximumf %add3A_27, %mul3A_30 : vector<16xf32>
      %swap3A_32 = arith.index_cast %scan3A_6 : i32 to index
      %swap3A_33 = arith.constant 16 : index
      %swap3A_34 = tpu.vector_load %arg11[%swap3A_32, %swap3A_33] {strides = array<i32>} : memref<125x80xf32, #tpu.memory_space<vmem>>, vector<16xf32>,
      tpu.vector_store %arg11[%swap3A_32, %swap3A_33], %max3A_31 {strides = array<i32>} : memref<125x80xf32, #tpu.memory_space<vmem>>, vector<16xf32>,
      %get3A_35 = arith.index_cast %scan3A_6 : i32 to index
      %get3A_36 = arith.constant 32 : index
      %get3A_37 = tpu.vector_load %arg9[%get3A_35, %get3A_36] {strides = array<i32>} : memref<125x80xi32, #tpu.memory_space<vmem>>, vector<16xi32>,
      %get3A_38 = arith.index_cast %scan3A_6 : i32 to index
      %get3A_39 = arith.constant 32 : index
      %get3A_40 = tpu.vector_load %arg10[%get3A_38, %get3A_39] {strides = array<i32>} : memref<125x80xi32, #tpu.memory_space<vmem>>, vector<16xi32>,
      %gather3A_41 = tpu.vector_load_idx %arg7[%get3A_37] : memref<10000xf32, #tpu.memory_space<vmem>>[vector<16xi32>], vector<16xf32>,
      %gather3A_42 = tpu.vector_load_idx %arg8[%get3A_40] : memref<10000xf32, #tpu.memory_space<vmem>>[vector<16xi32>], vector<16xf32>,
      %add3A_43 = arith.addf %gather3A_41, %gather3A_42 : vector<16xf32>
      %mul3A_44 = arith.constant 2.000000e-01 : f32
      %mul3A_45 = vector.broadcast %mul3A_44 : f32 to vector<16xf32>
      %mul3A_46 = arith.mulf %mul3A_45, %add3A_43 : vector<16xf32>
      %max3A_47 = arith.maximumf %add3A_43, %mul3A_46 : vector<16xf32>
      %swap3A_48 = arith.index_cast %scan3A_6 : i32 to index
      %swap3A_49 = arith.constant 32 : index
      %swap3A_50 = tpu.vector_load %arg11[%swap3A_48, %swap3A_49] {strides = array<i32>} : memref<125x80xf32, #tpu.memory_space<vmem>>, vector<16xf32>,
      tpu.vector_store %arg11[%swap3A_48, %swap3A_49], %max3A_47 {strides = array<i32>} : memref<125x80xf32, #tpu.memory_space<vmem>>, vector<16xf32>,
      %get3A_51 = arith.index_cast %scan3A_6 : i32 to index
      %get3A_52 = arith.constant 48 : index
      %get3A_53 = tpu.vector_load %arg9[%get3A_51, %get3A_52] {strides = array<i32>} : memref<125x80xi32, #tpu.memory_space<vmem>>, vector<16xi32>,
      %get3A_54 = arith.index_cast %scan3A_6 : i32 to index
      %get3A_55 = arith.constant 48 : index
      %get3A_56 = tpu.vector_load %arg10[%get3A_54, %get3A_55] {strides = array<i32>} : memref<125x80xi32, #tpu.memory_space<vmem>>, vector<16xi32>,
      %gather3A_57 = tpu.vector_load_idx %arg7[%get3A_53] : memref<10000xf32, #tpu.memory_space<vmem>>[vector<16xi32>], vector<16xf32>,
      %gather3A_58 = tpu.vector_load_idx %arg8[%get3A_56] : memref<10000xf32, #tpu.memory_space<vmem>>[vector<16xi32>], vector<16xf32>,
      %add3A_59 = arith.addf %gather3A_57, %gather3A_58 : vector<16xf32>
      %mul3A_60 = arith.constant 2.000000e-01 : f32
      %mul3A_61 = vector.broadcast %mul3A_60 : f32 to vector<16xf32>
      %mul3A_62 = arith.mulf %mul3A_61, %add3A_59 : vector<16xf32>
      %max3A_63 = arith.maximumf %add3A_59, %mul3A_62 : vector<16xf32>
      %swap3A_64 = arith.index_cast %scan3A_6 : i32 to index
      %swap3A_65 = arith.constant 48 : index
      %swap3A_66 = tpu.vector_load %arg11[%swap3A_64, %swap3A_65] {strides = array<i32>} : memref<125x80xf32, #tpu.memory_space<vmem>>, vector<16xf32>,
      tpu.vector_store %arg11[%swap3A_64, %swap3A_65], %max3A_63 {strides = array<i32>} : memref<125x80xf32, #tpu.memory_space<vmem>>, vector<16xf32>,
      %get3A_67 = arith.index_cast %scan3A_6 : i32 to index
      %get3A_68 = arith.constant 64 : index
      %get3A_69 = tpu.vector_load %arg9[%get3A_67, %get3A_68] {strides = array<i32>} : memref<125x80xi32, #tpu.memory_space<vmem>>, vector<16xi32>,
      %get3A_70 = arith.index_cast %scan3A_6 : i32 to index
      %get3A_71 = arith.constant 64 : index
      %get3A_72 = tpu.vector_load %arg10[%get3A_70, %get3A_71] {strides = array<i32>} : memref<125x80xi32, #tpu.memory_space<vmem>>, vector<16xi32>,
      %gather3A_73 = tpu.vector_load_idx %arg7[%get3A_69] : memref<10000xf32, #tpu.memory_space<vmem>>[vector<16xi32>], vector<16xf32>,
      %gather3A_74 = tpu.vector_load_idx %arg8[%get3A_72] : memref<10000xf32, #tpu.memory_space<vmem>>[vector<16xi32>], vector<16xf32>,
      %add3A_75 = arith.addf %gather3A_73, %gather3A_74 : vector<16xf32>
      %mul3A_76 = arith.constant 2.000000e-01 : f32
      %mul3A_77 = vector.broadcast %mul3A_76 : f32 to vector<16xf32>
      %mul3A_78 = arith.mulf %mul3A_77, %add3A_75 : vector<16xf32>
      %max3A_79 = arith.maximumf %add3A_75, %mul3A_78 : vector<16xf32>
      %swap3A_80 = arith.index_cast %scan3A_6 : i32 to index
      %swap3A_81 = arith.constant 64 : index
      %swap3A_82 = tpu.vector_load %arg11[%swap3A_80, %swap3A_81] {strides = array<i32>} : memref<125x80xf32, #tpu.memory_space<vmem>>, vector<16xf32>,
      tpu.vector_store %arg11[%swap3A_80, %swap3A_81], %max3A_79 {strides = array<i32>} : memref<125x80xf32, #tpu.memory_space<vmem>>, vector<16xf32>,
    }
    %scan3A_5 = arith.constant 125 : i32
    "tpu.region"() ({
      %run_scoped3A = tpu.sem_alloc : memref<!tpu.dma_semaphore, #tpu.memory_space<semaphore_mem>>
      %dma_start3A = arith.constant 0 : i32
      %dma_start3A_6 = arith.constant 0 : i32
      %dma_start3A_7 = tpu.memref_slice %arg6[%add3A, %dma_start3A, %dma_start3A_6] : memref<32x125x80xf32, #tpu.memory_space<hbm>> -> memref<1x125x80xf32, #tpu.memory_space<hbm>>
      %dma_start3A_8 = tpu.memref_squeeze %dma_start3A_7 : memref<1x125x80xf32, #tpu.memory_space<hbm>> -> memref<125x80xf32, #tpu.memory_space<hbm>>
      %dma_start3A_9 = arith.constant 0 : i32
      %dma_start3A_10 = arith.constant 0 : i32
      %dma_start3A_11 = tpu.memref_slice %arg6[%add3A, %dma_start3A_9, %dma_start3A_10] : memref<32x125x80xf32, #tpu.memory_space<hbm>> -> memref<1x125x80xf32, #tpu.memory_space<hbm>>
      %dma_start3A_12 = tpu.memref_squeeze %dma_start3A_11 : memref<1x125x80xf32, #tpu.memory_space<hbm>> -> memref<125x80xf32, #tpu.memory_space<hbm>>
      tpu.enqueue_dma source(%arg11 : memref<125x80xf32, #tpu.memory_space<vmem>>) target(%dma_start3A_12 : memref<125x80xf32, #tpu.memory_space<hbm>>) target_semaphore(%run_scoped3A : memref<!tpu.dma_semaphore, #tpu.memory_space<semaphore_mem>>)
      %dma_wait3A = arith.constant 0 : i32
      %dma_wait3A_13 = arith.constant 0 : i32
      %dma_wait3A_14 = tpu.memref_slice %arg6[%add3A, %dma_wait3A, %dma_wait3A_13] : memref<32x125x80xf32, #tpu.memory_space<hbm>> -> memref<1x125x80xf32, #tpu.memory_space<hbm>>
      %dma_wait3A_15 = tpu.memref_squeeze %dma_wait3A_14 : memref<1x125x80xf32, #tpu.memory_space<hbm>> -> memref<125x80xf32, #tpu.memory_space<hbm>>
      %dma_wait3A_16 = arith.constant 0 : i32
      %dma_wait3A_17 = arith.constant 0 : i32
      %dma_wait3A_18 = tpu.memref_slice %arg6[%add3A, %dma_wait3A_16, %dma_wait3A_17] : memref<32x125x80xf32, #tpu.memory_space<hbm>> -> memref<1x125x80xf32, #tpu.memory_space<hbm>>
      %dma_wait3A_19 = tpu.memref_squeeze %dma_wait3A_18 : memref<1x125x80xf32, #tpu.memory_space<hbm>> -> memref<125x80xf32, #tpu.memory_space<hbm>>
      tpu.wait_dma2 semaphore(%run_scoped3A : memref<!tpu.dma_semaphore, #tpu.memory_space<semaphore_mem>>) src(%arg11 : memref<125x80xf32, #tpu.memory_space<vmem>>) dst(%dma_wait3A_19 : memref<125x80xf32, #tpu.memory_space<hbm>>)
      tpu.yield
    }) : () -> ()
    return
  }
}

#map = affine_map<(d0, d1) -> (0, 0)>
#map1 = affine_map<(d0, d1) -> (0, 0, 0, 0)>
#map2 = affine_map<(d0, d1) -> (0, 0, 0)>
module attributes {stable_mosaic.version = 14 : i64} {
  func.func @_scatter_k(%arg0: i32, %arg1: i32, %arg2: memref<10000x128xf32, #tpu.memory_space<hbm>>, %arg3: memref<32x5x25x80xi32, #tpu.memory_space<hbm>>, %arg4: memref<32x5x25x80xi32, #tpu.memory_space<hbm>>, %arg5: memref<32x5x25x80xf32, #tpu.memory_space<hbm>>, %arg6: memref<2x10000x128xf32, #tpu.memory_space<hbm>>, %arg7: memref<25x80xi32, #tpu.memory_space<vmem>>, %arg8: memref<25x80xi32, #tpu.memory_space<vmem>>, %arg9: memref<25x80xf32, #tpu.memory_space<vmem>>, %arg10: memref<80x128xf32, #tpu.memory_space<vmem>>, %arg11: memref<10000x128xf32, #tpu.memory_space<vmem_shared>>, %arg12: memref<!tpu.dma_semaphore, #tpu.memory_space<semaphore_mem>>) attributes {dimension_semantics = [#tpu.dimension_semantics<core_parallel>, #tpu.dimension_semantics<subcore_parallel>], iteration_bounds = array<i64: 2, 16>, scalar_prefetch = 0 : i64, scratch_operands = 6 : i64, tpu.core_type = #tpu.core_type<sc_vector_subcore>, window_params = [{transform_indices = #map}, {transform_indices = #map1}, {transform_indices = #map1}, {transform_indices = #map1}, {transform_indices = #map2}]} {
    %mul3A = arith.constant 16 : i32
    %mul3A_0 = arith.muli %arg0, %mul3A : i32
    %add3A = arith.addi %mul3A_0, %arg1 : i32
    %scan3A = arith.constant 0 : i32
    %scan3A_1 = arith.constant 0 : i32
    %scan3A_2 = arith.constant 80 : i32
    %scan3A_3 = arith.addi %scan3A_1, %scan3A_2 : i32
    %scan3A_4 = arith.constant 1 : i32
    scf.for %scan3A_122 = %scan3A_1 to %scan3A_3 step %scan3A_4  : i32 {
      %broadcast_in_dim3A = arith.constant 0.000000e+00 : f32
      %broadcast_in_dim3A_123 = vector.broadcast %broadcast_in_dim3A : f32 to vector<16xf32>
      %swap3A = arith.index_cast %scan3A_122 : i32 to index
      %swap3A_124 = arith.constant 0 : index
      %swap3A_125 = tpu.vector_load %arg10[%swap3A, %swap3A_124] {strides = array<i32>} : memref<80x128xf32, #tpu.memory_space<vmem>>, vector<16xf32>,
      tpu.vector_store %arg10[%swap3A, %swap3A_124], %broadcast_in_dim3A_123 {strides = array<i32>} : memref<80x128xf32, #tpu.memory_space<vmem>>, vector<16xf32>,
      %broadcast_in_dim3A_126 = arith.constant 0.000000e+00 : f32
      %broadcast_in_dim3A_127 = vector.broadcast %broadcast_in_dim3A_126 : f32 to vector<16xf32>
      %swap3A_128 = arith.index_cast %scan3A_122 : i32 to index
      %swap3A_129 = arith.constant 16 : index
      %swap3A_130 = tpu.vector_load %arg10[%swap3A_128, %swap3A_129] {strides = array<i32>} : memref<80x128xf32, #tpu.memory_space<vmem>>, vector<16xf32>,
      tpu.vector_store %arg10[%swap3A_128, %swap3A_129], %broadcast_in_dim3A_127 {strides = array<i32>} : memref<80x128xf32, #tpu.memory_space<vmem>>, vector<16xf32>,
      %broadcast_in_dim3A_131 = arith.constant 0.000000e+00 : f32
      %broadcast_in_dim3A_132 = vector.broadcast %broadcast_in_dim3A_131 : f32 to vector<16xf32>
      %swap3A_133 = arith.index_cast %scan3A_122 : i32 to index
      %swap3A_134 = arith.constant 32 : index
      %swap3A_135 = tpu.vector_load %arg10[%swap3A_133, %swap3A_134] {strides = array<i32>} : memref<80x128xf32, #tpu.memory_space<vmem>>, vector<16xf32>,
      tpu.vector_store %arg10[%swap3A_133, %swap3A_134], %broadcast_in_dim3A_132 {strides = array<i32>} : memref<80x128xf32, #tpu.memory_space<vmem>>, vector<16xf32>,
      %broadcast_in_dim3A_136 = arith.constant 0.000000e+00 : f32
      %broadcast_in_dim3A_137 = vector.broadcast %broadcast_in_dim3A_136 : f32 to vector<16xf32>
      %swap3A_138 = arith.index_cast %scan3A_122 : i32 to index
      %swap3A_139 = arith.constant 48 : index
      %swap3A_140 = tpu.vector_load %arg10[%swap3A_138, %swap3A_139] {strides = array<i32>} : memref<80x128xf32, #tpu.memory_space<vmem>>, vector<16xf32>,
      tpu.vector_store %arg10[%swap3A_138, %swap3A_139], %broadcast_in_dim3A_137 {strides = array<i32>} : memref<80x128xf32, #tpu.memory_space<vmem>>, vector<16xf32>,
      %broadcast_in_dim3A_141 = arith.constant 0.000000e+00 : f32
      %broadcast_in_dim3A_142 = vector.broadcast %broadcast_in_dim3A_141 : f32 to vector<16xf32>
      %swap3A_143 = arith.index_cast %scan3A_122 : i32 to index
      %swap3A_144 = arith.constant 64 : index
      %swap3A_145 = tpu.vector_load %arg10[%swap3A_143, %swap3A_144] {strides = array<i32>} : memref<80x128xf32, #tpu.memory_space<vmem>>, vector<16xf32>,
      tpu.vector_store %arg10[%swap3A_143, %swap3A_144], %broadcast_in_dim3A_142 {strides = array<i32>} : memref<80x128xf32, #tpu.memory_space<vmem>>, vector<16xf32>,
      %broadcast_in_dim3A_146 = arith.constant 0.000000e+00 : f32
      %broadcast_in_dim3A_147 = vector.broadcast %broadcast_in_dim3A_146 : f32 to vector<16xf32>
      %swap3A_148 = arith.index_cast %scan3A_122 : i32 to index
      %swap3A_149 = arith.constant 80 : index
      %swap3A_150 = tpu.vector_load %arg10[%swap3A_148, %swap3A_149] {strides = array<i32>} : memref<80x128xf32, #tpu.memory_space<vmem>>, vector<16xf32>,
      tpu.vector_store %arg10[%swap3A_148, %swap3A_149], %broadcast_in_dim3A_147 {strides = array<i32>} : memref<80x128xf32, #tpu.memory_space<vmem>>, vector<16xf32>,
      %broadcast_in_dim3A_151 = arith.constant 0.000000e+00 : f32
      %broadcast_in_dim3A_152 = vector.broadcast %broadcast_in_dim3A_151 : f32 to vector<16xf32>
      %swap3A_153 = arith.index_cast %scan3A_122 : i32 to index
      %swap3A_154 = arith.constant 96 : index
      %swap3A_155 = tpu.vector_load %arg10[%swap3A_153, %swap3A_154] {strides = array<i32>} : memref<80x128xf32, #tpu.memory_space<vmem>>, vector<16xf32>,
      tpu.vector_store %arg10[%swap3A_153, %swap3A_154], %broadcast_in_dim3A_152 {strides = array<i32>} : memref<80x128xf32, #tpu.memory_space<vmem>>, vector<16xf32>,
      %broadcast_in_dim3A_156 = arith.constant 0.000000e+00 : f32
      %broadcast_in_dim3A_157 = vector.broadcast %broadcast_in_dim3A_156 : f32 to vector<16xf32>
      %swap3A_158 = arith.index_cast %scan3A_122 : i32 to index
      %swap3A_159 = arith.constant 112 : index
      %swap3A_160 = tpu.vector_load %arg10[%swap3A_158, %swap3A_159] {strides = array<i32>} : memref<80x128xf32, #tpu.memory_space<vmem>>, vector<16xf32>,
      tpu.vector_store %arg10[%swap3A_158, %swap3A_159], %broadcast_in_dim3A_157 {strides = array<i32>} : memref<80x128xf32, #tpu.memory_space<vmem>>, vector<16xf32>,
    }
    %scan3A_5 = arith.constant 80 : i32
    %add3A_6 = arith.constant 0 : i32
    %add3A_7 = arith.addi %arg1, %add3A_6 : i32
    %lt3A = arith.constant 125 : i32
    %lt3A_8 = arith.cmpi slt, %add3A_7, %lt3A : i32
    %convert_element_type3A = arith.extui %lt3A_8 : i1 to i32
    %cond3A = arith.constant 0 : i32
    %cond3A_9 = arith.cmpi ne, %convert_element_type3A, %cond3A : i32
    scf.if %cond3A_9 {
      %mul3A_122 = arith.constant 80 : i32
      %mul3A_123 = arith.muli %add3A_7, %mul3A_122 : i32
      %multiple_of3A = tpu.assume_multiple %mul3A_123, 80 : i32
      "tpu.region"() ({
        %run_scoped3A = tpu.sem_alloc : memref<!tpu.dma_semaphore, #tpu.memory_space<semaphore_mem>>
        %dma_start3A = arith.constant 0 : i32
        %dma_start3A_124 = tpu.memref_slice %arg11[%multiple_of3A, %dma_start3A] : memref<10000x128xf32, #tpu.memory_space<vmem_shared>> -> memref<80x128xf32, #tpu.memory_space<vmem_shared>>
        %dma_start3A_125 = arith.constant 0 : i32
        %dma_start3A_126 = tpu.memref_slice %arg11[%multiple_of3A, %dma_start3A_125] : memref<10000x128xf32, #tpu.memory_space<vmem_shared>> -> memref<80x128xf32, #tpu.memory_space<vmem_shared>>
        tpu.enqueue_dma source(%arg10 : memref<80x128xf32, #tpu.memory_space<vmem>>) target(%dma_start3A_126 : memref<80x128xf32, #tpu.memory_space<vmem_shared>>) target_semaphore(%run_scoped3A : memref<!tpu.dma_semaphore, #tpu.memory_space<semaphore_mem>>)
        %dma_wait3A = arith.constant 0 : i32
        %dma_wait3A_127 = tpu.memref_slice %arg11[%multiple_of3A, %dma_wait3A] : memref<10000x128xf32, #tpu.memory_space<vmem_shared>> -> memref<80x128xf32, #tpu.memory_space<vmem_shared>>
        %dma_wait3A_128 = arith.constant 0 : i32
        %dma_wait3A_129 = tpu.memref_slice %arg11[%multiple_of3A, %dma_wait3A_128] : memref<10000x128xf32, #tpu.memory_space<vmem_shared>> -> memref<80x128xf32, #tpu.memory_space<vmem_shared>>
        tpu.wait_dma2 semaphore(%run_scoped3A : memref<!tpu.dma_semaphore, #tpu.memory_space<semaphore_mem>>) src(%arg10 : memref<80x128xf32, #tpu.memory_space<vmem>>) dst(%dma_wait3A_129 : memref<80x128xf32, #tpu.memory_space<vmem_shared>>)
        tpu.yield
      }) : () -> ()
    } else {
    }
    %add3A_10 = arith.constant 16 : i32
    %add3A_11 = arith.addi %arg1, %add3A_10 : i32
    %lt3A_12 = arith.constant 125 : i32
    %lt3A_13 = arith.cmpi slt, %add3A_11, %lt3A_12 : i32
    %convert_element_type3A_14 = arith.extui %lt3A_13 : i1 to i32
    %cond3A_15 = arith.constant 0 : i32
    %cond3A_16 = arith.cmpi ne, %convert_element_type3A_14, %cond3A_15 : i32
    scf.if %cond3A_16 {
      %mul3A_122 = arith.constant 80 : i32
      %mul3A_123 = arith.muli %add3A_11, %mul3A_122 : i32
      %multiple_of3A = tpu.assume_multiple %mul3A_123, 80 : i32
      "tpu.region"() ({
        %run_scoped3A = tpu.sem_alloc : memref<!tpu.dma_semaphore, #tpu.memory_space<semaphore_mem>>
        %dma_start3A = arith.constant 0 : i32
        %dma_start3A_124 = tpu.memref_slice %arg11[%multiple_of3A, %dma_start3A] : memref<10000x128xf32, #tpu.memory_space<vmem_shared>> -> memref<80x128xf32, #tpu.memory_space<vmem_shared>>
        %dma_start3A_125 = arith.constant 0 : i32
        %dma_start3A_126 = tpu.memref_slice %arg11[%multiple_of3A, %dma_start3A_125] : memref<10000x128xf32, #tpu.memory_space<vmem_shared>> -> memref<80x128xf32, #tpu.memory_space<vmem_shared>>
        tpu.enqueue_dma source(%arg10 : memref<80x128xf32, #tpu.memory_space<vmem>>) target(%dma_start3A_126 : memref<80x128xf32, #tpu.memory_space<vmem_shared>>) target_semaphore(%run_scoped3A : memref<!tpu.dma_semaphore, #tpu.memory_space<semaphore_mem>>)
        %dma_wait3A = arith.constant 0 : i32
        %dma_wait3A_127 = tpu.memref_slice %arg11[%multiple_of3A, %dma_wait3A] : memref<10000x128xf32, #tpu.memory_space<vmem_shared>> -> memref<80x128xf32, #tpu.memory_space<vmem_shared>>
        %dma_wait3A_128 = arith.constant 0 : i32
        %dma_wait3A_129 = tpu.memref_slice %arg11[%multiple_of3A, %dma_wait3A_128] : memref<10000x128xf32, #tpu.memory_space<vmem_shared>> -> memref<80x128xf32, #tpu.memory_space<vmem_shared>>
        tpu.wait_dma2 semaphore(%run_scoped3A : memref<!tpu.dma_semaphore, #tpu.memory_space<semaphore_mem>>) src(%arg10 : memref<80x128xf32, #tpu.memory_space<vmem>>) dst(%dma_wait3A_129 : memref<80x128xf32, #tpu.memory_space<vmem_shared>>)
        tpu.yield
      }) : () -> ()
    } else {
    }
    %add3A_17 = arith.constant 32 : i32
    %add3A_18 = arith.addi %arg1, %add3A_17 : i32
    %lt3A_19 = arith.constant 125 : i32
    %lt3A_20 = arith.cmpi slt, %add3A_18, %lt3A_19 : i32
    %convert_element_type3A_21 = arith.extui %lt3A_20 : i1 to i32
    %cond3A_22 = arith.constant 0 : i32
    %cond3A_23 = arith.cmpi ne, %convert_element_type3A_21, %cond3A_22 : i32
    scf.if %cond3A_23 {
      %mul3A_122 = arith.constant 80 : i32
      %mul3A_123 = arith.muli %add3A_18, %mul3A_122 : i32
      %multiple_of3A = tpu.assume_multiple %mul3A_123, 80 : i32
      "tpu.region"() ({
        %run_scoped3A = tpu.sem_alloc : memref<!tpu.dma_semaphore, #tpu.memory_space<semaphore_mem>>
        %dma_start3A = arith.constant 0 : i32
        %dma_start3A_124 = tpu.memref_slice %arg11[%multiple_of3A, %dma_start3A] : memref<10000x128xf32, #tpu.memory_space<vmem_shared>> -> memref<80x128xf32, #tpu.memory_space<vmem_shared>>
        %dma_start3A_125 = arith.constant 0 : i32
        %dma_start3A_126 = tpu.memref_slice %arg11[%multiple_of3A, %dma_start3A_125] : memref<10000x128xf32, #tpu.memory_space<vmem_shared>> -> memref<80x128xf32, #tpu.memory_space<vmem_shared>>
        tpu.enqueue_dma source(%arg10 : memref<80x128xf32, #tpu.memory_space<vmem>>) target(%dma_start3A_126 : memref<80x128xf32, #tpu.memory_space<vmem_shared>>) target_semaphore(%run_scoped3A : memref<!tpu.dma_semaphore, #tpu.memory_space<semaphore_mem>>)
        %dma_wait3A = arith.constant 0 : i32
        %dma_wait3A_127 = tpu.memref_slice %arg11[%multiple_of3A, %dma_wait3A] : memref<10000x128xf32, #tpu.memory_space<vmem_shared>> -> memref<80x128xf32, #tpu.memory_space<vmem_shared>>
        %dma_wait3A_128 = arith.constant 0 : i32
        %dma_wait3A_129 = tpu.memref_slice %arg11[%multiple_of3A, %dma_wait3A_128] : memref<10000x128xf32, #tpu.memory_space<vmem_shared>> -> memref<80x128xf32, #tpu.memory_space<vmem_shared>>
        tpu.wait_dma2 semaphore(%run_scoped3A : memref<!tpu.dma_semaphore, #tpu.memory_space<semaphore_mem>>) src(%arg10 : memref<80x128xf32, #tpu.memory_space<vmem>>) dst(%dma_wait3A_129 : memref<80x128xf32, #tpu.memory_space<vmem_shared>>)
        tpu.yield
      }) : () -> ()
    } else {
    }
    %add3A_24 = arith.constant 48 : i32
    %add3A_25 = arith.addi %arg1, %add3A_24 : i32
    %lt3A_26 = arith.constant 125 : i32
    %lt3A_27 = arith.cmpi slt, %add3A_25, %lt3A_26 : i32
    %convert_element_type3A_28 = arith.extui %lt3A_27 : i1 to i32
    %cond3A_29 = arith.constant 0 : i32
    %cond3A_30 = arith.cmpi ne, %convert_element_type3A_28, %cond3A_29 : i32
    scf.if %cond3A_30 {
      %mul3A_122 = arith.constant 80 : i32
      %mul3A_123 = arith.muli %add3A_25, %mul3A_122 : i32
      %multiple_of3A = tpu.assume_multiple %mul3A_123, 80 : i32
      "tpu.region"() ({
        %run_scoped3A = tpu.sem_alloc : memref<!tpu.dma_semaphore, #tpu.memory_space<semaphore_mem>>
        %dma_start3A = arith.constant 0 : i32
        %dma_start3A_124 = tpu.memref_slice %arg11[%multiple_of3A, %dma_start3A] : memref<10000x128xf32, #tpu.memory_space<vmem_shared>> -> memref<80x128xf32, #tpu.memory_space<vmem_shared>>
        %dma_start3A_125 = arith.constant 0 : i32
        %dma_start3A_126 = tpu.memref_slice %arg11[%multiple_of3A, %dma_start3A_125] : memref<10000x128xf32, #tpu.memory_space<vmem_shared>> -> memref<80x128xf32, #tpu.memory_space<vmem_shared>>
        tpu.enqueue_dma source(%arg10 : memref<80x128xf32, #tpu.memory_space<vmem>>) target(%dma_start3A_126 : memref<80x128xf32, #tpu.memory_space<vmem_shared>>) target_semaphore(%run_scoped3A : memref<!tpu.dma_semaphore, #tpu.memory_space<semaphore_mem>>)
        %dma_wait3A = arith.constant 0 : i32
        %dma_wait3A_127 = tpu.memref_slice %arg11[%multiple_of3A, %dma_wait3A] : memref<10000x128xf32, #tpu.memory_space<vmem_shared>> -> memref<80x128xf32, #tpu.memory_space<vmem_shared>>
        %dma_wait3A_128 = arith.constant 0 : i32
        %dma_wait3A_129 = tpu.memref_slice %arg11[%multiple_of3A, %dma_wait3A_128] : memref<10000x128xf32, #tpu.memory_space<vmem_shared>> -> memref<80x128xf32, #tpu.memory_space<vmem_shared>>
        tpu.wait_dma2 semaphore(%run_scoped3A : memref<!tpu.dma_semaphore, #tpu.memory_space<semaphore_mem>>) src(%arg10 : memref<80x128xf32, #tpu.memory_space<vmem>>) dst(%dma_wait3A_129 : memref<80x128xf32, #tpu.memory_space<vmem_shared>>)
        tpu.yield
      }) : () -> ()
    } else {
    }
    %add3A_31 = arith.constant 64 : i32
    %add3A_32 = arith.addi %arg1, %add3A_31 : i32
    %lt3A_33 = arith.constant 125 : i32
    %lt3A_34 = arith.cmpi slt, %add3A_32, %lt3A_33 : i32
    %convert_element_type3A_35 = arith.extui %lt3A_34 : i1 to i32
    %cond3A_36 = arith.constant 0 : i32
    %cond3A_37 = arith.cmpi ne, %convert_element_type3A_35, %cond3A_36 : i32
    scf.if %cond3A_37 {
      %mul3A_122 = arith.constant 80 : i32
      %mul3A_123 = arith.muli %add3A_32, %mul3A_122 : i32
      %multiple_of3A = tpu.assume_multiple %mul3A_123, 80 : i32
      "tpu.region"() ({
        %run_scoped3A = tpu.sem_alloc : memref<!tpu.dma_semaphore, #tpu.memory_space<semaphore_mem>>
        %dma_start3A = arith.constant 0 : i32
        %dma_start3A_124 = tpu.memref_slice %arg11[%multiple_of3A, %dma_start3A] : memref<10000x128xf32, #tpu.memory_space<vmem_shared>> -> memref<80x128xf32, #tpu.memory_space<vmem_shared>>
        %dma_start3A_125 = arith.constant 0 : i32
        %dma_start3A_126 = tpu.memref_slice %arg11[%multiple_of3A, %dma_start3A_125] : memref<10000x128xf32, #tpu.memory_space<vmem_shared>> -> memref<80x128xf32, #tpu.memory_space<vmem_shared>>
        tpu.enqueue_dma source(%arg10 : memref<80x128xf32, #tpu.memory_space<vmem>>) target(%dma_start3A_126 : memref<80x128xf32, #tpu.memory_space<vmem_shared>>) target_semaphore(%run_scoped3A : memref<!tpu.dma_semaphore, #tpu.memory_space<semaphore_mem>>)
        %dma_wait3A = arith.constant 0 : i32
        %dma_wait3A_127 = tpu.memref_slice %arg11[%multiple_of3A, %dma_wait3A] : memref<10000x128xf32, #tpu.memory_space<vmem_shared>> -> memref<80x128xf32, #tpu.memory_space<vmem_shared>>
        %dma_wait3A_128 = arith.constant 0 : i32
        %dma_wait3A_129 = tpu.memref_slice %arg11[%multiple_of3A, %dma_wait3A_128] : memref<10000x128xf32, #tpu.memory_space<vmem_shared>> -> memref<80x128xf32, #tpu.memory_space<vmem_shared>>
        tpu.wait_dma2 semaphore(%run_scoped3A : memref<!tpu.dma_semaphore, #tpu.memory_space<semaphore_mem>>) src(%arg10 : memref<80x128xf32, #tpu.memory_space<vmem>>) dst(%dma_wait3A_129 : memref<80x128xf32, #tpu.memory_space<vmem_shared>>)
        tpu.yield
      }) : () -> ()
    } else {
    }
    %add3A_38 = arith.constant 80 : i32
    %add3A_39 = arith.addi %arg1, %add3A_38 : i32
    %lt3A_40 = arith.constant 125 : i32
    %lt3A_41 = arith.cmpi slt, %add3A_39, %lt3A_40 : i32
    %convert_element_type3A_42 = arith.extui %lt3A_41 : i1 to i32
    %cond3A_43 = arith.constant 0 : i32
    %cond3A_44 = arith.cmpi ne, %convert_element_type3A_42, %cond3A_43 : i32
    scf.if %cond3A_44 {
      %mul3A_122 = arith.constant 80 : i32
      %mul3A_123 = arith.muli %add3A_39, %mul3A_122 : i32
      %multiple_of3A = tpu.assume_multiple %mul3A_123, 80 : i32
      "tpu.region"() ({
        %run_scoped3A = tpu.sem_alloc : memref<!tpu.dma_semaphore, #tpu.memory_space<semaphore_mem>>
        %dma_start3A = arith.constant 0 : i32
        %dma_start3A_124 = tpu.memref_slice %arg11[%multiple_of3A, %dma_start3A] : memref<10000x128xf32, #tpu.memory_space<vmem_shared>> -> memref<80x128xf32, #tpu.memory_space<vmem_shared>>
        %dma_start3A_125 = arith.constant 0 : i32
        %dma_start3A_126 = tpu.memref_slice %arg11[%multiple_of3A, %dma_start3A_125] : memref<10000x128xf32, #tpu.memory_space<vmem_shared>> -> memref<80x128xf32, #tpu.memory_space<vmem_shared>>
        tpu.enqueue_dma source(%arg10 : memref<80x128xf32, #tpu.memory_space<vmem>>) target(%dma_start3A_126 : memref<80x128xf32, #tpu.memory_space<vmem_shared>>) target_semaphore(%run_scoped3A : memref<!tpu.dma_semaphore, #tpu.memory_space<semaphore_mem>>)
        %dma_wait3A = arith.constant 0 : i32
        %dma_wait3A_127 = tpu.memref_slice %arg11[%multiple_of3A, %dma_wait3A] : memref<10000x128xf32, #tpu.memory_space<vmem_shared>> -> memref<80x128xf32, #tpu.memory_space<vmem_shared>>
        %dma_wait3A_128 = arith.constant 0 : i32
        %dma_wait3A_129 = tpu.memref_slice %arg11[%multiple_of3A, %dma_wait3A_128] : memref<10000x128xf32, #tpu.memory_space<vmem_shared>> -> memref<80x128xf32, #tpu.memory_space<vmem_shared>>
        tpu.wait_dma2 semaphore(%run_scoped3A : memref<!tpu.dma_semaphore, #tpu.memory_space<semaphore_mem>>) src(%arg10 : memref<80x128xf32, #tpu.memory_space<vmem>>) dst(%dma_wait3A_129 : memref<80x128xf32, #tpu.memory_space<vmem_shared>>)
        tpu.yield
      }) : () -> ()
    } else {
    }
    %add3A_45 = arith.constant 96 : i32
    %add3A_46 = arith.addi %arg1, %add3A_45 : i32
    %lt3A_47 = arith.constant 125 : i32
    %lt3A_48 = arith.cmpi slt, %add3A_46, %lt3A_47 : i32
    %convert_element_type3A_49 = arith.extui %lt3A_48 : i1 to i32
    %cond3A_50 = arith.constant 0 : i32
    %cond3A_51 = arith.cmpi ne, %convert_element_type3A_49, %cond3A_50 : i32
    scf.if %cond3A_51 {
      %mul3A_122 = arith.constant 80 : i32
      %mul3A_123 = arith.muli %add3A_46, %mul3A_122 : i32
      %multiple_of3A = tpu.assume_multiple %mul3A_123, 80 : i32
      "tpu.region"() ({
        %run_scoped3A = tpu.sem_alloc : memref<!tpu.dma_semaphore, #tpu.memory_space<semaphore_mem>>
        %dma_start3A = arith.constant 0 : i32
        %dma_start3A_124 = tpu.memref_slice %arg11[%multiple_of3A, %dma_start3A] : memref<10000x128xf32, #tpu.memory_space<vmem_shared>> -> memref<80x128xf32, #tpu.memory_space<vmem_shared>>
        %dma_start3A_125 = arith.constant 0 : i32
        %dma_start3A_126 = tpu.memref_slice %arg11[%multiple_of3A, %dma_start3A_125] : memref<10000x128xf32, #tpu.memory_space<vmem_shared>> -> memref<80x128xf32, #tpu.memory_space<vmem_shared>>
        tpu.enqueue_dma source(%arg10 : memref<80x128xf32, #tpu.memory_space<vmem>>) target(%dma_start3A_126 : memref<80x128xf32, #tpu.memory_space<vmem_shared>>) target_semaphore(%run_scoped3A : memref<!tpu.dma_semaphore, #tpu.memory_space<semaphore_mem>>)
        %dma_wait3A = arith.constant 0 : i32
        %dma_wait3A_127 = tpu.memref_slice %arg11[%multiple_of3A, %dma_wait3A] : memref<10000x128xf32, #tpu.memory_space<vmem_shared>> -> memref<80x128xf32, #tpu.memory_space<vmem_shared>>
        %dma_wait3A_128 = arith.constant 0 : i32
        %dma_wait3A_129 = tpu.memref_slice %arg11[%multiple_of3A, %dma_wait3A_128] : memref<10000x128xf32, #tpu.memory_space<vmem_shared>> -> memref<80x128xf32, #tpu.memory_space<vmem_shared>>
        tpu.wait_dma2 semaphore(%run_scoped3A : memref<!tpu.dma_semaphore, #tpu.memory_space<semaphore_mem>>) src(%arg10 : memref<80x128xf32, #tpu.memory_space<vmem>>) dst(%dma_wait3A_129 : memref<80x128xf32, #tpu.memory_space<vmem_shared>>)
        tpu.yield
      }) : () -> ()
    } else {
    }
    %add3A_52 = arith.constant 112 : i32
    %add3A_53 = arith.addi %arg1, %add3A_52 : i32
    %lt3A_54 = arith.constant 125 : i32
    %lt3A_55 = arith.cmpi slt, %add3A_53, %lt3A_54 : i32
    %convert_element_type3A_56 = arith.extui %lt3A_55 : i1 to i32
    %cond3A_57 = arith.constant 0 : i32
    %cond3A_58 = arith.cmpi ne, %convert_element_type3A_56, %cond3A_57 : i32
    scf.if %cond3A_58 {
      %mul3A_122 = arith.constant 80 : i32
      %mul3A_123 = arith.muli %add3A_53, %mul3A_122 : i32
      %multiple_of3A = tpu.assume_multiple %mul3A_123, 80 : i32
      "tpu.region"() ({
        %run_scoped3A = tpu.sem_alloc : memref<!tpu.dma_semaphore, #tpu.memory_space<semaphore_mem>>
        %dma_start3A = arith.constant 0 : i32
        %dma_start3A_124 = tpu.memref_slice %arg11[%multiple_of3A, %dma_start3A] : memref<10000x128xf32, #tpu.memory_space<vmem_shared>> -> memref<80x128xf32, #tpu.memory_space<vmem_shared>>
        %dma_start3A_125 = arith.constant 0 : i32
        %dma_start3A_126 = tpu.memref_slice %arg11[%multiple_of3A, %dma_start3A_125] : memref<10000x128xf32, #tpu.memory_space<vmem_shared>> -> memref<80x128xf32, #tpu.memory_space<vmem_shared>>
        tpu.enqueue_dma source(%arg10 : memref<80x128xf32, #tpu.memory_space<vmem>>) target(%dma_start3A_126 : memref<80x128xf32, #tpu.memory_space<vmem_shared>>) target_semaphore(%run_scoped3A : memref<!tpu.dma_semaphore, #tpu.memory_space<semaphore_mem>>)
        %dma_wait3A = arith.constant 0 : i32
        %dma_wait3A_127 = tpu.memref_slice %arg11[%multiple_of3A, %dma_wait3A] : memref<10000x128xf32, #tpu.memory_space<vmem_shared>> -> memref<80x128xf32, #tpu.memory_space<vmem_shared>>
        %dma_wait3A_128 = arith.constant 0 : i32
        %dma_wait3A_129 = tpu.memref_slice %arg11[%multiple_of3A, %dma_wait3A_128] : memref<10000x128xf32, #tpu.memory_space<vmem_shared>> -> memref<80x128xf32, #tpu.memory_space<vmem_shared>>
        tpu.wait_dma2 semaphore(%run_scoped3A : memref<!tpu.dma_semaphore, #tpu.memory_space<semaphore_mem>>) src(%arg10 : memref<80x128xf32, #tpu.memory_space<vmem>>) dst(%dma_wait3A_129 : memref<80x128xf32, #tpu.memory_space<vmem_shared>>)
        tpu.yield
      }) : () -> ()
    } else {
    }
    %barrier3A = arith.constant 0 : index
    tpu.barrier barrier_id(%barrier3A)
    %scan3A_59 = arith.constant 0 : i32
    %scan3A_60 = arith.constant 0 : i32
    %scan3A_61 = arith.constant 5 : i32
    %scan3A_62 = arith.addi %scan3A_60, %scan3A_61 : i32
    %scan3A_63 = arith.constant 1 : i32
    scf.for %scan3A_122 = %scan3A_60 to %scan3A_62 step %scan3A_63  : i32 {
      "tpu.region"() ({
        %run_scoped3A = tpu.sem_alloc : memref<!tpu.dma_semaphore, #tpu.memory_space<semaphore_mem>>
        %dma_start3A = arith.constant 0 : i32
        %dma_start3A_129 = arith.constant 0 : i32
        %dma_start3A_130 = tpu.memref_slice %arg3[%add3A, %scan3A_122, %dma_start3A, %dma_start3A_129] : memref<32x5x25x80xi32, #tpu.memory_space<hbm>> -> memref<1x1x25x80xi32, #tpu.memory_space<hbm>>
        %dma_start3A_131 = tpu.memref_squeeze %dma_start3A_130 : memref<1x1x25x80xi32, #tpu.memory_space<hbm>> -> memref<25x80xi32, #tpu.memory_space<hbm>>
        %dma_start3A_132 = arith.constant 0 : i32
        %dma_start3A_133 = arith.constant 0 : i32
        %dma_start3A_134 = tpu.memref_slice %arg3[%add3A, %scan3A_122, %dma_start3A_132, %dma_start3A_133] : memref<32x5x25x80xi32, #tpu.memory_space<hbm>> -> memref<1x1x25x80xi32, #tpu.memory_space<hbm>>
        %dma_start3A_135 = tpu.memref_squeeze %dma_start3A_134 : memref<1x1x25x80xi32, #tpu.memory_space<hbm>> -> memref<25x80xi32, #tpu.memory_space<hbm>>
        tpu.enqueue_dma source(%dma_start3A_135 : memref<25x80xi32, #tpu.memory_space<hbm>>) target(%arg7 : memref<25x80xi32, #tpu.memory_space<vmem>>) target_semaphore(%run_scoped3A : memref<!tpu.dma_semaphore, #tpu.memory_space<semaphore_mem>>)
        %dma_wait3A = arith.constant 0 : i32
        %dma_wait3A_136 = arith.constant 0 : i32
        %dma_wait3A_137 = tpu.memref_slice %arg3[%add3A, %scan3A_122, %dma_wait3A, %dma_wait3A_136] : memref<32x5x25x80xi32, #tpu.memory_space<hbm>> -> memref<1x1x25x80xi32, #tpu.memory_space<hbm>>
        %dma_wait3A_138 = tpu.memref_squeeze %dma_wait3A_137 : memref<1x1x25x80xi32, #tpu.memory_space<hbm>> -> memref<25x80xi32, #tpu.memory_space<hbm>>
        %dma_wait3A_139 = arith.constant 0 : i32
        %dma_wait3A_140 = arith.constant 0 : i32
        %dma_wait3A_141 = tpu.memref_slice %arg3[%add3A, %scan3A_122, %dma_wait3A_139, %dma_wait3A_140] : memref<32x5x25x80xi32, #tpu.memory_space<hbm>> -> memref<1x1x25x80xi32, #tpu.memory_space<hbm>>
        %dma_wait3A_142 = tpu.memref_squeeze %dma_wait3A_141 : memref<1x1x25x80xi32, #tpu.memory_space<hbm>> -> memref<25x80xi32, #tpu.memory_space<hbm>>
        tpu.wait_dma2 semaphore(%run_scoped3A : memref<!tpu.dma_semaphore, #tpu.memory_space<semaphore_mem>>) src(%dma_wait3A_142 : memref<25x80xi32, #tpu.memory_space<hbm>>) dst(%arg7 : memref<25x80xi32, #tpu.memory_space<vmem>>)
        tpu.yield
      }) : () -> ()
      "tpu.region"() ({
        %run_scoped3A = tpu.sem_alloc : memref<!tpu.dma_semaphore, #tpu.memory_space<semaphore_mem>>
        %dma_start3A = arith.constant 0 : i32
        %dma_start3A_129 = arith.constant 0 : i32
        %dma_start3A_130 = tpu.memref_slice %arg4[%add3A, %scan3A_122, %dma_start3A, %dma_start3A_129] : memref<32x5x25x80xi32, #tpu.memory_space<hbm>> -> memref<1x1x25x80xi32, #tpu.memory_space<hbm>>
        %dma_start3A_131 = tpu.memref_squeeze %dma_start3A_130 : memref<1x1x25x80xi32, #tpu.memory_space<hbm>> -> memref<25x80xi32, #tpu.memory_space<hbm>>
        %dma_start3A_132 = arith.constant 0 : i32
        %dma_start3A_133 = arith.constant 0 : i32
        %dma_start3A_134 = tpu.memref_slice %arg4[%add3A, %scan3A_122, %dma_start3A_132, %dma_start3A_133] : memref<32x5x25x80xi32, #tpu.memory_space<hbm>> -> memref<1x1x25x80xi32, #tpu.memory_space<hbm>>
        %dma_start3A_135 = tpu.memref_squeeze %dma_start3A_134 : memref<1x1x25x80xi32, #tpu.memory_space<hbm>> -> memref<25x80xi32, #tpu.memory_space<hbm>>
        tpu.enqueue_dma source(%dma_start3A_135 : memref<25x80xi32, #tpu.memory_space<hbm>>) target(%arg8 : memref<25x80xi32, #tpu.memory_space<vmem>>) target_semaphore(%run_scoped3A : memref<!tpu.dma_semaphore, #tpu.memory_space<semaphore_mem>>)
        %dma_wait3A = arith.constant 0 : i32
        %dma_wait3A_136 = arith.constant 0 : i32
        %dma_wait3A_137 = tpu.memref_slice %arg4[%add3A, %scan3A_122, %dma_wait3A, %dma_wait3A_136] : memref<32x5x25x80xi32, #tpu.memory_space<hbm>> -> memref<1x1x25x80xi32, #tpu.memory_space<hbm>>
        %dma_wait3A_138 = tpu.memref_squeeze %dma_wait3A_137 : memref<1x1x25x80xi32, #tpu.memory_space<hbm>> -> memref<25x80xi32, #tpu.memory_space<hbm>>
        %dma_wait3A_139 = arith.constant 0 : i32
        %dma_wait3A_140 = arith.constant 0 : i32
        %dma_wait3A_141 = tpu.memref_slice %arg4[%add3A, %scan3A_122, %dma_wait3A_139, %dma_wait3A_140] : memref<32x5x25x80xi32, #tpu.memory_space<hbm>> -> memref<1x1x25x80xi32, #tpu.memory_space<hbm>>
        %dma_wait3A_142 = tpu.memref_squeeze %dma_wait3A_141 : memref<1x1x25x80xi32, #tpu.memory_space<hbm>> -> memref<25x80xi32, #tpu.memory_space<hbm>>
        tpu.wait_dma2 semaphore(%run_scoped3A : memref<!tpu.dma_semaphore, #tpu.memory_space<semaphore_mem>>) src(%dma_wait3A_142 : memref<25x80xi32, #tpu.memory_space<hbm>>) dst(%arg8 : memref<25x80xi32, #tpu.memory_space<vmem>>)
        tpu.yield
      }) : () -> ()
      "tpu.region"() ({
        %run_scoped3A = tpu.sem_alloc : memref<!tpu.dma_semaphore, #tpu.memory_space<semaphore_mem>>
        %dma_start3A = arith.constant 0 : i32
        %dma_start3A_129 = arith.constant 0 : i32
        %dma_start3A_130 = tpu.memref_slice %arg5[%add3A, %scan3A_122, %dma_start3A, %dma_start3A_129] : memref<32x5x25x80xf32, #tpu.memory_space<hbm>> -> memref<1x1x25x80xf32, #tpu.memory_space<hbm>>
        %dma_start3A_131 = tpu.memref_squeeze %dma_start3A_130 : memref<1x1x25x80xf32, #tpu.memory_space<hbm>> -> memref<25x80xf32, #tpu.memory_space<hbm>>
        %dma_start3A_132 = arith.constant 0 : i32
        %dma_start3A_133 = arith.constant 0 : i32
        %dma_start3A_134 = tpu.memref_slice %arg5[%add3A, %scan3A_122, %dma_start3A_132, %dma_start3A_133] : memref<32x5x25x80xf32, #tpu.memory_space<hbm>> -> memref<1x1x25x80xf32, #tpu.memory_space<hbm>>
        %dma_start3A_135 = tpu.memref_squeeze %dma_start3A_134 : memref<1x1x25x80xf32, #tpu.memory_space<hbm>> -> memref<25x80xf32, #tpu.memory_space<hbm>>
        tpu.enqueue_dma source(%dma_start3A_135 : memref<25x80xf32, #tpu.memory_space<hbm>>) target(%arg9 : memref<25x80xf32, #tpu.memory_space<vmem>>) target_semaphore(%run_scoped3A : memref<!tpu.dma_semaphore, #tpu.memory_space<semaphore_mem>>)
        %dma_wait3A = arith.constant 0 : i32
        %dma_wait3A_136 = arith.constant 0 : i32
        %dma_wait3A_137 = tpu.memref_slice %arg5[%add3A, %scan3A_122, %dma_wait3A, %dma_wait3A_136] : memref<32x5x25x80xf32, #tpu.memory_space<hbm>> -> memref<1x1x25x80xf32, #tpu.memory_space<hbm>>
        %dma_wait3A_138 = tpu.memref_squeeze %dma_wait3A_137 : memref<1x1x25x80xf32, #tpu.memory_space<hbm>> -> memref<25x80xf32, #tpu.memory_space<hbm>>
        %dma_wait3A_139 = arith.constant 0 : i32
        %dma_wait3A_140 = arith.constant 0 : i32
        %dma_wait3A_141 = tpu.memref_slice %arg5[%add3A, %scan3A_122, %dma_wait3A_139, %dma_wait3A_140] : memref<32x5x25x80xf32, #tpu.memory_space<hbm>> -> memref<1x1x25x80xf32, #tpu.memory_space<hbm>>
        %dma_wait3A_142 = tpu.memref_squeeze %dma_wait3A_141 : memref<1x1x25x80xf32, #tpu.memory_space<hbm>> -> memref<25x80xf32, #tpu.memory_space<hbm>>
        tpu.wait_dma2 semaphore(%run_scoped3A : memref<!tpu.dma_semaphore, #tpu.memory_space<semaphore_mem>>) src(%dma_wait3A_142 : memref<25x80xf32, #tpu.memory_space<hbm>>) dst(%arg9 : memref<25x80xf32, #tpu.memory_space<vmem>>)
        tpu.yield
      }) : () -> ()
      %scan3A_123 = arith.constant 0 : i32
      %scan3A_124 = arith.constant 0 : i32
      %scan3A_125 = arith.constant 25 : i32
      %scan3A_126 = arith.addi %scan3A_124, %scan3A_125 : i32
      %scan3A_127 = arith.constant 1 : i32
      scf.for %scan3A_129 = %scan3A_124 to %scan3A_126 step %scan3A_127  : i32 {
        %dma_start3A = arith.constant 0 : i32
        %dma_start3A_130 = tpu.memref_slice %arg7[%scan3A_129, %dma_start3A] : memref<25x80xi32, #tpu.memory_space<vmem>> -> memref<1x80xi32, #tpu.memory_space<vmem>>
        %dma_start3A_131 = tpu.memref_squeeze %dma_start3A_130 : memref<1x80xi32, #tpu.memory_space<vmem>> -> memref<80xi32, #tpu.memory_space<vmem>>
        %dma_start3A_132 = arith.constant 0 : i32
        %dma_start3A_133 = arith.constant 0 : i32
        %dma_start3A_134 = tpu.memref_slice %arg2[%dma_start3A_132, %dma_start3A_133] : memref<10000x128xf32, #tpu.memory_space<hbm>> -> memref<10000x128xf32, #tpu.memory_space<hbm>>
        tpu.enqueue_indirect_dma source(%dma_start3A_134 : memref<10000x128xf32, #tpu.memory_space<hbm>>) target(%arg10 : memref<80x128xf32, #tpu.memory_space<vmem>>) offsets(%dma_start3A_131 : memref<80xi32, #tpu.memory_space<vmem>>) semaphore(%arg12 : memref<!tpu.dma_semaphore, #tpu.memory_space<semaphore_mem>>)
        %dma_wait3A = arith.constant 0 : i32
        %dma_wait3A_135 = tpu.memref_slice %arg7[%scan3A_129, %dma_wait3A] : memref<25x80xi32, #tpu.memory_space<vmem>> -> memref<1x80xi32, #tpu.memory_space<vmem>>
        %dma_wait3A_136 = tpu.memref_squeeze %dma_wait3A_135 : memref<1x80xi32, #tpu.memory_space<vmem>> -> memref<80xi32, #tpu.memory_space<vmem>>
        %dma_wait3A_137 = arith.constant 0 : i32
        %dma_wait3A_138 = arith.constant 0 : i32
        %dma_wait3A_139 = tpu.memref_slice %arg2[%dma_wait3A_137, %dma_wait3A_138] : memref<10000x128xf32, #tpu.memory_space<hbm>> -> memref<10000x128xf32, #tpu.memory_space<hbm>>
        tpu.wait_indirect_dma semaphore(%arg12 : memref<!tpu.dma_semaphore, #tpu.memory_space<semaphore_mem>>) src(%dma_wait3A_139 : memref<10000x128xf32, #tpu.memory_space<hbm>>) dst(%arg10 : memref<80x128xf32, #tpu.memory_space<vmem>>)
        %scan3A_140 = arith.constant 0 : i32
        %scan3A_141 = arith.constant 0 : i32
        %scan3A_142 = arith.constant 5 : i32
        %scan3A_143 = arith.addi %scan3A_141, %scan3A_142 : i32
        %scan3A_144 = arith.constant 1 : i32
        scf.for %scan3A_146 = %scan3A_141 to %scan3A_143 step %scan3A_144  : i32 {
          %mul3A_147 = arith.constant 16 : i32
          %mul3A_148 = arith.muli %scan3A_146, %mul3A_147 : i32
          %get3A = arith.index_cast %scan3A_129 : i32 to index
          %get3A_149 = arith.index_cast %mul3A_148 : i32 to index
          %get3A_150 = tpu.vector_load %arg9[%get3A, %get3A_149] {strides = array<i32>} : memref<25x80xf32, #tpu.memory_space<vmem>>, vector<16xf32>,
          %slice3A = vector.extract_strided_slice %get3A_150 {offsets = [0], sizes = [1], strides = [1]} : vector<16xf32> to vector<1xf32>
          %squeeze3A = vector.extract %slice3A[0] : f32 from vector<1xf32>
          %mul3A_151 = arith.constant 16 : i32
          %mul3A_152 = arith.muli %scan3A_146, %mul3A_151 : i32
          %add3A_153 = arith.constant 0 : i32
          %add3A_154 = arith.addi %mul3A_152, %add3A_153 : i32
          %get3A_155 = arith.index_cast %add3A_154 : i32 to index
          %get3A_156 = arith.constant 0 : index
          %get3A_157 = tpu.vector_load %arg10[%get3A_155, %get3A_156] {strides = array<i32>} : memref<80x128xf32, #tpu.memory_space<vmem>>, vector<16xf32>,
          %mul3A_158 = vector.broadcast %squeeze3A : f32 to vector<16xf32>
          %mul3A_159 = arith.mulf %get3A_157, %mul3A_158 : vector<16xf32>
          %swap3A = arith.index_cast %add3A_154 : i32 to index
          %swap3A_160 = arith.constant 0 : index
          %swap3A_161 = tpu.vector_load %arg10[%swap3A, %swap3A_160] {strides = array<i32>} : memref<80x128xf32, #tpu.memory_space<vmem>>, vector<16xf32>,
          tpu.vector_store %arg10[%swap3A, %swap3A_160], %mul3A_159 {strides = array<i32>} : memref<80x128xf32, #tpu.memory_space<vmem>>, vector<16xf32>,
          %get3A_162 = arith.index_cast %add3A_154 : i32 to index
          %get3A_163 = arith.constant 16 : index
          %get3A_164 = tpu.vector_load %arg10[%get3A_162, %get3A_163] {strides = array<i32>} : memref<80x128xf32, #tpu.memory_space<vmem>>, vector<16xf32>,
          %mul3A_165 = vector.broadcast %squeeze3A : f32 to vector<16xf32>
          %mul3A_166 = arith.mulf %get3A_164, %mul3A_165 : vector<16xf32>
          %swap3A_167 = arith.index_cast %add3A_154 : i32 to index
          %swap3A_168 = arith.constant 16 : index
          %swap3A_169 = tpu.vector_load %arg10[%swap3A_167, %swap3A_168] {strides = array<i32>} : memref<80x128xf32, #tpu.memory_space<vmem>>, vector<16xf32>,
          tpu.vector_store %arg10[%swap3A_167, %swap3A_168], %mul3A_166 {strides = array<i32>} : memref<80x128xf32, #tpu.memory_space<vmem>>, vector<16xf32>,
          %get3A_170 = arith.index_cast %add3A_154 : i32 to index
          %get3A_171 = arith.constant 32 : index
          %get3A_172 = tpu.vector_load %arg10[%get3A_170, %get3A_171] {strides = array<i32>} : memref<80x128xf32, #tpu.memory_space<vmem>>, vector<16xf32>,
          %mul3A_173 = vector.broadcast %squeeze3A : f32 to vector<16xf32>
          %mul3A_174 = arith.mulf %get3A_172, %mul3A_173 : vector<16xf32>
          %swap3A_175 = arith.index_cast %add3A_154 : i32 to index
          %swap3A_176 = arith.constant 32 : index
          %swap3A_177 = tpu.vector_load %arg10[%swap3A_175, %swap3A_176] {strides = array<i32>} : memref<80x128xf32, #tpu.memory_space<vmem>>, vector<16xf32>,
          tpu.vector_store %arg10[%swap3A_175, %swap3A_176], %mul3A_174 {strides = array<i32>} : memref<80x128xf32, #tpu.memory_space<vmem>>, vector<16xf32>,
          %get3A_178 = arith.index_cast %add3A_154 : i32 to index
          %get3A_179 = arith.constant 48 : index
          %get3A_180 = tpu.vector_load %arg10[%get3A_178, %get3A_179] {strides = array<i32>} : memref<80x128xf32, #tpu.memory_space<vmem>>, vector<16xf32>,
          %mul3A_181 = vector.broadcast %squeeze3A : f32 to vector<16xf32>
          %mul3A_182 = arith.mulf %get3A_180, %mul3A_181 : vector<16xf32>
          %swap3A_183 = arith.index_cast %add3A_154 : i32 to index
          %swap3A_184 = arith.constant 48 : index
          %swap3A_185 = tpu.vector_load %arg10[%swap3A_183, %swap3A_184] {strides = array<i32>} : memref<80x128xf32, #tpu.memory_space<vmem>>, vector<16xf32>,
          tpu.vector_store %arg10[%swap3A_183, %swap3A_184], %mul3A_182 {strides = array<i32>} : memref<80x128xf32, #tpu.memory_space<vmem>>, vector<16xf32>,
          %get3A_186 = arith.index_cast %add3A_154 : i32 to index
          %get3A_187 = arith.constant 64 : index
          %get3A_188 = tpu.vector_load %arg10[%get3A_186, %get3A_187] {strides = array<i32>} : memref<80x128xf32, #tpu.memory_space<vmem>>, vector<16xf32>,
          %mul3A_189 = vector.broadcast %squeeze3A : f32 to vector<16xf32>
          %mul3A_190 = arith.mulf %get3A_188, %mul3A_189 : vector<16xf32>
          %swap3A_191 = arith.index_cast %add3A_154 : i32 to index
          %swap3A_192 = arith.constant 64 : index
          %swap3A_193 = tpu.vector_load %arg10[%swap3A_191, %swap3A_192] {strides = array<i32>} : memref<80x128xf32, #tpu.memory_space<vmem>>, vector<16xf32>,
          tpu.vector_store %arg10[%swap3A_191, %swap3A_192], %mul3A_190 {strides = array<i32>} : memref<80x128xf32, #tpu.memory_space<vmem>>, vector<16xf32>,
          %get3A_194 = arith.index_cast %add3A_154 : i32 to index
          %get3A_195 = arith.constant 80 : index
          %get3A_196 = tpu.vector_load %arg10[%get3A_194, %get3A_195] {strides = array<i32>} : memref<80x128xf32, #tpu.memory_space<vmem>>, vector<16xf32>,
          %mul3A_197 = vector.broadcast %squeeze3A : f32 to vector<16xf32>
          %mul3A_198 = arith.mulf %get3A_196, %mul3A_197 : vector<16xf32>
          %swap3A_199 = arith.index_cast %add3A_154 : i32 to index
          %swap3A_200 = arith.constant 80 : index
          %swap3A_201 = tpu.vector_load %arg10[%swap3A_199, %swap3A_200] {strides = array<i32>} : memref<80x128xf32, #tpu.memory_space<vmem>>, vector<16xf32>,
          tpu.vector_store %arg10[%swap3A_199, %swap3A_200], %mul3A_198 {strides = array<i32>} : memref<80x128xf32, #tpu.memory_space<vmem>>, vector<16xf32>,
          %get3A_202 = arith.index_cast %add3A_154 : i32 to index
          %get3A_203 = arith.constant 96 : index
          %get3A_204 = tpu.vector_load %arg10[%get3A_202, %get3A_203] {strides = array<i32>} : memref<80x128xf32, #tpu.memory_space<vmem>>, vector<16xf32>,
          %mul3A_205 = vector.broadcast %squeeze3A : f32 to vector<16xf32>
          %mul3A_206 = arith.mulf %get3A_204, %mul3A_205 : vector<16xf32>
          %swap3A_207 = arith.index_cast %add3A_154 : i32 to index
          %swap3A_208 = arith.constant 96 : index
          %swap3A_209 = tpu.vector_load %arg10[%swap3A_207, %swap3A_208] {strides = array<i32>} : memref<80x128xf32, #tpu.memory_space<vmem>>, vector<16xf32>,
          tpu.vector_store %arg10[%swap3A_207, %swap3A_208], %mul3A_206 {strides = array<i32>} : memref<80x128xf32, #tpu.memory_space<vmem>>, vector<16xf32>,
          %get3A_210 = arith.index_cast %add3A_154 : i32 to index
          %get3A_211 = arith.constant 112 : index
          %get3A_212 = tpu.vector_load %arg10[%get3A_210, %get3A_211] {strides = array<i32>} : memref<80x128xf32, #tpu.memory_space<vmem>>, vector<16xf32>,
          %mul3A_213 = vector.broadcast %squeeze3A : f32 to vector<16xf32>
          %mul3A_214 = arith.mulf %get3A_212, %mul3A_213 : vector<16xf32>
          %swap3A_215 = arith.index_cast %add3A_154 : i32 to index
          %swap3A_216 = arith.constant 112 : index
          %swap3A_217 = tpu.vector_load %arg10[%swap3A_215, %swap3A_216] {strides = array<i32>} : memref<80x128xf32, #tpu.memory_space<vmem>>, vector<16xf32>,
          tpu.vector_store %arg10[%swap3A_215, %swap3A_216], %mul3A_214 {strides = array<i32>} : memref<80x128xf32, #tpu.memory_space<vmem>>, vector<16xf32>,
          %slice3A_218 = vector.extract_strided_slice %get3A_150 {offsets = [1], sizes = [1], strides = [1]} : vector<16xf32> to vector<1xf32>
          %squeeze3A_219 = vector.extract %slice3A_218[0] : f32 from vector<1xf32>
          %mul3A_220 = arith.constant 16 : i32
          %mul3A_221 = arith.muli %scan3A_146, %mul3A_220 : i32
          %add3A_222 = arith.constant 1 : i32
          %add3A_223 = arith.addi %mul3A_221, %add3A_222 : i32
          %get3A_224 = arith.index_cast %add3A_223 : i32 to index
          %get3A_225 = arith.constant 0 : index
          %get3A_226 = tpu.vector_load %arg10[%get3A_224, %get3A_225] {strides = array<i32>} : memref<80x128xf32, #tpu.memory_space<vmem>>, vector<16xf32>,
          %mul3A_227 = vector.broadcast %squeeze3A_219 : f32 to vector<16xf32>
          %mul3A_228 = arith.mulf %get3A_226, %mul3A_227 : vector<16xf32>
          %swap3A_229 = arith.index_cast %add3A_223 : i32 to index
          %swap3A_230 = arith.constant 0 : index
          %swap3A_231 = tpu.vector_load %arg10[%swap3A_229, %swap3A_230] {strides = array<i32>} : memref<80x128xf32, #tpu.memory_space<vmem>>, vector<16xf32>,
          tpu.vector_store %arg10[%swap3A_229, %swap3A_230], %mul3A_228 {strides = array<i32>} : memref<80x128xf32, #tpu.memory_space<vmem>>, vector<16xf32>,
          %get3A_232 = arith.index_cast %add3A_223 : i32 to index
          %get3A_233 = arith.constant 16 : index
          %get3A_234 = tpu.vector_load %arg10[%get3A_232, %get3A_233] {strides = array<i32>} : memref<80x128xf32, #tpu.memory_space<vmem>>, vector<16xf32>,
          %mul3A_235 = vector.broadcast %squeeze3A_219 : f32 to vector<16xf32>
          %mul3A_236 = arith.mulf %get3A_234, %mul3A_235 : vector<16xf32>
          %swap3A_237 = arith.index_cast %add3A_223 : i32 to index
          %swap3A_238 = arith.constant 16 : index
          %swap3A_239 = tpu.vector_load %arg10[%swap3A_237, %swap3A_238] {strides = array<i32>} : memref<80x128xf32, #tpu.memory_space<vmem>>, vector<16xf32>,
          tpu.vector_store %arg10[%swap3A_237, %swap3A_238], %mul3A_236 {strides = array<i32>} : memref<80x128xf32, #tpu.memory_space<vmem>>, vector<16xf32>,
          %get3A_240 = arith.index_cast %add3A_223 : i32 to index
          %get3A_241 = arith.constant 32 : index
          %get3A_242 = tpu.vector_load %arg10[%get3A_240, %get3A_241] {strides = array<i32>} : memref<80x128xf32, #tpu.memory_space<vmem>>, vector<16xf32>,
          %mul3A_243 = vector.broadcast %squeeze3A_219 : f32 to vector<16xf32>
          %mul3A_244 = arith.mulf %get3A_242, %mul3A_243 : vector<16xf32>
          %swap3A_245 = arith.index_cast %add3A_223 : i32 to index
          %swap3A_246 = arith.constant 32 : index
          %swap3A_247 = tpu.vector_load %arg10[%swap3A_245, %swap3A_246] {strides = array<i32>} : memref<80x128xf32, #tpu.memory_space<vmem>>, vector<16xf32>,
          tpu.vector_store %arg10[%swap3A_245, %swap3A_246], %mul3A_244 {strides = array<i32>} : memref<80x128xf32, #tpu.memory_space<vmem>>, vector<16xf32>,
          %get3A_248 = arith.index_cast %add3A_223 : i32 to index
          %get3A_249 = arith.constant 48 : index
          %get3A_250 = tpu.vector_load %arg10[%get3A_248, %get3A_249] {strides = array<i32>} : memref<80x128xf32, #tpu.memory_space<vmem>>, vector<16xf32>,
          %mul3A_251 = vector.broadcast %squeeze3A_219 : f32 to vector<16xf32>
          %mul3A_252 = arith.mulf %get3A_250, %mul3A_251 : vector<16xf32>
          %swap3A_253 = arith.index_cast %add3A_223 : i32 to index
          %swap3A_254 = arith.constant 48 : index
          %swap3A_255 = tpu.vector_load %arg10[%swap3A_253, %swap3A_254] {strides = array<i32>} : memref<80x128xf32, #tpu.memory_space<vmem>>, vector<16xf32>,
          tpu.vector_store %arg10[%swap3A_253, %swap3A_254], %mul3A_252 {strides = array<i32>} : memref<80x128xf32, #tpu.memory_space<vmem>>, vector<16xf32>,
          %get3A_256 = arith.index_cast %add3A_223 : i32 to index
          %get3A_257 = arith.constant 64 : index
          %get3A_258 = tpu.vector_load %arg10[%get3A_256, %get3A_257] {strides = array<i32>} : memref<80x128xf32, #tpu.memory_space<vmem>>, vector<16xf32>,
          %mul3A_259 = vector.broadcast %squeeze3A_219 : f32 to vector<16xf32>
          %mul3A_260 = arith.mulf %get3A_258, %mul3A_259 : vector<16xf32>
          %swap3A_261 = arith.index_cast %add3A_223 : i32 to index
          %swap3A_262 = arith.constant 64 : index
          %swap3A_263 = tpu.vector_load %arg10[%swap3A_261, %swap3A_262] {strides = array<i32>} : memref<80x128xf32, #tpu.memory_space<vmem>>, vector<16xf32>,
          tpu.vector_store %arg10[%swap3A_261, %swap3A_262], %mul3A_260 {strides = array<i32>} : memref<80x128xf32, #tpu.memory_space<vmem>>, vector<16xf32>,
          %get3A_264 = arith.index_cast %add3A_223 : i32 to index
          %get3A_265 = arith.constant 80 : index
          %get3A_266 = tpu.vector_load %arg10[%get3A_264, %get3A_265] {strides = array<i32>} : memref<80x128xf32, #tpu.memory_space<vmem>>, vector<16xf32>,
          %mul3A_267 = vector.broadcast %squeeze3A_219 : f32 to vector<16xf32>
          %mul3A_268 = arith.mulf %get3A_266, %mul3A_267 : vector<16xf32>
          %swap3A_269 = arith.index_cast %add3A_223 : i32 to index
          %swap3A_270 = arith.constant 80 : index
          %swap3A_271 = tpu.vector_load %arg10[%swap3A_269, %swap3A_270] {strides = array<i32>} : memref<80x128xf32, #tpu.memory_space<vmem>>, vector<16xf32>,
          tpu.vector_store %arg10[%swap3A_269, %swap3A_270], %mul3A_268 {strides = array<i32>} : memref<80x128xf32, #tpu.memory_space<vmem>>, vector<16xf32>,
          %get3A_272 = arith.index_cast %add3A_223 : i32 to index
          %get3A_273 = arith.constant 96 : index
          %get3A_274 = tpu.vector_load %arg10[%get3A_272, %get3A_273] {strides = array<i32>} : memref<80x128xf32, #tpu.memory_space<vmem>>, vector<16xf32>,
          %mul3A_275 = vector.broadcast %squeeze3A_219 : f32 to vector<16xf32>
          %mul3A_276 = arith.mulf %get3A_274, %mul3A_275 : vector<16xf32>
          %swap3A_277 = arith.index_cast %add3A_223 : i32 to index
          %swap3A_278 = arith.constant 96 : index
          %swap3A_279 = tpu.vector_load %arg10[%swap3A_277, %swap3A_278] {strides = array<i32>} : memref<80x128xf32, #tpu.memory_space<vmem>>, vector<16xf32>,
          tpu.vector_store %arg10[%swap3A_277, %swap3A_278], %mul3A_276 {strides = array<i32>} : memref<80x128xf32, #tpu.memory_space<vmem>>, vector<16xf32>,
          %get3A_280 = arith.index_cast %add3A_223 : i32 to index
          %get3A_281 = arith.constant 112 : index
          %get3A_282 = tpu.vector_load %arg10[%get3A_280, %get3A_281] {strides = array<i32>} : memref<80x128xf32, #tpu.memory_space<vmem>>, vector<16xf32>,
          %mul3A_283 = vector.broadcast %squeeze3A_219 : f32 to vector<16xf32>
          %mul3A_284 = arith.mulf %get3A_282, %mul3A_283 : vector<16xf32>
          %swap3A_285 = arith.index_cast %add3A_223 : i32 to index
          %swap3A_286 = arith.constant 112 : index
          %swap3A_287 = tpu.vector_load %arg10[%swap3A_285, %swap3A_286] {strides = array<i32>} : memref<80x128xf32, #tpu.memory_space<vmem>>, vector<16xf32>,
          tpu.vector_store %arg10[%swap3A_285, %swap3A_286], %mul3A_284 {strides = array<i32>} : memref<80x128xf32, #tpu.memory_space<vmem>>, vector<16xf32>,
          %slice3A_288 = vector.extract_strided_slice %get3A_150 {offsets = [2], sizes = [1], strides = [1]} : vector<16xf32> to vector<1xf32>
          %squeeze3A_289 = vector.extract %slice3A_288[0] : f32 from vector<1xf32>
          %mul3A_290 = arith.constant 16 : i32
          %mul3A_291 = arith.muli %scan3A_146, %mul3A_290 : i32
          %add3A_292 = arith.constant 2 : i32
          %add3A_293 = arith.addi %mul3A_291, %add3A_292 : i32
          %get3A_294 = arith.index_cast %add3A_293 : i32 to index
          %get3A_295 = arith.constant 0 : index
          %get3A_296 = tpu.vector_load %arg10[%get3A_294, %get3A_295] {strides = array<i32>} : memref<80x128xf32, #tpu.memory_space<vmem>>, vector<16xf32>,
          %mul3A_297 = vector.broadcast %squeeze3A_289 : f32 to vector<16xf32>
          %mul3A_298 = arith.mulf %get3A_296, %mul3A_297 : vector<16xf32>
          %swap3A_299 = arith.index_cast %add3A_293 : i32 to index
          %swap3A_300 = arith.constant 0 : index
          %swap3A_301 = tpu.vector_load %arg10[%swap3A_299, %swap3A_300] {strides = array<i32>} : memref<80x128xf32, #tpu.memory_space<vmem>>, vector<16xf32>,
          tpu.vector_store %arg10[%swap3A_299, %swap3A_300], %mul3A_298 {strides = array<i32>} : memref<80x128xf32, #tpu.memory_space<vmem>>, vector<16xf32>,
          %get3A_302 = arith.index_cast %add3A_293 : i32 to index
          %get3A_303 = arith.constant 16 : index
          %get3A_304 = tpu.vector_load %arg10[%get3A_302, %get3A_303] {strides = array<i32>} : memref<80x128xf32, #tpu.memory_space<vmem>>, vector<16xf32>,
          %mul3A_305 = vector.broadcast %squeeze3A_289 : f32 to vector<16xf32>
          %mul3A_306 = arith.mulf %get3A_304, %mul3A_305 : vector<16xf32>
          %swap3A_307 = arith.index_cast %add3A_293 : i32 to index
          %swap3A_308 = arith.constant 16 : index
          %swap3A_309 = tpu.vector_load %arg10[%swap3A_307, %swap3A_308] {strides = array<i32>} : memref<80x128xf32, #tpu.memory_space<vmem>>, vector<16xf32>,
          tpu.vector_store %arg10[%swap3A_307, %swap3A_308], %mul3A_306 {strides = array<i32>} : memref<80x128xf32, #tpu.memory_space<vmem>>, vector<16xf32>,
          %get3A_310 = arith.index_cast %add3A_293 : i32 to index
          %get3A_311 = arith.constant 32 : index
          %get3A_312 = tpu.vector_load %arg10[%get3A_310, %get3A_311] {strides = array<i32>} : memref<80x128xf32, #tpu.memory_space<vmem>>, vector<16xf32>,
          %mul3A_313 = vector.broadcast %squeeze3A_289 : f32 to vector<16xf32>
          %mul3A_314 = arith.mulf %get3A_312, %mul3A_313 : vector<16xf32>
          %swap3A_315 = arith.index_cast %add3A_293 : i32 to index
          %swap3A_316 = arith.constant 32 : index
          %swap3A_317 = tpu.vector_load %arg10[%swap3A_315, %swap3A_316] {strides = array<i32>} : memref<80x128xf32, #tpu.memory_space<vmem>>, vector<16xf32>,
          tpu.vector_store %arg10[%swap3A_315, %swap3A_316], %mul3A_314 {strides = array<i32>} : memref<80x128xf32, #tpu.memory_space<vmem>>, vector<16xf32>,
          %get3A_318 = arith.index_cast %add3A_293 : i32 to index
          %get3A_319 = arith.constant 48 : index
          %get3A_320 = tpu.vector_load %arg10[%get3A_318, %get3A_319] {strides = array<i32>} : memref<80x128xf32, #tpu.memory_space<vmem>>, vector<16xf32>,
          %mul3A_321 = vector.broadcast %squeeze3A_289 : f32 to vector<16xf32>
          %mul3A_322 = arith.mulf %get3A_320, %mul3A_321 : vector<16xf32>
          %swap3A_323 = arith.index_cast %add3A_293 : i32 to index
          %swap3A_324 = arith.constant 48 : index
          %swap3A_325 = tpu.vector_load %arg10[%swap3A_323, %swap3A_324] {strides = array<i32>} : memref<80x128xf32, #tpu.memory_space<vmem>>, vector<16xf32>,
          tpu.vector_store %arg10[%swap3A_323, %swap3A_324], %mul3A_322 {strides = array<i32>} : memref<80x128xf32, #tpu.memory_space<vmem>>, vector<16xf32>,
          %get3A_326 = arith.index_cast %add3A_293 : i32 to index
          %get3A_327 = arith.constant 64 : index
          %get3A_328 = tpu.vector_load %arg10[%get3A_326, %get3A_327] {strides = array<i32>} : memref<80x128xf32, #tpu.memory_space<vmem>>, vector<16xf32>,
          %mul3A_329 = vector.broadcast %squeeze3A_289 : f32 to vector<16xf32>
          %mul3A_330 = arith.mulf %get3A_328, %mul3A_329 : vector<16xf32>
          %swap3A_331 = arith.index_cast %add3A_293 : i32 to index
          %swap3A_332 = arith.constant 64 : index
          %swap3A_333 = tpu.vector_load %arg10[%swap3A_331, %swap3A_332] {strides = array<i32>} : memref<80x128xf32, #tpu.memory_space<vmem>>, vector<16xf32>,
          tpu.vector_store %arg10[%swap3A_331, %swap3A_332], %mul3A_330 {strides = array<i32>} : memref<80x128xf32, #tpu.memory_space<vmem>>, vector<16xf32>,
          %get3A_334 = arith.index_cast %add3A_293 : i32 to index
          %get3A_335 = arith.constant 80 : index
          %get3A_336 = tpu.vector_load %arg10[%get3A_334, %get3A_335] {strides = array<i32>} : memref<80x128xf32, #tpu.memory_space<vmem>>, vector<16xf32>,
          %mul3A_337 = vector.broadcast %squeeze3A_289 : f32 to vector<16xf32>
          %mul3A_338 = arith.mulf %get3A_336, %mul3A_337 : vector<16xf32>
          %swap3A_339 = arith.index_cast %add3A_293 : i32 to index
          %swap3A_340 = arith.constant 80 : index
          %swap3A_341 = tpu.vector_load %arg10[%swap3A_339, %swap3A_340] {strides = array<i32>} : memref<80x128xf32, #tpu.memory_space<vmem>>, vector<16xf32>,
          tpu.vector_store %arg10[%swap3A_339, %swap3A_340], %mul3A_338 {strides = array<i32>} : memref<80x128xf32, #tpu.memory_space<vmem>>, vector<16xf32>,
          %get3A_342 = arith.index_cast %add3A_293 : i32 to index
          %get3A_343 = arith.constant 96 : index
          %get3A_344 = tpu.vector_load %arg10[%get3A_342, %get3A_343] {strides = array<i32>} : memref<80x128xf32, #tpu.memory_space<vmem>>, vector<16xf32>,
          %mul3A_345 = vector.broadcast %squeeze3A_289 : f32 to vector<16xf32>
          %mul3A_346 = arith.mulf %get3A_344, %mul3A_345 : vector<16xf32>
          %swap3A_347 = arith.index_cast %add3A_293 : i32 to index
          %swap3A_348 = arith.constant 96 : index
          %swap3A_349 = tpu.vector_load %arg10[%swap3A_347, %swap3A_348] {strides = array<i32>} : memref<80x128xf32, #tpu.memory_space<vmem>>, vector<16xf32>,
          tpu.vector_store %arg10[%swap3A_347, %swap3A_348], %mul3A_346 {strides = array<i32>} : memref<80x128xf32, #tpu.memory_space<vmem>>, vector<16xf32>,
          %get3A_350 = arith.index_cast %add3A_293 : i32 to index
          %get3A_351 = arith.constant 112 : index
          %get3A_352 = tpu.vector_load %arg10[%get3A_350, %get3A_351] {strides = array<i32>} : memref<80x128xf32, #tpu.memory_space<vmem>>, vector<16xf32>,
          %mul3A_353 = vector.broadcast %squeeze3A_289 : f32 to vector<16xf32>
          %mul3A_354 = arith.mulf %get3A_352, %mul3A_353 : vector<16xf32>
          %swap3A_355 = arith.index_cast %add3A_293 : i32 to index
          %swap3A_356 = arith.constant 112 : index
          %swap3A_357 = tpu.vector_load %arg10[%swap3A_355, %swap3A_356] {strides = array<i32>} : memref<80x128xf32, #tpu.memory_space<vmem>>, vector<16xf32>,
          tpu.vector_store %arg10[%swap3A_355, %swap3A_356], %mul3A_354 {strides = array<i32>} : memref<80x128xf32, #tpu.memory_space<vmem>>, vector<16xf32>,
          %slice3A_358 = vector.extract_strided_slice %get3A_150 {offsets = [3], sizes = [1], strides = [1]} : vector<16xf32> to vector<1xf32>
          %squeeze3A_359 = vector.extract %slice3A_358[0] : f32 from vector<1xf32>
          %mul3A_360 = arith.constant 16 : i32
          %mul3A_361 = arith.muli %scan3A_146, %mul3A_360 : i32
          %add3A_362 = arith.constant 3 : i32
          %add3A_363 = arith.addi %mul3A_361, %add3A_362 : i32
          %get3A_364 = arith.index_cast %add3A_363 : i32 to index
          %get3A_365 = arith.constant 0 : index
          %get3A_366 = tpu.vector_load %arg10[%get3A_364, %get3A_365] {strides = array<i32>} : memref<80x128xf32, #tpu.memory_space<vmem>>, vector<16xf32>,
          %mul3A_367 = vector.broadcast %squeeze3A_359 : f32 to vector<16xf32>
          %mul3A_368 = arith.mulf %get3A_366, %mul3A_367 : vector<16xf32>
          %swap3A_369 = arith.index_cast %add3A_363 : i32 to index
          %swap3A_370 = arith.constant 0 : index
          %swap3A_371 = tpu.vector_load %arg10[%swap3A_369, %swap3A_370] {strides = array<i32>} : memref<80x128xf32, #tpu.memory_space<vmem>>, vector<16xf32>,
          tpu.vector_store %arg10[%swap3A_369, %swap3A_370], %mul3A_368 {strides = array<i32>} : memref<80x128xf32, #tpu.memory_space<vmem>>, vector<16xf32>,
          %get3A_372 = arith.index_cast %add3A_363 : i32 to index
          %get3A_373 = arith.constant 16 : index
          %get3A_374 = tpu.vector_load %arg10[%get3A_372, %get3A_373] {strides = array<i32>} : memref<80x128xf32, #tpu.memory_space<vmem>>, vector<16xf32>,
          %mul3A_375 = vector.broadcast %squeeze3A_359 : f32 to vector<16xf32>
          %mul3A_376 = arith.mulf %get3A_374, %mul3A_375 : vector<16xf32>
          %swap3A_377 = arith.index_cast %add3A_363 : i32 to index
          %swap3A_378 = arith.constant 16 : index
          %swap3A_379 = tpu.vector_load %arg10[%swap3A_377, %swap3A_378] {strides = array<i32>} : memref<80x128xf32, #tpu.memory_space<vmem>>, vector<16xf32>,
          tpu.vector_store %arg10[%swap3A_377, %swap3A_378], %mul3A_376 {strides = array<i32>} : memref<80x128xf32, #tpu.memory_space<vmem>>, vector<16xf32>,
          %get3A_380 = arith.index_cast %add3A_363 : i32 to index
          %get3A_381 = arith.constant 32 : index
          %get3A_382 = tpu.vector_load %arg10[%get3A_380, %get3A_381] {strides = array<i32>} : memref<80x128xf32, #tpu.memory_space<vmem>>, vector<16xf32>,
          %mul3A_383 = vector.broadcast %squeeze3A_359 : f32 to vector<16xf32>
          %mul3A_384 = arith.mulf %get3A_382, %mul3A_383 : vector<16xf32>
          %swap3A_385 = arith.index_cast %add3A_363 : i32 to index
          %swap3A_386 = arith.constant 32 : index
          %swap3A_387 = tpu.vector_load %arg10[%swap3A_385, %swap3A_386] {strides = array<i32>} : memref<80x128xf32, #tpu.memory_space<vmem>>, vector<16xf32>,
          tpu.vector_store %arg10[%swap3A_385, %swap3A_386], %mul3A_384 {strides = array<i32>} : memref<80x128xf32, #tpu.memory_space<vmem>>, vector<16xf32>,
          %get3A_388 = arith.index_cast %add3A_363 : i32 to index
          %get3A_389 = arith.constant 48 : index
          %get3A_390 = tpu.vector_load %arg10[%get3A_388, %get3A_389] {strides = array<i32>} : memref<80x128xf32, #tpu.memory_space<vmem>>, vector<16xf32>,
          %mul3A_391 = vector.broadcast %squeeze3A_359 : f32 to vector<16xf32>
          %mul3A_392 = arith.mulf %get3A_390, %mul3A_391 : vector<16xf32>
          %swap3A_393 = arith.index_cast %add3A_363 : i32 to index
          %swap3A_394 = arith.constant 48 : index
          %swap3A_395 = tpu.vector_load %arg10[%swap3A_393, %swap3A_394] {strides = array<i32>} : memref<80x128xf32, #tpu.memory_space<vmem>>, vector<16xf32>,
          tpu.vector_store %arg10[%swap3A_393, %swap3A_394], %mul3A_392 {strides = array<i32>} : memref<80x128xf32, #tpu.memory_space<vmem>>, vector<16xf32>,
          %get3A_396 = arith.index_cast %add3A_363 : i32 to index
          %get3A_397 = arith.constant 64 : index
          %get3A_398 = tpu.vector_load %arg10[%get3A_396, %get3A_397] {strides = array<i32>} : memref<80x128xf32, #tpu.memory_space<vmem>>, vector<16xf32>,
          %mul3A_399 = vector.broadcast %squeeze3A_359 : f32 to vector<16xf32>
          %mul3A_400 = arith.mulf %get3A_398, %mul3A_399 : vector<16xf32>
          %swap3A_401 = arith.index_cast %add3A_363 : i32 to index
          %swap3A_402 = arith.constant 64 : index
          %swap3A_403 = tpu.vector_load %arg10[%swap3A_401, %swap3A_402] {strides = array<i32>} : memref<80x128xf32, #tpu.memory_space<vmem>>, vector<16xf32>,
          tpu.vector_store %arg10[%swap3A_401, %swap3A_402], %mul3A_400 {strides = array<i32>} : memref<80x128xf32, #tpu.memory_space<vmem>>, vector<16xf32>,
          %get3A_404 = arith.index_cast %add3A_363 : i32 to index
          %get3A_405 = arith.constant 80 : index
          %get3A_406 = tpu.vector_load %arg10[%get3A_404, %get3A_405] {strides = array<i32>} : memref<80x128xf32, #tpu.memory_space<vmem>>, vector<16xf32>,
          %mul3A_407 = vector.broadcast %squeeze3A_359 : f32 to vector<16xf32>
          %mul3A_408 = arith.mulf %get3A_406, %mul3A_407 : vector<16xf32>
          %swap3A_409 = arith.index_cast %add3A_363 : i32 to index
          %swap3A_410 = arith.constant 80 : index
          %swap3A_411 = tpu.vector_load %arg10[%swap3A_409, %swap3A_410] {strides = array<i32>} : memref<80x128xf32, #tpu.memory_space<vmem>>, vector<16xf32>,
          tpu.vector_store %arg10[%swap3A_409, %swap3A_410], %mul3A_408 {strides = array<i32>} : memref<80x128xf32, #tpu.memory_space<vmem>>, vector<16xf32>,
          %get3A_412 = arith.index_cast %add3A_363 : i32 to index
          %get3A_413 = arith.constant 96 : index
          %get3A_414 = tpu.vector_load %arg10[%get3A_412, %get3A_413] {strides = array<i32>} : memref<80x128xf32, #tpu.memory_space<vmem>>, vector<16xf32>,
          %mul3A_415 = vector.broadcast %squeeze3A_359 : f32 to vector<16xf32>
          %mul3A_416 = arith.mulf %get3A_414, %mul3A_415 : vector<16xf32>
          %swap3A_417 = arith.index_cast %add3A_363 : i32 to index
          %swap3A_418 = arith.constant 96 : index
          %swap3A_419 = tpu.vector_load %arg10[%swap3A_417, %swap3A_418] {strides = array<i32>} : memref<80x128xf32, #tpu.memory_space<vmem>>, vector<16xf32>,
          tpu.vector_store %arg10[%swap3A_417, %swap3A_418], %mul3A_416 {strides = array<i32>} : memref<80x128xf32, #tpu.memory_space<vmem>>, vector<16xf32>,
          %get3A_420 = arith.index_cast %add3A_363 : i32 to index
          %get3A_421 = arith.constant 112 : index
          %get3A_422 = tpu.vector_load %arg10[%get3A_420, %get3A_421] {strides = array<i32>} : memref<80x128xf32, #tpu.memory_space<vmem>>, vector<16xf32>,
          %mul3A_423 = vector.broadcast %squeeze3A_359 : f32 to vector<16xf32>
          %mul3A_424 = arith.mulf %get3A_422, %mul3A_423 : vector<16xf32>
          %swap3A_425 = arith.index_cast %add3A_363 : i32 to index
          %swap3A_426 = arith.constant 112 : index
          %swap3A_427 = tpu.vector_load %arg10[%swap3A_425, %swap3A_426] {strides = array<i32>} : memref<80x128xf32, #tpu.memory_space<vmem>>, vector<16xf32>,
          tpu.vector_store %arg10[%swap3A_425, %swap3A_426], %mul3A_424 {strides = array<i32>} : memref<80x128xf32, #tpu.memory_space<vmem>>, vector<16xf32>,
          %slice3A_428 = vector.extract_strided_slice %get3A_150 {offsets = [4], sizes = [1], strides = [1]} : vector<16xf32> to vector<1xf32>
          %squeeze3A_429 = vector.extract %slice3A_428[0] : f32 from vector<1xf32>
          %mul3A_430 = arith.constant 16 : i32
          %mul3A_431 = arith.muli %scan3A_146, %mul3A_430 : i32
          %add3A_432 = arith.constant 4 : i32
          %add3A_433 = arith.addi %mul3A_431, %add3A_432 : i32
          %get3A_434 = arith.index_cast %add3A_433 : i32 to index
          %get3A_435 = arith.constant 0 : index
          %get3A_436 = tpu.vector_load %arg10[%get3A_434, %get3A_435] {strides = array<i32>} : memref<80x128xf32, #tpu.memory_space<vmem>>, vector<16xf32>,
          %mul3A_437 = vector.broadcast %squeeze3A_429 : f32 to vector<16xf32>
          %mul3A_438 = arith.mulf %get3A_436, %mul3A_437 : vector<16xf32>
          %swap3A_439 = arith.index_cast %add3A_433 : i32 to index
          %swap3A_440 = arith.constant 0 : index
          %swap3A_441 = tpu.vector_load %arg10[%swap3A_439, %swap3A_440] {strides = array<i32>} : memref<80x128xf32, #tpu.memory_space<vmem>>, vector<16xf32>,
          tpu.vector_store %arg10[%swap3A_439, %swap3A_440], %mul3A_438 {strides = array<i32>} : memref<80x128xf32, #tpu.memory_space<vmem>>, vector<16xf32>,
          %get3A_442 = arith.index_cast %add3A_433 : i32 to index
          %get3A_443 = arith.constant 16 : index
          %get3A_444 = tpu.vector_load %arg10[%get3A_442, %get3A_443] {strides = array<i32>} : memref<80x128xf32, #tpu.memory_space<vmem>>, vector<16xf32>,
          %mul3A_445 = vector.broadcast %squeeze3A_429 : f32 to vector<16xf32>
          %mul3A_446 = arith.mulf %get3A_444, %mul3A_445 : vector<16xf32>
          %swap3A_447 = arith.index_cast %add3A_433 : i32 to index
          %swap3A_448 = arith.constant 16 : index
          %swap3A_449 = tpu.vector_load %arg10[%swap3A_447, %swap3A_448] {strides = array<i32>} : memref<80x128xf32, #tpu.memory_space<vmem>>, vector<16xf32>,
          tpu.vector_store %arg10[%swap3A_447, %swap3A_448], %mul3A_446 {strides = array<i32>} : memref<80x128xf32, #tpu.memory_space<vmem>>, vector<16xf32>,
          %get3A_450 = arith.index_cast %add3A_433 : i32 to index
          %get3A_451 = arith.constant 32 : index
          %get3A_452 = tpu.vector_load %arg10[%get3A_450, %get3A_451] {strides = array<i32>} : memref<80x128xf32, #tpu.memory_space<vmem>>, vector<16xf32>,
          %mul3A_453 = vector.broadcast %squeeze3A_429 : f32 to vector<16xf32>
          %mul3A_454 = arith.mulf %get3A_452, %mul3A_453 : vector<16xf32>
          %swap3A_455 = arith.index_cast %add3A_433 : i32 to index
          %swap3A_456 = arith.constant 32 : index
          %swap3A_457 = tpu.vector_load %arg10[%swap3A_455, %swap3A_456] {strides = array<i32>} : memref<80x128xf32, #tpu.memory_space<vmem>>, vector<16xf32>,
          tpu.vector_store %arg10[%swap3A_455, %swap3A_456], %mul3A_454 {strides = array<i32>} : memref<80x128xf32, #tpu.memory_space<vmem>>, vector<16xf32>,
          %get3A_458 = arith.index_cast %add3A_433 : i32 to index
          %get3A_459 = arith.constant 48 : index
          %get3A_460 = tpu.vector_load %arg10[%get3A_458, %get3A_459] {strides = array<i32>} : memref<80x128xf32, #tpu.memory_space<vmem>>, vector<16xf32>,
          %mul3A_461 = vector.broadcast %squeeze3A_429 : f32 to vector<16xf32>
          %mul3A_462 = arith.mulf %get3A_460, %mul3A_461 : vector<16xf32>
          %swap3A_463 = arith.index_cast %add3A_433 : i32 to index
          %swap3A_464 = arith.constant 48 : index
          %swap3A_465 = tpu.vector_load %arg10[%swap3A_463, %swap3A_464] {strides = array<i32>} : memref<80x128xf32, #tpu.memory_space<vmem>>, vector<16xf32>,
          tpu.vector_store %arg10[%swap3A_463, %swap3A_464], %mul3A_462 {strides = array<i32>} : memref<80x128xf32, #tpu.memory_space<vmem>>, vector<16xf32>,
          %get3A_466 = arith.index_cast %add3A_433 : i32 to index
          %get3A_467 = arith.constant 64 : index
          %get3A_468 = tpu.vector_load %arg10[%get3A_466, %get3A_467] {strides = array<i32>} : memref<80x128xf32, #tpu.memory_space<vmem>>, vector<16xf32>,
          %mul3A_469 = vector.broadcast %squeeze3A_429 : f32 to vector<16xf32>
          %mul3A_470 = arith.mulf %get3A_468, %mul3A_469 : vector<16xf32>
          %swap3A_471 = arith.index_cast %add3A_433 : i32 to index
          %swap3A_472 = arith.constant 64 : index
          %swap3A_473 = tpu.vector_load %arg10[%swap3A_471, %swap3A_472] {strides = array<i32>} : memref<80x128xf32, #tpu.memory_space<vmem>>, vector<16xf32>,
          tpu.vector_store %arg10[%swap3A_471, %swap3A_472], %mul3A_470 {strides = array<i32>} : memref<80x128xf32, #tpu.memory_space<vmem>>, vector<16xf32>,
          %get3A_474 = arith.index_cast %add3A_433 : i32 to index
          %get3A_475 = arith.constant 80 : index
          %get3A_476 = tpu.vector_load %arg10[%get3A_474, %get3A_475] {strides = array<i32>} : memref<80x128xf32, #tpu.memory_space<vmem>>, vector<16xf32>,
          %mul3A_477 = vector.broadcast %squeeze3A_429 : f32 to vector<16xf32>
          %mul3A_478 = arith.mulf %get3A_476, %mul3A_477 : vector<16xf32>
          %swap3A_479 = arith.index_cast %add3A_433 : i32 to index
          %swap3A_480 = arith.constant 80 : index
          %swap3A_481 = tpu.vector_load %arg10[%swap3A_479, %swap3A_480] {strides = array<i32>} : memref<80x128xf32, #tpu.memory_space<vmem>>, vector<16xf32>,
          tpu.vector_store %arg10[%swap3A_479, %swap3A_480], %mul3A_478 {strides = array<i32>} : memref<80x128xf32, #tpu.memory_space<vmem>>, vector<16xf32>,
          %get3A_482 = arith.index_cast %add3A_433 : i32 to index
          %get3A_483 = arith.constant 96 : index
          %get3A_484 = tpu.vector_load %arg10[%get3A_482, %get3A_483] {strides = array<i32>} : memref<80x128xf32, #tpu.memory_space<vmem>>, vector<16xf32>,
          %mul3A_485 = vector.broadcast %squeeze3A_429 : f32 to vector<16xf32>
          %mul3A_486 = arith.mulf %get3A_484, %mul3A_485 : vector<16xf32>
          %swap3A_487 = arith.index_cast %add3A_433 : i32 to index
          %swap3A_488 = arith.constant 96 : index
          %swap3A_489 = tpu.vector_load %arg10[%swap3A_487, %swap3A_488] {strides = array<i32>} : memref<80x128xf32, #tpu.memory_space<vmem>>, vector<16xf32>,
          tpu.vector_store %arg10[%swap3A_487, %swap3A_488], %mul3A_486 {strides = array<i32>} : memref<80x128xf32, #tpu.memory_space<vmem>>, vector<16xf32>,
          %get3A_490 = arith.index_cast %add3A_433 : i32 to index
          %get3A_491 = arith.constant 112 : index
          %get3A_492 = tpu.vector_load %arg10[%get3A_490, %get3A_491] {strides = array<i32>} : memref<80x128xf32, #tpu.memory_space<vmem>>, vector<16xf32>,
          %mul3A_493 = vector.broadcast %squeeze3A_429 : f32 to vector<16xf32>
          %mul3A_494 = arith.mulf %get3A_492, %mul3A_493 : vector<16xf32>
          %swap3A_495 = arith.index_cast %add3A_433 : i32 to index
          %swap3A_496 = arith.constant 112 : index
          %swap3A_497 = tpu.vector_load %arg10[%swap3A_495, %swap3A_496] {strides = array<i32>} : memref<80x128xf32, #tpu.memory_space<vmem>>, vector<16xf32>,
          tpu.vector_store %arg10[%swap3A_495, %swap3A_496], %mul3A_494 {strides = array<i32>} : memref<80x128xf32, #tpu.memory_space<vmem>>, vector<16xf32>,
          %slice3A_498 = vector.extract_strided_slice %get3A_150 {offsets = [5], sizes = [1], strides = [1]} : vector<16xf32> to vector<1xf32>
          %squeeze3A_499 = vector.extract %slice3A_498[0] : f32 from vector<1xf32>
          %mul3A_500 = arith.constant 16 : i32
          %mul3A_501 = arith.muli %scan3A_146, %mul3A_500 : i32
          %add3A_502 = arith.constant 5 : i32
          %add3A_503 = arith.addi %mul3A_501, %add3A_502 : i32
          %get3A_504 = arith.index_cast %add3A_503 : i32 to index
          %get3A_505 = arith.constant 0 : index
          %get3A_506 = tpu.vector_load %arg10[%get3A_504, %get3A_505] {strides = array<i32>} : memref<80x128xf32, #tpu.memory_space<vmem>>, vector<16xf32>,
          %mul3A_507 = vector.broadcast %squeeze3A_499 : f32 to vector<16xf32>
          %mul3A_508 = arith.mulf %get3A_506, %mul3A_507 : vector<16xf32>
          %swap3A_509 = arith.index_cast %add3A_503 : i32 to index
          %swap3A_510 = arith.constant 0 : index
          %swap3A_511 = tpu.vector_load %arg10[%swap3A_509, %swap3A_510] {strides = array<i32>} : memref<80x128xf32, #tpu.memory_space<vmem>>, vector<16xf32>,
          tpu.vector_store %arg10[%swap3A_509, %swap3A_510], %mul3A_508 {strides = array<i32>} : memref<80x128xf32, #tpu.memory_space<vmem>>, vector<16xf32>,
          %get3A_512 = arith.index_cast %add3A_503 : i32 to index
          %get3A_513 = arith.constant 16 : index
          %get3A_514 = tpu.vector_load %arg10[%get3A_512, %get3A_513] {strides = array<i32>} : memref<80x128xf32, #tpu.memory_space<vmem>>, vector<16xf32>,
          %mul3A_515 = vector.broadcast %squeeze3A_499 : f32 to vector<16xf32>
          %mul3A_516 = arith.mulf %get3A_514, %mul3A_515 : vector<16xf32>
          %swap3A_517 = arith.index_cast %add3A_503 : i32 to index
          %swap3A_518 = arith.constant 16 : index
          %swap3A_519 = tpu.vector_load %arg10[%swap3A_517, %swap3A_518] {strides = array<i32>} : memref<80x128xf32, #tpu.memory_space<vmem>>, vector<16xf32>,
          tpu.vector_store %arg10[%swap3A_517, %swap3A_518], %mul3A_516 {strides = array<i32>} : memref<80x128xf32, #tpu.memory_space<vmem>>, vector<16xf32>,
          %get3A_520 = arith.index_cast %add3A_503 : i32 to index
          %get3A_521 = arith.constant 32 : index
          %get3A_522 = tpu.vector_load %arg10[%get3A_520, %get3A_521] {strides = array<i32>} : memref<80x128xf32, #tpu.memory_space<vmem>>, vector<16xf32>,
          %mul3A_523 = vector.broadcast %squeeze3A_499 : f32 to vector<16xf32>
          %mul3A_524 = arith.mulf %get3A_522, %mul3A_523 : vector<16xf32>
          %swap3A_525 = arith.index_cast %add3A_503 : i32 to index
          %swap3A_526 = arith.constant 32 : index
          %swap3A_527 = tpu.vector_load %arg10[%swap3A_525, %swap3A_526] {strides = array<i32>} : memref<80x128xf32, #tpu.memory_space<vmem>>, vector<16xf32>,
          tpu.vector_store %arg10[%swap3A_525, %swap3A_526], %mul3A_524 {strides = array<i32>} : memref<80x128xf32, #tpu.memory_space<vmem>>, vector<16xf32>,
          %get3A_528 = arith.index_cast %add3A_503 : i32 to index
          %get3A_529 = arith.constant 48 : index
          %get3A_530 = tpu.vector_load %arg10[%get3A_528, %get3A_529] {strides = array<i32>} : memref<80x128xf32, #tpu.memory_space<vmem>>, vector<16xf32>,
          %mul3A_531 = vector.broadcast %squeeze3A_499 : f32 to vector<16xf32>
          %mul3A_532 = arith.mulf %get3A_530, %mul3A_531 : vector<16xf32>
          %swap3A_533 = arith.index_cast %add3A_503 : i32 to index
          %swap3A_534 = arith.constant 48 : index
          %swap3A_535 = tpu.vector_load %arg10[%swap3A_533, %swap3A_534] {strides = array<i32>} : memref<80x128xf32, #tpu.memory_space<vmem>>, vector<16xf32>,
          tpu.vector_store %arg10[%swap3A_533, %swap3A_534], %mul3A_532 {strides = array<i32>} : memref<80x128xf32, #tpu.memory_space<vmem>>, vector<16xf32>,
          %get3A_536 = arith.index_cast %add3A_503 : i32 to index
          %get3A_537 = arith.constant 64 : index
          %get3A_538 = tpu.vector_load %arg10[%get3A_536, %get3A_537] {strides = array<i32>} : memref<80x128xf32, #tpu.memory_space<vmem>>, vector<16xf32>,
          %mul3A_539 = vector.broadcast %squeeze3A_499 : f32 to vector<16xf32>
          %mul3A_540 = arith.mulf %get3A_538, %mul3A_539 : vector<16xf32>
          %swap3A_541 = arith.index_cast %add3A_503 : i32 to index
          %swap3A_542 = arith.constant 64 : index
          %swap3A_543 = tpu.vector_load %arg10[%swap3A_541, %swap3A_542] {strides = array<i32>} : memref<80x128xf32, #tpu.memory_space<vmem>>, vector<16xf32>,
          tpu.vector_store %arg10[%swap3A_541, %swap3A_542], %mul3A_540 {strides = array<i32>} : memref<80x128xf32, #tpu.memory_space<vmem>>, vector<16xf32>,
          %get3A_544 = arith.index_cast %add3A_503 : i32 to index
          %get3A_545 = arith.constant 80 : index
          %get3A_546 = tpu.vector_load %arg10[%get3A_544, %get3A_545] {strides = array<i32>} : memref<80x128xf32, #tpu.memory_space<vmem>>, vector<16xf32>,
          %mul3A_547 = vector.broadcast %squeeze3A_499 : f32 to vector<16xf32>
          %mul3A_548 = arith.mulf %get3A_546, %mul3A_547 : vector<16xf32>
          %swap3A_549 = arith.index_cast %add3A_503 : i32 to index
          %swap3A_550 = arith.constant 80 : index
          %swap3A_551 = tpu.vector_load %arg10[%swap3A_549, %swap3A_550] {strides = array<i32>} : memref<80x128xf32, #tpu.memory_space<vmem>>, vector<16xf32>,
          tpu.vector_store %arg10[%swap3A_549, %swap3A_550], %mul3A_548 {strides = array<i32>} : memref<80x128xf32, #tpu.memory_space<vmem>>, vector<16xf32>,
          %get3A_552 = arith.index_cast %add3A_503 : i32 to index
          %get3A_553 = arith.constant 96 : index
          %get3A_554 = tpu.vector_load %arg10[%get3A_552, %get3A_553] {strides = array<i32>} : memref<80x128xf32, #tpu.memory_space<vmem>>, vector<16xf32>,
          %mul3A_555 = vector.broadcast %squeeze3A_499 : f32 to vector<16xf32>
          %mul3A_556 = arith.mulf %get3A_554, %mul3A_555 : vector<16xf32>
          %swap3A_557 = arith.index_cast %add3A_503 : i32 to index
          %swap3A_558 = arith.constant 96 : index
          %swap3A_559 = tpu.vector_load %arg10[%swap3A_557, %swap3A_558] {strides = array<i32>} : memref<80x128xf32, #tpu.memory_space<vmem>>, vector<16xf32>,
          tpu.vector_store %arg10[%swap3A_557, %swap3A_558], %mul3A_556 {strides = array<i32>} : memref<80x128xf32, #tpu.memory_space<vmem>>, vector<16xf32>,
          %get3A_560 = arith.index_cast %add3A_503 : i32 to index
          %get3A_561 = arith.constant 112 : index
          %get3A_562 = tpu.vector_load %arg10[%get3A_560, %get3A_561] {strides = array<i32>} : memref<80x128xf32, #tpu.memory_space<vmem>>, vector<16xf32>,
          %mul3A_563 = vector.broadcast %squeeze3A_499 : f32 to vector<16xf32>
          %mul3A_564 = arith.mulf %get3A_562, %mul3A_563 : vector<16xf32>
          %swap3A_565 = arith.index_cast %add3A_503 : i32 to index
          %swap3A_566 = arith.constant 112 : index
          %swap3A_567 = tpu.vector_load %arg10[%swap3A_565, %swap3A_566] {strides = array<i32>} : memref<80x128xf32, #tpu.memory_space<vmem>>, vector<16xf32>,
          tpu.vector_store %arg10[%swap3A_565, %swap3A_566], %mul3A_564 {strides = array<i32>} : memref<80x128xf32, #tpu.memory_space<vmem>>, vector<16xf32>,
          %slice3A_568 = vector.extract_strided_slice %get3A_150 {offsets = [6], sizes = [1], strides = [1]} : vector<16xf32> to vector<1xf32>
          %squeeze3A_569 = vector.extract %slice3A_568[0] : f32 from vector<1xf32>
          %mul3A_570 = arith.constant 16 : i32
          %mul3A_571 = arith.muli %scan3A_146, %mul3A_570 : i32
          %add3A_572 = arith.constant 6 : i32
          %add3A_573 = arith.addi %mul3A_571, %add3A_572 : i32
          %get3A_574 = arith.index_cast %add3A_573 : i32 to index
          %get3A_575 = arith.constant 0 : index
          %get3A_576 = tpu.vector_load %arg10[%get3A_574, %get3A_575] {strides = array<i32>} : memref<80x128xf32, #tpu.memory_space<vmem>>, vector<16xf32>,
          %mul3A_577 = vector.broadcast %squeeze3A_569 : f32 to vector<16xf32>
          %mul3A_578 = arith.mulf %get3A_576, %mul3A_577 : vector<16xf32>
          %swap3A_579 = arith.index_cast %add3A_573 : i32 to index
          %swap3A_580 = arith.constant 0 : index
          %swap3A_581 = tpu.vector_load %arg10[%swap3A_579, %swap3A_580] {strides = array<i32>} : memref<80x128xf32, #tpu.memory_space<vmem>>, vector<16xf32>,
          tpu.vector_store %arg10[%swap3A_579, %swap3A_580], %mul3A_578 {strides = array<i32>} : memref<80x128xf32, #tpu.memory_space<vmem>>, vector<16xf32>,
          %get3A_582 = arith.index_cast %add3A_573 : i32 to index
          %get3A_583 = arith.constant 16 : index
          %get3A_584 = tpu.vector_load %arg10[%get3A_582, %get3A_583] {strides = array<i32>} : memref<80x128xf32, #tpu.memory_space<vmem>>, vector<16xf32>,
          %mul3A_585 = vector.broadcast %squeeze3A_569 : f32 to vector<16xf32>
          %mul3A_586 = arith.mulf %get3A_584, %mul3A_585 : vector<16xf32>
          %swap3A_587 = arith.index_cast %add3A_573 : i32 to index
          %swap3A_588 = arith.constant 16 : index
          %swap3A_589 = tpu.vector_load %arg10[%swap3A_587, %swap3A_588] {strides = array<i32>} : memref<80x128xf32, #tpu.memory_space<vmem>>, vector<16xf32>,
          tpu.vector_store %arg10[%swap3A_587, %swap3A_588], %mul3A_586 {strides = array<i32>} : memref<80x128xf32, #tpu.memory_space<vmem>>, vector<16xf32>,
          %get3A_590 = arith.index_cast %add3A_573 : i32 to index
          %get3A_591 = arith.constant 32 : index
          %get3A_592 = tpu.vector_load %arg10[%get3A_590, %get3A_591] {strides = array<i32>} : memref<80x128xf32, #tpu.memory_space<vmem>>, vector<16xf32>,
          %mul3A_593 = vector.broadcast %squeeze3A_569 : f32 to vector<16xf32>
          %mul3A_594 = arith.mulf %get3A_592, %mul3A_593 : vector<16xf32>
          %swap3A_595 = arith.index_cast %add3A_573 : i32 to index
          %swap3A_596 = arith.constant 32 : index
          %swap3A_597 = tpu.vector_load %arg10[%swap3A_595, %swap3A_596] {strides = array<i32>} : memref<80x128xf32, #tpu.memory_space<vmem>>, vector<16xf32>,
          tpu.vector_store %arg10[%swap3A_595, %swap3A_596], %mul3A_594 {strides = array<i32>} : memref<80x128xf32, #tpu.memory_space<vmem>>, vector<16xf32>,
          %get3A_598 = arith.index_cast %add3A_573 : i32 to index
          %get3A_599 = arith.constant 48 : index
          %get3A_600 = tpu.vector_load %arg10[%get3A_598, %get3A_599] {strides = array<i32>} : memref<80x128xf32, #tpu.memory_space<vmem>>, vector<16xf32>,
          %mul3A_601 = vector.broadcast %squeeze3A_569 : f32 to vector<16xf32>
          %mul3A_602 = arith.mulf %get3A_600, %mul3A_601 : vector<16xf32>
          %swap3A_603 = arith.index_cast %add3A_573 : i32 to index
          %swap3A_604 = arith.constant 48 : index
          %swap3A_605 = tpu.vector_load %arg10[%swap3A_603, %swap3A_604] {strides = array<i32>} : memref<80x128xf32, #tpu.memory_space<vmem>>, vector<16xf32>,
          tpu.vector_store %arg10[%swap3A_603, %swap3A_604], %mul3A_602 {strides = array<i32>} : memref<80x128xf32, #tpu.memory_space<vmem>>, vector<16xf32>,
          %get3A_606 = arith.index_cast %add3A_573 : i32 to index
          %get3A_607 = arith.constant 64 : index
          %get3A_608 = tpu.vector_load %arg10[%get3A_606, %get3A_607] {strides = array<i32>} : memref<80x128xf32, #tpu.memory_space<vmem>>, vector<16xf32>,
          %mul3A_609 = vector.broadcast %squeeze3A_569 : f32 to vector<16xf32>
          %mul3A_610 = arith.mulf %get3A_608, %mul3A_609 : vector<16xf32>
          %swap3A_611 = arith.index_cast %add3A_573 : i32 to index
          %swap3A_612 = arith.constant 64 : index
          %swap3A_613 = tpu.vector_load %arg10[%swap3A_611, %swap3A_612] {strides = array<i32>} : memref<80x128xf32, #tpu.memory_space<vmem>>, vector<16xf32>,
          tpu.vector_store %arg10[%swap3A_611, %swap3A_612], %mul3A_610 {strides = array<i32>} : memref<80x128xf32, #tpu.memory_space<vmem>>, vector<16xf32>,
          %get3A_614 = arith.index_cast %add3A_573 : i32 to index
          %get3A_615 = arith.constant 80 : index
          %get3A_616 = tpu.vector_load %arg10[%get3A_614, %get3A_615] {strides = array<i32>} : memref<80x128xf32, #tpu.memory_space<vmem>>, vector<16xf32>,
          %mul3A_617 = vector.broadcast %squeeze3A_569 : f32 to vector<16xf32>
          %mul3A_618 = arith.mulf %get3A_616, %mul3A_617 : vector<16xf32>
          %swap3A_619 = arith.index_cast %add3A_573 : i32 to index
          %swap3A_620 = arith.constant 80 : index
          %swap3A_621 = tpu.vector_load %arg10[%swap3A_619, %swap3A_620] {strides = array<i32>} : memref<80x128xf32, #tpu.memory_space<vmem>>, vector<16xf32>,
          tpu.vector_store %arg10[%swap3A_619, %swap3A_620], %mul3A_618 {strides = array<i32>} : memref<80x128xf32, #tpu.memory_space<vmem>>, vector<16xf32>,
          %get3A_622 = arith.index_cast %add3A_573 : i32 to index
          %get3A_623 = arith.constant 96 : index
          %get3A_624 = tpu.vector_load %arg10[%get3A_622, %get3A_623] {strides = array<i32>} : memref<80x128xf32, #tpu.memory_space<vmem>>, vector<16xf32>,
          %mul3A_625 = vector.broadcast %squeeze3A_569 : f32 to vector<16xf32>
          %mul3A_626 = arith.mulf %get3A_624, %mul3A_625 : vector<16xf32>
          %swap3A_627 = arith.index_cast %add3A_573 : i32 to index
          %swap3A_628 = arith.constant 96 : index
          %swap3A_629 = tpu.vector_load %arg10[%swap3A_627, %swap3A_628] {strides = array<i32>} : memref<80x128xf32, #tpu.memory_space<vmem>>, vector<16xf32>,
          tpu.vector_store %arg10[%swap3A_627, %swap3A_628], %mul3A_626 {strides = array<i32>} : memref<80x128xf32, #tpu.memory_space<vmem>>, vector<16xf32>,
          %get3A_630 = arith.index_cast %add3A_573 : i32 to index
          %get3A_631 = arith.constant 112 : index
          %get3A_632 = tpu.vector_load %arg10[%get3A_630, %get3A_631] {strides = array<i32>} : memref<80x128xf32, #tpu.memory_space<vmem>>, vector<16xf32>,
          %mul3A_633 = vector.broadcast %squeeze3A_569 : f32 to vector<16xf32>
          %mul3A_634 = arith.mulf %get3A_632, %mul3A_633 : vector<16xf32>
          %swap3A_635 = arith.index_cast %add3A_573 : i32 to index
          %swap3A_636 = arith.constant 112 : index
          %swap3A_637 = tpu.vector_load %arg10[%swap3A_635, %swap3A_636] {strides = array<i32>} : memref<80x128xf32, #tpu.memory_space<vmem>>, vector<16xf32>,
          tpu.vector_store %arg10[%swap3A_635, %swap3A_636], %mul3A_634 {strides = array<i32>} : memref<80x128xf32, #tpu.memory_space<vmem>>, vector<16xf32>,
          %slice3A_638 = vector.extract_strided_slice %get3A_150 {offsets = [7], sizes = [1], strides = [1]} : vector<16xf32> to vector<1xf32>
          %squeeze3A_639 = vector.extract %slice3A_638[0] : f32 from vector<1xf32>
          %mul3A_640 = arith.constant 16 : i32
          %mul3A_641 = arith.muli %scan3A_146, %mul3A_640 : i32
          %add3A_642 = arith.constant 7 : i32
          %add3A_643 = arith.addi %mul3A_641, %add3A_642 : i32
          %get3A_644 = arith.index_cast %add3A_643 : i32 to index
          %get3A_645 = arith.constant 0 : index
          %get3A_646 = tpu.vector_load %arg10[%get3A_644, %get3A_645] {strides = array<i32>} : memref<80x128xf32, #tpu.memory_space<vmem>>, vector<16xf32>,
          %mul3A_647 = vector.broadcast %squeeze3A_639 : f32 to vector<16xf32>
          %mul3A_648 = arith.mulf %get3A_646, %mul3A_647 : vector<16xf32>
          %swap3A_649 = arith.index_cast %add3A_643 : i32 to index
          %swap3A_650 = arith.constant 0 : index
          %swap3A_651 = tpu.vector_load %arg10[%swap3A_649, %swap3A_650] {strides = array<i32>} : memref<80x128xf32, #tpu.memory_space<vmem>>, vector<16xf32>,
          tpu.vector_store %arg10[%swap3A_649, %swap3A_650], %mul3A_648 {strides = array<i32>} : memref<80x128xf32, #tpu.memory_space<vmem>>, vector<16xf32>,
          %get3A_652 = arith.index_cast %add3A_643 : i32 to index
          %get3A_653 = arith.constant 16 : index
          %get3A_654 = tpu.vector_load %arg10[%get3A_652, %get3A_653] {strides = array<i32>} : memref<80x128xf32, #tpu.memory_space<vmem>>, vector<16xf32>,
          %mul3A_655 = vector.broadcast %squeeze3A_639 : f32 to vector<16xf32>
          %mul3A_656 = arith.mulf %get3A_654, %mul3A_655 : vector<16xf32>
          %swap3A_657 = arith.index_cast %add3A_643 : i32 to index
          %swap3A_658 = arith.constant 16 : index
          %swap3A_659 = tpu.vector_load %arg10[%swap3A_657, %swap3A_658] {strides = array<i32>} : memref<80x128xf32, #tpu.memory_space<vmem>>, vector<16xf32>,
          tpu.vector_store %arg10[%swap3A_657, %swap3A_658], %mul3A_656 {strides = array<i32>} : memref<80x128xf32, #tpu.memory_space<vmem>>, vector<16xf32>,
          %get3A_660 = arith.index_cast %add3A_643 : i32 to index
          %get3A_661 = arith.constant 32 : index
          %get3A_662 = tpu.vector_load %arg10[%get3A_660, %get3A_661] {strides = array<i32>} : memref<80x128xf32, #tpu.memory_space<vmem>>, vector<16xf32>,
          %mul3A_663 = vector.broadcast %squeeze3A_639 : f32 to vector<16xf32>
          %mul3A_664 = arith.mulf %get3A_662, %mul3A_663 : vector<16xf32>
          %swap3A_665 = arith.index_cast %add3A_643 : i32 to index
          %swap3A_666 = arith.constant 32 : index
          %swap3A_667 = tpu.vector_load %arg10[%swap3A_665, %swap3A_666] {strides = array<i32>} : memref<80x128xf32, #tpu.memory_space<vmem>>, vector<16xf32>,
          tpu.vector_store %arg10[%swap3A_665, %swap3A_666], %mul3A_664 {strides = array<i32>} : memref<80x128xf32, #tpu.memory_space<vmem>>, vector<16xf32>,
          %get3A_668 = arith.index_cast %add3A_643 : i32 to index
          %get3A_669 = arith.constant 48 : index
          %get3A_670 = tpu.vector_load %arg10[%get3A_668, %get3A_669] {strides = array<i32>} : memref<80x128xf32, #tpu.memory_space<vmem>>, vector<16xf32>,
          %mul3A_671 = vector.broadcast %squeeze3A_639 : f32 to vector<16xf32>
          %mul3A_672 = arith.mulf %get3A_670, %mul3A_671 : vector<16xf32>
          %swap3A_673 = arith.index_cast %add3A_643 : i32 to index
          %swap3A_674 = arith.constant 48 : index
          %swap3A_675 = tpu.vector_load %arg10[%swap3A_673, %swap3A_674] {strides = array<i32>} : memref<80x128xf32, #tpu.memory_space<vmem>>, vector<16xf32>,
          tpu.vector_store %arg10[%swap3A_673, %swap3A_674], %mul3A_672 {strides = array<i32>} : memref<80x128xf32, #tpu.memory_space<vmem>>, vector<16xf32>,
          %get3A_676 = arith.index_cast %add3A_643 : i32 to index
          %get3A_677 = arith.constant 64 : index
          %get3A_678 = tpu.vector_load %arg10[%get3A_676, %get3A_677] {strides = array<i32>} : memref<80x128xf32, #tpu.memory_space<vmem>>, vector<16xf32>,
          %mul3A_679 = vector.broadcast %squeeze3A_639 : f32 to vector<16xf32>
          %mul3A_680 = arith.mulf %get3A_678, %mul3A_679 : vector<16xf32>
          %swap3A_681 = arith.index_cast %add3A_643 : i32 to index
          %swap3A_682 = arith.constant 64 : index
          %swap3A_683 = tpu.vector_load %arg10[%swap3A_681, %swap3A_682] {strides = array<i32>} : memref<80x128xf32, #tpu.memory_space<vmem>>, vector<16xf32>,
          tpu.vector_store %arg10[%swap3A_681, %swap3A_682], %mul3A_680 {strides = array<i32>} : memref<80x128xf32, #tpu.memory_space<vmem>>, vector<16xf32>,
          %get3A_684 = arith.index_cast %add3A_643 : i32 to index
          %get3A_685 = arith.constant 80 : index
          %get3A_686 = tpu.vector_load %arg10[%get3A_684, %get3A_685] {strides = array<i32>} : memref<80x128xf32, #tpu.memory_space<vmem>>, vector<16xf32>,
          %mul3A_687 = vector.broadcast %squeeze3A_639 : f32 to vector<16xf32>
          %mul3A_688 = arith.mulf %get3A_686, %mul3A_687 : vector<16xf32>
          %swap3A_689 = arith.index_cast %add3A_643 : i32 to index
          %swap3A_690 = arith.constant 80 : index
          %swap3A_691 = tpu.vector_load %arg10[%swap3A_689, %swap3A_690] {strides = array<i32>} : memref<80x128xf32, #tpu.memory_space<vmem>>, vector<16xf32>,
          tpu.vector_store %arg10[%swap3A_689, %swap3A_690], %mul3A_688 {strides = array<i32>} : memref<80x128xf32, #tpu.memory_space<vmem>>, vector<16xf32>,
          %get3A_692 = arith.index_cast %add3A_643 : i32 to index
          %get3A_693 = arith.constant 96 : index
          %get3A_694 = tpu.vector_load %arg10[%get3A_692, %get3A_693] {strides = array<i32>} : memref<80x128xf32, #tpu.memory_space<vmem>>, vector<16xf32>,
          %mul3A_695 = vector.broadcast %squeeze3A_639 : f32 to vector<16xf32>
          %mul3A_696 = arith.mulf %get3A_694, %mul3A_695 : vector<16xf32>
          %swap3A_697 = arith.index_cast %add3A_643 : i32 to index
          %swap3A_698 = arith.constant 96 : index
          %swap3A_699 = tpu.vector_load %arg10[%swap3A_697, %swap3A_698] {strides = array<i32>} : memref<80x128xf32, #tpu.memory_space<vmem>>, vector<16xf32>,
          tpu.vector_store %arg10[%swap3A_697, %swap3A_698], %mul3A_696 {strides = array<i32>} : memref<80x128xf32, #tpu.memory_space<vmem>>, vector<16xf32>,
          %get3A_700 = arith.index_cast %add3A_643 : i32 to index
          %get3A_701 = arith.constant 112 : index
          %get3A_702 = tpu.vector_load %arg10[%get3A_700, %get3A_701] {strides = array<i32>} : memref<80x128xf32, #tpu.memory_space<vmem>>, vector<16xf32>,
          %mul3A_703 = vector.broadcast %squeeze3A_639 : f32 to vector<16xf32>
          %mul3A_704 = arith.mulf %get3A_702, %mul3A_703 : vector<16xf32>
          %swap3A_705 = arith.index_cast %add3A_643 : i32 to index
          %swap3A_706 = arith.constant 112 : index
          %swap3A_707 = tpu.vector_load %arg10[%swap3A_705, %swap3A_706] {strides = array<i32>} : memref<80x128xf32, #tpu.memory_space<vmem>>, vector<16xf32>,
          tpu.vector_store %arg10[%swap3A_705, %swap3A_706], %mul3A_704 {strides = array<i32>} : memref<80x128xf32, #tpu.memory_space<vmem>>, vector<16xf32>,
          %slice3A_708 = vector.extract_strided_slice %get3A_150 {offsets = [8], sizes = [1], strides = [1]} : vector<16xf32> to vector<1xf32>
          %squeeze3A_709 = vector.extract %slice3A_708[0] : f32 from vector<1xf32>
          %mul3A_710 = arith.constant 16 : i32
          %mul3A_711 = arith.muli %scan3A_146, %mul3A_710 : i32
          %add3A_712 = arith.constant 8 : i32
          %add3A_713 = arith.addi %mul3A_711, %add3A_712 : i32
          %get3A_714 = arith.index_cast %add3A_713 : i32 to index
          %get3A_715 = arith.constant 0 : index
          %get3A_716 = tpu.vector_load %arg10[%get3A_714, %get3A_715] {strides = array<i32>} : memref<80x128xf32, #tpu.memory_space<vmem>>, vector<16xf32>,
          %mul3A_717 = vector.broadcast %squeeze3A_709 : f32 to vector<16xf32>
          %mul3A_718 = arith.mulf %get3A_716, %mul3A_717 : vector<16xf32>
          %swap3A_719 = arith.index_cast %add3A_713 : i32 to index
          %swap3A_720 = arith.constant 0 : index
          %swap3A_721 = tpu.vector_load %arg10[%swap3A_719, %swap3A_720] {strides = array<i32>} : memref<80x128xf32, #tpu.memory_space<vmem>>, vector<16xf32>,
          tpu.vector_store %arg10[%swap3A_719, %swap3A_720], %mul3A_718 {strides = array<i32>} : memref<80x128xf32, #tpu.memory_space<vmem>>, vector<16xf32>,
          %get3A_722 = arith.index_cast %add3A_713 : i32 to index
          %get3A_723 = arith.constant 16 : index
          %get3A_724 = tpu.vector_load %arg10[%get3A_722, %get3A_723] {strides = array<i32>} : memref<80x128xf32, #tpu.memory_space<vmem>>, vector<16xf32>,
          %mul3A_725 = vector.broadcast %squeeze3A_709 : f32 to vector<16xf32>
          %mul3A_726 = arith.mulf %get3A_724, %mul3A_725 : vector<16xf32>
          %swap3A_727 = arith.index_cast %add3A_713 : i32 to index
          %swap3A_728 = arith.constant 16 : index
          %swap3A_729 = tpu.vector_load %arg10[%swap3A_727, %swap3A_728] {strides = array<i32>} : memref<80x128xf32, #tpu.memory_space<vmem>>, vector<16xf32>,
          tpu.vector_store %arg10[%swap3A_727, %swap3A_728], %mul3A_726 {strides = array<i32>} : memref<80x128xf32, #tpu.memory_space<vmem>>, vector<16xf32>,
          %get3A_730 = arith.index_cast %add3A_713 : i32 to index
          %get3A_731 = arith.constant 32 : index
          %get3A_732 = tpu.vector_load %arg10[%get3A_730, %get3A_731] {strides = array<i32>} : memref<80x128xf32, #tpu.memory_space<vmem>>, vector<16xf32>,
          %mul3A_733 = vector.broadcast %squeeze3A_709 : f32 to vector<16xf32>
          %mul3A_734 = arith.mulf %get3A_732, %mul3A_733 : vector<16xf32>
          %swap3A_735 = arith.index_cast %add3A_713 : i32 to index
          %swap3A_736 = arith.constant 32 : index
          %swap3A_737 = tpu.vector_load %arg10[%swap3A_735, %swap3A_736] {strides = array<i32>} : memref<80x128xf32, #tpu.memory_space<vmem>>, vector<16xf32>,
          tpu.vector_store %arg10[%swap3A_735, %swap3A_736], %mul3A_734 {strides = array<i32>} : memref<80x128xf32, #tpu.memory_space<vmem>>, vector<16xf32>,
          %get3A_738 = arith.index_cast %add3A_713 : i32 to index
          %get3A_739 = arith.constant 48 : index
          %get3A_740 = tpu.vector_load %arg10[%get3A_738, %get3A_739] {strides = array<i32>} : memref<80x128xf32, #tpu.memory_space<vmem>>, vector<16xf32>,
          %mul3A_741 = vector.broadcast %squeeze3A_709 : f32 to vector<16xf32>
          %mul3A_742 = arith.mulf %get3A_740, %mul3A_741 : vector<16xf32>
          %swap3A_743 = arith.index_cast %add3A_713 : i32 to index
          %swap3A_744 = arith.constant 48 : index
          %swap3A_745 = tpu.vector_load %arg10[%swap3A_743, %swap3A_744] {strides = array<i32>} : memref<80x128xf32, #tpu.memory_space<vmem>>, vector<16xf32>,
          tpu.vector_store %arg10[%swap3A_743, %swap3A_744], %mul3A_742 {strides = array<i32>} : memref<80x128xf32, #tpu.memory_space<vmem>>, vector<16xf32>,
          %get3A_746 = arith.index_cast %add3A_713 : i32 to index
          %get3A_747 = arith.constant 64 : index
          %get3A_748 = tpu.vector_load %arg10[%get3A_746, %get3A_747] {strides = array<i32>} : memref<80x128xf32, #tpu.memory_space<vmem>>, vector<16xf32>,
          %mul3A_749 = vector.broadcast %squeeze3A_709 : f32 to vector<16xf32>
          %mul3A_750 = arith.mulf %get3A_748, %mul3A_749 : vector<16xf32>
          %swap3A_751 = arith.index_cast %add3A_713 : i32 to index
          %swap3A_752 = arith.constant 64 : index
          %swap3A_753 = tpu.vector_load %arg10[%swap3A_751, %swap3A_752] {strides = array<i32>} : memref<80x128xf32, #tpu.memory_space<vmem>>, vector<16xf32>,
          tpu.vector_store %arg10[%swap3A_751, %swap3A_752], %mul3A_750 {strides = array<i32>} : memref<80x128xf32, #tpu.memory_space<vmem>>, vector<16xf32>,
          %get3A_754 = arith.index_cast %add3A_713 : i32 to index
          %get3A_755 = arith.constant 80 : index
          %get3A_756 = tpu.vector_load %arg10[%get3A_754, %get3A_755] {strides = array<i32>} : memref<80x128xf32, #tpu.memory_space<vmem>>, vector<16xf32>,
          %mul3A_757 = vector.broadcast %squeeze3A_709 : f32 to vector<16xf32>
          %mul3A_758 = arith.mulf %get3A_756, %mul3A_757 : vector<16xf32>
          %swap3A_759 = arith.index_cast %add3A_713 : i32 to index
          %swap3A_760 = arith.constant 80 : index
          %swap3A_761 = tpu.vector_load %arg10[%swap3A_759, %swap3A_760] {strides = array<i32>} : memref<80x128xf32, #tpu.memory_space<vmem>>, vector<16xf32>,
          tpu.vector_store %arg10[%swap3A_759, %swap3A_760], %mul3A_758 {strides = array<i32>} : memref<80x128xf32, #tpu.memory_space<vmem>>, vector<16xf32>,
          %get3A_762 = arith.index_cast %add3A_713 : i32 to index
          %get3A_763 = arith.constant 96 : index
          %get3A_764 = tpu.vector_load %arg10[%get3A_762, %get3A_763] {strides = array<i32>} : memref<80x128xf32, #tpu.memory_space<vmem>>, vector<16xf32>,
          %mul3A_765 = vector.broadcast %squeeze3A_709 : f32 to vector<16xf32>
          %mul3A_766 = arith.mulf %get3A_764, %mul3A_765 : vector<16xf32>
          %swap3A_767 = arith.index_cast %add3A_713 : i32 to index
          %swap3A_768 = arith.constant 96 : index
          %swap3A_769 = tpu.vector_load %arg10[%swap3A_767, %swap3A_768] {strides = array<i32>} : memref<80x128xf32, #tpu.memory_space<vmem>>, vector<16xf32>,
          tpu.vector_store %arg10[%swap3A_767, %swap3A_768], %mul3A_766 {strides = array<i32>} : memref<80x128xf32, #tpu.memory_space<vmem>>, vector<16xf32>,
          %get3A_770 = arith.index_cast %add3A_713 : i32 to index
          %get3A_771 = arith.constant 112 : index
          %get3A_772 = tpu.vector_load %arg10[%get3A_770, %get3A_771] {strides = array<i32>} : memref<80x128xf32, #tpu.memory_space<vmem>>, vector<16xf32>,
          %mul3A_773 = vector.broadcast %squeeze3A_709 : f32 to vector<16xf32>
          %mul3A_774 = arith.mulf %get3A_772, %mul3A_773 : vector<16xf32>
          %swap3A_775 = arith.index_cast %add3A_713 : i32 to index
          %swap3A_776 = arith.constant 112 : index
          %swap3A_777 = tpu.vector_load %arg10[%swap3A_775, %swap3A_776] {strides = array<i32>} : memref<80x128xf32, #tpu.memory_space<vmem>>, vector<16xf32>,
          tpu.vector_store %arg10[%swap3A_775, %swap3A_776], %mul3A_774 {strides = array<i32>} : memref<80x128xf32, #tpu.memory_space<vmem>>, vector<16xf32>,
          %slice3A_778 = vector.extract_strided_slice %get3A_150 {offsets = [9], sizes = [1], strides = [1]} : vector<16xf32> to vector<1xf32>
          %squeeze3A_779 = vector.extract %slice3A_778[0] : f32 from vector<1xf32>
          %mul3A_780 = arith.constant 16 : i32
          %mul3A_781 = arith.muli %scan3A_146, %mul3A_780 : i32
          %add3A_782 = arith.constant 9 : i32
          %add3A_783 = arith.addi %mul3A_781, %add3A_782 : i32
          %get3A_784 = arith.index_cast %add3A_783 : i32 to index
          %get3A_785 = arith.constant 0 : index
          %get3A_786 = tpu.vector_load %arg10[%get3A_784, %get3A_785] {strides = array<i32>} : memref<80x128xf32, #tpu.memory_space<vmem>>, vector<16xf32>,
          %mul3A_787 = vector.broadcast %squeeze3A_779 : f32 to vector<16xf32>
          %mul3A_788 = arith.mulf %get3A_786, %mul3A_787 : vector<16xf32>
          %swap3A_789 = arith.index_cast %add3A_783 : i32 to index
          %swap3A_790 = arith.constant 0 : index
          %swap3A_791 = tpu.vector_load %arg10[%swap3A_789, %swap3A_790] {strides = array<i32>} : memref<80x128xf32, #tpu.memory_space<vmem>>, vector<16xf32>,
          tpu.vector_store %arg10[%swap3A_789, %swap3A_790], %mul3A_788 {strides = array<i32>} : memref<80x128xf32, #tpu.memory_space<vmem>>, vector<16xf32>,
          %get3A_792 = arith.index_cast %add3A_783 : i32 to index
          %get3A_793 = arith.constant 16 : index
          %get3A_794 = tpu.vector_load %arg10[%get3A_792, %get3A_793] {strides = array<i32>} : memref<80x128xf32, #tpu.memory_space<vmem>>, vector<16xf32>,
          %mul3A_795 = vector.broadcast %squeeze3A_779 : f32 to vector<16xf32>
          %mul3A_796 = arith.mulf %get3A_794, %mul3A_795 : vector<16xf32>
          %swap3A_797 = arith.index_cast %add3A_783 : i32 to index
          %swap3A_798 = arith.constant 16 : index
          %swap3A_799 = tpu.vector_load %arg10[%swap3A_797, %swap3A_798] {strides = array<i32>} : memref<80x128xf32, #tpu.memory_space<vmem>>, vector<16xf32>,
          tpu.vector_store %arg10[%swap3A_797, %swap3A_798], %mul3A_796 {strides = array<i32>} : memref<80x128xf32, #tpu.memory_space<vmem>>, vector<16xf32>,
          %get3A_800 = arith.index_cast %add3A_783 : i32 to index
          %get3A_801 = arith.constant 32 : index
          %get3A_802 = tpu.vector_load %arg10[%get3A_800, %get3A_801] {strides = array<i32>} : memref<80x128xf32, #tpu.memory_space<vmem>>, vector<16xf32>,
          %mul3A_803 = vector.broadcast %squeeze3A_779 : f32 to vector<16xf32>
          %mul3A_804 = arith.mulf %get3A_802, %mul3A_803 : vector<16xf32>
          %swap3A_805 = arith.index_cast %add3A_783 : i32 to index
          %swap3A_806 = arith.constant 32 : index
          %swap3A_807 = tpu.vector_load %arg10[%swap3A_805, %swap3A_806] {strides = array<i32>} : memref<80x128xf32, #tpu.memory_space<vmem>>, vector<16xf32>,
          tpu.vector_store %arg10[%swap3A_805, %swap3A_806], %mul3A_804 {strides = array<i32>} : memref<80x128xf32, #tpu.memory_space<vmem>>, vector<16xf32>,
          %get3A_808 = arith.index_cast %add3A_783 : i32 to index
          %get3A_809 = arith.constant 48 : index
          %get3A_810 = tpu.vector_load %arg10[%get3A_808, %get3A_809] {strides = array<i32>} : memref<80x128xf32, #tpu.memory_space<vmem>>, vector<16xf32>,
          %mul3A_811 = vector.broadcast %squeeze3A_779 : f32 to vector<16xf32>
          %mul3A_812 = arith.mulf %get3A_810, %mul3A_811 : vector<16xf32>
          %swap3A_813 = arith.index_cast %add3A_783 : i32 to index
          %swap3A_814 = arith.constant 48 : index
          %swap3A_815 = tpu.vector_load %arg10[%swap3A_813, %swap3A_814] {strides = array<i32>} : memref<80x128xf32, #tpu.memory_space<vmem>>, vector<16xf32>,
          tpu.vector_store %arg10[%swap3A_813, %swap3A_814], %mul3A_812 {strides = array<i32>} : memref<80x128xf32, #tpu.memory_space<vmem>>, vector<16xf32>,
          %get3A_816 = arith.index_cast %add3A_783 : i32 to index
          %get3A_817 = arith.constant 64 : index
          %get3A_818 = tpu.vector_load %arg10[%get3A_816, %get3A_817] {strides = array<i32>} : memref<80x128xf32, #tpu.memory_space<vmem>>, vector<16xf32>,
          %mul3A_819 = vector.broadcast %squeeze3A_779 : f32 to vector<16xf32>
          %mul3A_820 = arith.mulf %get3A_818, %mul3A_819 : vector<16xf32>
          %swap3A_821 = arith.index_cast %add3A_783 : i32 to index
          %swap3A_822 = arith.constant 64 : index
          %swap3A_823 = tpu.vector_load %arg10[%swap3A_821, %swap3A_822] {strides = array<i32>} : memref<80x128xf32, #tpu.memory_space<vmem>>, vector<16xf32>,
          tpu.vector_store %arg10[%swap3A_821, %swap3A_822], %mul3A_820 {strides = array<i32>} : memref<80x128xf32, #tpu.memory_space<vmem>>, vector<16xf32>,
          %get3A_824 = arith.index_cast %add3A_783 : i32 to index
          %get3A_825 = arith.constant 80 : index
          %get3A_826 = tpu.vector_load %arg10[%get3A_824, %get3A_825] {strides = array<i32>} : memref<80x128xf32, #tpu.memory_space<vmem>>, vector<16xf32>,
          %mul3A_827 = vector.broadcast %squeeze3A_779 : f32 to vector<16xf32>
          %mul3A_828 = arith.mulf %get3A_826, %mul3A_827 : vector<16xf32>
          %swap3A_829 = arith.index_cast %add3A_783 : i32 to index
          %swap3A_830 = arith.constant 80 : index
          %swap3A_831 = tpu.vector_load %arg10[%swap3A_829, %swap3A_830] {strides = array<i32>} : memref<80x128xf32, #tpu.memory_space<vmem>>, vector<16xf32>,
          tpu.vector_store %arg10[%swap3A_829, %swap3A_830], %mul3A_828 {strides = array<i32>} : memref<80x128xf32, #tpu.memory_space<vmem>>, vector<16xf32>,
          %get3A_832 = arith.index_cast %add3A_783 : i32 to index
          %get3A_833 = arith.constant 96 : index
          %get3A_834 = tpu.vector_load %arg10[%get3A_832, %get3A_833] {strides = array<i32>} : memref<80x128xf32, #tpu.memory_space<vmem>>, vector<16xf32>,
          %mul3A_835 = vector.broadcast %squeeze3A_779 : f32 to vector<16xf32>
          %mul3A_836 = arith.mulf %get3A_834, %mul3A_835 : vector<16xf32>
          %swap3A_837 = arith.index_cast %add3A_783 : i32 to index
          %swap3A_838 = arith.constant 96 : index
          %swap3A_839 = tpu.vector_load %arg10[%swap3A_837, %swap3A_838] {strides = array<i32>} : memref<80x128xf32, #tpu.memory_space<vmem>>, vector<16xf32>,
          tpu.vector_store %arg10[%swap3A_837, %swap3A_838], %mul3A_836 {strides = array<i32>} : memref<80x128xf32, #tpu.memory_space<vmem>>, vector<16xf32>,
          %get3A_840 = arith.index_cast %add3A_783 : i32 to index
          %get3A_841 = arith.constant 112 : index
          %get3A_842 = tpu.vector_load %arg10[%get3A_840, %get3A_841] {strides = array<i32>} : memref<80x128xf32, #tpu.memory_space<vmem>>, vector<16xf32>,
          %mul3A_843 = vector.broadcast %squeeze3A_779 : f32 to vector<16xf32>
          %mul3A_844 = arith.mulf %get3A_842, %mul3A_843 : vector<16xf32>
          %swap3A_845 = arith.index_cast %add3A_783 : i32 to index
          %swap3A_846 = arith.constant 112 : index
          %swap3A_847 = tpu.vector_load %arg10[%swap3A_845, %swap3A_846] {strides = array<i32>} : memref<80x128xf32, #tpu.memory_space<vmem>>, vector<16xf32>,
          tpu.vector_store %arg10[%swap3A_845, %swap3A_846], %mul3A_844 {strides = array<i32>} : memref<80x128xf32, #tpu.memory_space<vmem>>, vector<16xf32>,
          %slice3A_848 = vector.extract_strided_slice %get3A_150 {offsets = [10], sizes = [1], strides = [1]} : vector<16xf32> to vector<1xf32>
          %squeeze3A_849 = vector.extract %slice3A_848[0] : f32 from vector<1xf32>
          %mul3A_850 = arith.constant 16 : i32
          %mul3A_851 = arith.muli %scan3A_146, %mul3A_850 : i32
          %add3A_852 = arith.constant 10 : i32
          %add3A_853 = arith.addi %mul3A_851, %add3A_852 : i32
          %get3A_854 = arith.index_cast %add3A_853 : i32 to index
          %get3A_855 = arith.constant 0 : index
          %get3A_856 = tpu.vector_load %arg10[%get3A_854, %get3A_855] {strides = array<i32>} : memref<80x128xf32, #tpu.memory_space<vmem>>, vector<16xf32>,
          %mul3A_857 = vector.broadcast %squeeze3A_849 : f32 to vector<16xf32>
          %mul3A_858 = arith.mulf %get3A_856, %mul3A_857 : vector<16xf32>
          %swap3A_859 = arith.index_cast %add3A_853 : i32 to index
          %swap3A_860 = arith.constant 0 : index
          %swap3A_861 = tpu.vector_load %arg10[%swap3A_859, %swap3A_860] {strides = array<i32>} : memref<80x128xf32, #tpu.memory_space<vmem>>, vector<16xf32>,
          tpu.vector_store %arg10[%swap3A_859, %swap3A_860], %mul3A_858 {strides = array<i32>} : memref<80x128xf32, #tpu.memory_space<vmem>>, vector<16xf32>,
          %get3A_862 = arith.index_cast %add3A_853 : i32 to index
          %get3A_863 = arith.constant 16 : index
          %get3A_864 = tpu.vector_load %arg10[%get3A_862, %get3A_863] {strides = array<i32>} : memref<80x128xf32, #tpu.memory_space<vmem>>, vector<16xf32>,
          %mul3A_865 = vector.broadcast %squeeze3A_849 : f32 to vector<16xf32>
          %mul3A_866 = arith.mulf %get3A_864, %mul3A_865 : vector<16xf32>
          %swap3A_867 = arith.index_cast %add3A_853 : i32 to index
          %swap3A_868 = arith.constant 16 : index
          %swap3A_869 = tpu.vector_load %arg10[%swap3A_867, %swap3A_868] {strides = array<i32>} : memref<80x128xf32, #tpu.memory_space<vmem>>, vector<16xf32>,
          tpu.vector_store %arg10[%swap3A_867, %swap3A_868], %mul3A_866 {strides = array<i32>} : memref<80x128xf32, #tpu.memory_space<vmem>>, vector<16xf32>,
          %get3A_870 = arith.index_cast %add3A_853 : i32 to index
          %get3A_871 = arith.constant 32 : index
          %get3A_872 = tpu.vector_load %arg10[%get3A_870, %get3A_871] {strides = array<i32>} : memref<80x128xf32, #tpu.memory_space<vmem>>, vector<16xf32>,
          %mul3A_873 = vector.broadcast %squeeze3A_849 : f32 to vector<16xf32>
          %mul3A_874 = arith.mulf %get3A_872, %mul3A_873 : vector<16xf32>
          %swap3A_875 = arith.index_cast %add3A_853 : i32 to index
          %swap3A_876 = arith.constant 32 : index
          %swap3A_877 = tpu.vector_load %arg10[%swap3A_875, %swap3A_876] {strides = array<i32>} : memref<80x128xf32, #tpu.memory_space<vmem>>, vector<16xf32>,
          tpu.vector_store %arg10[%swap3A_875, %swap3A_876], %mul3A_874 {strides = array<i32>} : memref<80x128xf32, #tpu.memory_space<vmem>>, vector<16xf32>,
          %get3A_878 = arith.index_cast %add3A_853 : i32 to index
          %get3A_879 = arith.constant 48 : index
          %get3A_880 = tpu.vector_load %arg10[%get3A_878, %get3A_879] {strides = array<i32>} : memref<80x128xf32, #tpu.memory_space<vmem>>, vector<16xf32>,
          %mul3A_881 = vector.broadcast %squeeze3A_849 : f32 to vector<16xf32>
          %mul3A_882 = arith.mulf %get3A_880, %mul3A_881 : vector<16xf32>
          %swap3A_883 = arith.index_cast %add3A_853 : i32 to index
          %swap3A_884 = arith.constant 48 : index
          %swap3A_885 = tpu.vector_load %arg10[%swap3A_883, %swap3A_884] {strides = array<i32>} : memref<80x128xf32, #tpu.memory_space<vmem>>, vector<16xf32>,
          tpu.vector_store %arg10[%swap3A_883, %swap3A_884], %mul3A_882 {strides = array<i32>} : memref<80x128xf32, #tpu.memory_space<vmem>>, vector<16xf32>,
          %get3A_886 = arith.index_cast %add3A_853 : i32 to index
          %get3A_887 = arith.constant 64 : index
          %get3A_888 = tpu.vector_load %arg10[%get3A_886, %get3A_887] {strides = array<i32>} : memref<80x128xf32, #tpu.memory_space<vmem>>, vector<16xf32>,
          %mul3A_889 = vector.broadcast %squeeze3A_849 : f32 to vector<16xf32>
          %mul3A_890 = arith.mulf %get3A_888, %mul3A_889 : vector<16xf32>
          %swap3A_891 = arith.index_cast %add3A_853 : i32 to index
          %swap3A_892 = arith.constant 64 : index
          %swap3A_893 = tpu.vector_load %arg10[%swap3A_891, %swap3A_892] {strides = array<i32>} : memref<80x128xf32, #tpu.memory_space<vmem>>, vector<16xf32>,
          tpu.vector_store %arg10[%swap3A_891, %swap3A_892], %mul3A_890 {strides = array<i32>} : memref<80x128xf32, #tpu.memory_space<vmem>>, vector<16xf32>,
          %get3A_894 = arith.index_cast %add3A_853 : i32 to index
          %get3A_895 = arith.constant 80 : index
          %get3A_896 = tpu.vector_load %arg10[%get3A_894, %get3A_895] {strides = array<i32>} : memref<80x128xf32, #tpu.memory_space<vmem>>, vector<16xf32>,
          %mul3A_897 = vector.broadcast %squeeze3A_849 : f32 to vector<16xf32>
          %mul3A_898 = arith.mulf %get3A_896, %mul3A_897 : vector<16xf32>
          %swap3A_899 = arith.index_cast %add3A_853 : i32 to index
          %swap3A_900 = arith.constant 80 : index
          %swap3A_901 = tpu.vector_load %arg10[%swap3A_899, %swap3A_900] {strides = array<i32>} : memref<80x128xf32, #tpu.memory_space<vmem>>, vector<16xf32>,
          tpu.vector_store %arg10[%swap3A_899, %swap3A_900], %mul3A_898 {strides = array<i32>} : memref<80x128xf32, #tpu.memory_space<vmem>>, vector<16xf32>,
          %get3A_902 = arith.index_cast %add3A_853 : i32 to index
          %get3A_903 = arith.constant 96 : index
          %get3A_904 = tpu.vector_load %arg10[%get3A_902, %get3A_903] {strides = array<i32>} : memref<80x128xf32, #tpu.memory_space<vmem>>, vector<16xf32>,
          %mul3A_905 = vector.broadcast %squeeze3A_849 : f32 to vector<16xf32>
          %mul3A_906 = arith.mulf %get3A_904, %mul3A_905 : vector<16xf32>
          %swap3A_907 = arith.index_cast %add3A_853 : i32 to index
          %swap3A_908 = arith.constant 96 : index
          %swap3A_909 = tpu.vector_load %arg10[%swap3A_907, %swap3A_908] {strides = array<i32>} : memref<80x128xf32, #tpu.memory_space<vmem>>, vector<16xf32>,
          tpu.vector_store %arg10[%swap3A_907, %swap3A_908], %mul3A_906 {strides = array<i32>} : memref<80x128xf32, #tpu.memory_space<vmem>>, vector<16xf32>,
          %get3A_910 = arith.index_cast %add3A_853 : i32 to index
          %get3A_911 = arith.constant 112 : index
          %get3A_912 = tpu.vector_load %arg10[%get3A_910, %get3A_911] {strides = array<i32>} : memref<80x128xf32, #tpu.memory_space<vmem>>, vector<16xf32>,
          %mul3A_913 = vector.broadcast %squeeze3A_849 : f32 to vector<16xf32>
          %mul3A_914 = arith.mulf %get3A_912, %mul3A_913 : vector<16xf32>
          %swap3A_915 = arith.index_cast %add3A_853 : i32 to index
          %swap3A_916 = arith.constant 112 : index
          %swap3A_917 = tpu.vector_load %arg10[%swap3A_915, %swap3A_916] {strides = array<i32>} : memref<80x128xf32, #tpu.memory_space<vmem>>, vector<16xf32>,
          tpu.vector_store %arg10[%swap3A_915, %swap3A_916], %mul3A_914 {strides = array<i32>} : memref<80x128xf32, #tpu.memory_space<vmem>>, vector<16xf32>,
          %slice3A_918 = vector.extract_strided_slice %get3A_150 {offsets = [11], sizes = [1], strides = [1]} : vector<16xf32> to vector<1xf32>
          %squeeze3A_919 = vector.extract %slice3A_918[0] : f32 from vector<1xf32>
          %mul3A_920 = arith.constant 16 : i32
          %mul3A_921 = arith.muli %scan3A_146, %mul3A_920 : i32
          %add3A_922 = arith.constant 11 : i32
          %add3A_923 = arith.addi %mul3A_921, %add3A_922 : i32
          %get3A_924 = arith.index_cast %add3A_923 : i32 to index
          %get3A_925 = arith.constant 0 : index
          %get3A_926 = tpu.vector_load %arg10[%get3A_924, %get3A_925] {strides = array<i32>} : memref<80x128xf32, #tpu.memory_space<vmem>>, vector<16xf32>,
          %mul3A_927 = vector.broadcast %squeeze3A_919 : f32 to vector<16xf32>
          %mul3A_928 = arith.mulf %get3A_926, %mul3A_927 : vector<16xf32>
          %swap3A_929 = arith.index_cast %add3A_923 : i32 to index
          %swap3A_930 = arith.constant 0 : index
          %swap3A_931 = tpu.vector_load %arg10[%swap3A_929, %swap3A_930] {strides = array<i32>} : memref<80x128xf32, #tpu.memory_space<vmem>>, vector<16xf32>,
          tpu.vector_store %arg10[%swap3A_929, %swap3A_930], %mul3A_928 {strides = array<i32>} : memref<80x128xf32, #tpu.memory_space<vmem>>, vector<16xf32>,
          %get3A_932 = arith.index_cast %add3A_923 : i32 to index
          %get3A_933 = arith.constant 16 : index
          %get3A_934 = tpu.vector_load %arg10[%get3A_932, %get3A_933] {strides = array<i32>} : memref<80x128xf32, #tpu.memory_space<vmem>>, vector<16xf32>,
          %mul3A_935 = vector.broadcast %squeeze3A_919 : f32 to vector<16xf32>
          %mul3A_936 = arith.mulf %get3A_934, %mul3A_935 : vector<16xf32>
          %swap3A_937 = arith.index_cast %add3A_923 : i32 to index
          %swap3A_938 = arith.constant 16 : index
          %swap3A_939 = tpu.vector_load %arg10[%swap3A_937, %swap3A_938] {strides = array<i32>} : memref<80x128xf32, #tpu.memory_space<vmem>>, vector<16xf32>,
          tpu.vector_store %arg10[%swap3A_937, %swap3A_938], %mul3A_936 {strides = array<i32>} : memref<80x128xf32, #tpu.memory_space<vmem>>, vector<16xf32>,
          %get3A_940 = arith.index_cast %add3A_923 : i32 to index
          %get3A_941 = arith.constant 32 : index
          %get3A_942 = tpu.vector_load %arg10[%get3A_940, %get3A_941] {strides = array<i32>} : memref<80x128xf32, #tpu.memory_space<vmem>>, vector<16xf32>,
          %mul3A_943 = vector.broadcast %squeeze3A_919 : f32 to vector<16xf32>
          %mul3A_944 = arith.mulf %get3A_942, %mul3A_943 : vector<16xf32>
          %swap3A_945 = arith.index_cast %add3A_923 : i32 to index
          %swap3A_946 = arith.constant 32 : index
          %swap3A_947 = tpu.vector_load %arg10[%swap3A_945, %swap3A_946] {strides = array<i32>} : memref<80x128xf32, #tpu.memory_space<vmem>>, vector<16xf32>,
          tpu.vector_store %arg10[%swap3A_945, %swap3A_946], %mul3A_944 {strides = array<i32>} : memref<80x128xf32, #tpu.memory_space<vmem>>, vector<16xf32>,
          %get3A_948 = arith.index_cast %add3A_923 : i32 to index
          %get3A_949 = arith.constant 48 : index
          %get3A_950 = tpu.vector_load %arg10[%get3A_948, %get3A_949] {strides = array<i32>} : memref<80x128xf32, #tpu.memory_space<vmem>>, vector<16xf32>,
          %mul3A_951 = vector.broadcast %squeeze3A_919 : f32 to vector<16xf32>
          %mul3A_952 = arith.mulf %get3A_950, %mul3A_951 : vector<16xf32>
          %swap3A_953 = arith.index_cast %add3A_923 : i32 to index
          %swap3A_954 = arith.constant 48 : index
          %swap3A_955 = tpu.vector_load %arg10[%swap3A_953, %swap3A_954] {strides = array<i32>} : memref<80x128xf32, #tpu.memory_space<vmem>>, vector<16xf32>,
          tpu.vector_store %arg10[%swap3A_953, %swap3A_954], %mul3A_952 {strides = array<i32>} : memref<80x128xf32, #tpu.memory_space<vmem>>, vector<16xf32>,
          %get3A_956 = arith.index_cast %add3A_923 : i32 to index
          %get3A_957 = arith.constant 64 : index
          %get3A_958 = tpu.vector_load %arg10[%get3A_956, %get3A_957] {strides = array<i32>} : memref<80x128xf32, #tpu.memory_space<vmem>>, vector<16xf32>,
          %mul3A_959 = vector.broadcast %squeeze3A_919 : f32 to vector<16xf32>
          %mul3A_960 = arith.mulf %get3A_958, %mul3A_959 : vector<16xf32>
          %swap3A_961 = arith.index_cast %add3A_923 : i32 to index
          %swap3A_962 = arith.constant 64 : index
          %swap3A_963 = tpu.vector_load %arg10[%swap3A_961, %swap3A_962] {strides = array<i32>} : memref<80x128xf32, #tpu.memory_space<vmem>>, vector<16xf32>,
          tpu.vector_store %arg10[%swap3A_961, %swap3A_962], %mul3A_960 {strides = array<i32>} : memref<80x128xf32, #tpu.memory_space<vmem>>, vector<16xf32>,
          %get3A_964 = arith.index_cast %add3A_923 : i32 to index
          %get3A_965 = arith.constant 80 : index
          %get3A_966 = tpu.vector_load %arg10[%get3A_964, %get3A_965] {strides = array<i32>} : memref<80x128xf32, #tpu.memory_space<vmem>>, vector<16xf32>,
          %mul3A_967 = vector.broadcast %squeeze3A_919 : f32 to vector<16xf32>
          %mul3A_968 = arith.mulf %get3A_966, %mul3A_967 : vector<16xf32>
          %swap3A_969 = arith.index_cast %add3A_923 : i32 to index
          %swap3A_970 = arith.constant 80 : index
          %swap3A_971 = tpu.vector_load %arg10[%swap3A_969, %swap3A_970] {strides = array<i32>} : memref<80x128xf32, #tpu.memory_space<vmem>>, vector<16xf32>,
          tpu.vector_store %arg10[%swap3A_969, %swap3A_970], %mul3A_968 {strides = array<i32>} : memref<80x128xf32, #tpu.memory_space<vmem>>, vector<16xf32>,
          %get3A_972 = arith.index_cast %add3A_923 : i32 to index
          %get3A_973 = arith.constant 96 : index
          %get3A_974 = tpu.vector_load %arg10[%get3A_972, %get3A_973] {strides = array<i32>} : memref<80x128xf32, #tpu.memory_space<vmem>>, vector<16xf32>,
          %mul3A_975 = vector.broadcast %squeeze3A_919 : f32 to vector<16xf32>
          %mul3A_976 = arith.mulf %get3A_974, %mul3A_975 : vector<16xf32>
          %swap3A_977 = arith.index_cast %add3A_923 : i32 to index
          %swap3A_978 = arith.constant 96 : index
          %swap3A_979 = tpu.vector_load %arg10[%swap3A_977, %swap3A_978] {strides = array<i32>} : memref<80x128xf32, #tpu.memory_space<vmem>>, vector<16xf32>,
          tpu.vector_store %arg10[%swap3A_977, %swap3A_978], %mul3A_976 {strides = array<i32>} : memref<80x128xf32, #tpu.memory_space<vmem>>, vector<16xf32>,
          %get3A_980 = arith.index_cast %add3A_923 : i32 to index
          %get3A_981 = arith.constant 112 : index
          %get3A_982 = tpu.vector_load %arg10[%get3A_980, %get3A_981] {strides = array<i32>} : memref<80x128xf32, #tpu.memory_space<vmem>>, vector<16xf32>,
          %mul3A_983 = vector.broadcast %squeeze3A_919 : f32 to vector<16xf32>
          %mul3A_984 = arith.mulf %get3A_982, %mul3A_983 : vector<16xf32>
          %swap3A_985 = arith.index_cast %add3A_923 : i32 to index
          %swap3A_986 = arith.constant 112 : index
          %swap3A_987 = tpu.vector_load %arg10[%swap3A_985, %swap3A_986] {strides = array<i32>} : memref<80x128xf32, #tpu.memory_space<vmem>>, vector<16xf32>,
          tpu.vector_store %arg10[%swap3A_985, %swap3A_986], %mul3A_984 {strides = array<i32>} : memref<80x128xf32, #tpu.memory_space<vmem>>, vector<16xf32>,
          %slice3A_988 = vector.extract_strided_slice %get3A_150 {offsets = [12], sizes = [1], strides = [1]} : vector<16xf32> to vector<1xf32>
          %squeeze3A_989 = vector.extract %slice3A_988[0] : f32 from vector<1xf32>
          %mul3A_990 = arith.constant 16 : i32
          %mul3A_991 = arith.muli %scan3A_146, %mul3A_990 : i32
          %add3A_992 = arith.constant 12 : i32
          %add3A_993 = arith.addi %mul3A_991, %add3A_992 : i32
          %get3A_994 = arith.index_cast %add3A_993 : i32 to index
          %get3A_995 = arith.constant 0 : index
          %get3A_996 = tpu.vector_load %arg10[%get3A_994, %get3A_995] {strides = array<i32>} : memref<80x128xf32, #tpu.memory_space<vmem>>, vector<16xf32>,
          %mul3A_997 = vector.broadcast %squeeze3A_989 : f32 to vector<16xf32>
          %mul3A_998 = arith.mulf %get3A_996, %mul3A_997 : vector<16xf32>
          %swap3A_999 = arith.index_cast %add3A_993 : i32 to index
          %swap3A_1000 = arith.constant 0 : index
          %swap3A_1001 = tpu.vector_load %arg10[%swap3A_999, %swap3A_1000] {strides = array<i32>} : memref<80x128xf32, #tpu.memory_space<vmem>>, vector<16xf32>,
          tpu.vector_store %arg10[%swap3A_999, %swap3A_1000], %mul3A_998 {strides = array<i32>} : memref<80x128xf32, #tpu.memory_space<vmem>>, vector<16xf32>,
          %get3A_1002 = arith.index_cast %add3A_993 : i32 to index
          %get3A_1003 = arith.constant 16 : index
          %get3A_1004 = tpu.vector_load %arg10[%get3A_1002, %get3A_1003] {strides = array<i32>} : memref<80x128xf32, #tpu.memory_space<vmem>>, vector<16xf32>,
          %mul3A_1005 = vector.broadcast %squeeze3A_989 : f32 to vector<16xf32>
          %mul3A_1006 = arith.mulf %get3A_1004, %mul3A_1005 : vector<16xf32>
          %swap3A_1007 = arith.index_cast %add3A_993 : i32 to index
          %swap3A_1008 = arith.constant 16 : index
          %swap3A_1009 = tpu.vector_load %arg10[%swap3A_1007, %swap3A_1008] {strides = array<i32>} : memref<80x128xf32, #tpu.memory_space<vmem>>, vector<16xf32>,
          tpu.vector_store %arg10[%swap3A_1007, %swap3A_1008], %mul3A_1006 {strides = array<i32>} : memref<80x128xf32, #tpu.memory_space<vmem>>, vector<16xf32>,
          %get3A_1010 = arith.index_cast %add3A_993 : i32 to index
          %get3A_1011 = arith.constant 32 : index
          %get3A_1012 = tpu.vector_load %arg10[%get3A_1010, %get3A_1011] {strides = array<i32>} : memref<80x128xf32, #tpu.memory_space<vmem>>, vector<16xf32>,
          %mul3A_1013 = vector.broadcast %squeeze3A_989 : f32 to vector<16xf32>
          %mul3A_1014 = arith.mulf %get3A_1012, %mul3A_1013 : vector<16xf32>
          %swap3A_1015 = arith.index_cast %add3A_993 : i32 to index
          %swap3A_1016 = arith.constant 32 : index
          %swap3A_1017 = tpu.vector_load %arg10[%swap3A_1015, %swap3A_1016] {strides = array<i32>} : memref<80x128xf32, #tpu.memory_space<vmem>>, vector<16xf32>,
          tpu.vector_store %arg10[%swap3A_1015, %swap3A_1016], %mul3A_1014 {strides = array<i32>} : memref<80x128xf32, #tpu.memory_space<vmem>>, vector<16xf32>,
          %get3A_1018 = arith.index_cast %add3A_993 : i32 to index
          %get3A_1019 = arith.constant 48 : index
          %get3A_1020 = tpu.vector_load %arg10[%get3A_1018, %get3A_1019] {strides = array<i32>} : memref<80x128xf32, #tpu.memory_space<vmem>>, vector<16xf32>,
          %mul3A_1021 = vector.broadcast %squeeze3A_989 : f32 to vector<16xf32>
          %mul3A_1022 = arith.mulf %get3A_1020, %mul3A_1021 : vector<16xf32>
          %swap3A_1023 = arith.index_cast %add3A_993 : i32 to index
          %swap3A_1024 = arith.constant 48 : index
          %swap3A_1025 = tpu.vector_load %arg10[%swap3A_1023, %swap3A_1024] {strides = array<i32>} : memref<80x128xf32, #tpu.memory_space<vmem>>, vector<16xf32>,
          tpu.vector_store %arg10[%swap3A_1023, %swap3A_1024], %mul3A_1022 {strides = array<i32>} : memref<80x128xf32, #tpu.memory_space<vmem>>, vector<16xf32>,
          %get3A_1026 = arith.index_cast %add3A_993 : i32 to index
          %get3A_1027 = arith.constant 64 : index
          %get3A_1028 = tpu.vector_load %arg10[%get3A_1026, %get3A_1027] {strides = array<i32>} : memref<80x128xf32, #tpu.memory_space<vmem>>, vector<16xf32>,
          %mul3A_1029 = vector.broadcast %squeeze3A_989 : f32 to vector<16xf32>
          %mul3A_1030 = arith.mulf %get3A_1028, %mul3A_1029 : vector<16xf32>
          %swap3A_1031 = arith.index_cast %add3A_993 : i32 to index
          %swap3A_1032 = arith.constant 64 : index
          %swap3A_1033 = tpu.vector_load %arg10[%swap3A_1031, %swap3A_1032] {strides = array<i32>} : memref<80x128xf32, #tpu.memory_space<vmem>>, vector<16xf32>,
          tpu.vector_store %arg10[%swap3A_1031, %swap3A_1032], %mul3A_1030 {strides = array<i32>} : memref<80x128xf32, #tpu.memory_space<vmem>>, vector<16xf32>,
          %get3A_1034 = arith.index_cast %add3A_993 : i32 to index
          %get3A_1035 = arith.constant 80 : index
          %get3A_1036 = tpu.vector_load %arg10[%get3A_1034, %get3A_1035] {strides = array<i32>} : memref<80x128xf32, #tpu.memory_space<vmem>>, vector<16xf32>,
          %mul3A_1037 = vector.broadcast %squeeze3A_989 : f32 to vector<16xf32>
          %mul3A_1038 = arith.mulf %get3A_1036, %mul3A_1037 : vector<16xf32>
          %swap3A_1039 = arith.index_cast %add3A_993 : i32 to index
          %swap3A_1040 = arith.constant 80 : index
          %swap3A_1041 = tpu.vector_load %arg10[%swap3A_1039, %swap3A_1040] {strides = array<i32>} : memref<80x128xf32, #tpu.memory_space<vmem>>, vector<16xf32>,
          tpu.vector_store %arg10[%swap3A_1039, %swap3A_1040], %mul3A_1038 {strides = array<i32>} : memref<80x128xf32, #tpu.memory_space<vmem>>, vector<16xf32>,
          %get3A_1042 = arith.index_cast %add3A_993 : i32 to index
          %get3A_1043 = arith.constant 96 : index
          %get3A_1044 = tpu.vector_load %arg10[%get3A_1042, %get3A_1043] {strides = array<i32>} : memref<80x128xf32, #tpu.memory_space<vmem>>, vector<16xf32>,
          %mul3A_1045 = vector.broadcast %squeeze3A_989 : f32 to vector<16xf32>
          %mul3A_1046 = arith.mulf %get3A_1044, %mul3A_1045 : vector<16xf32>
          %swap3A_1047 = arith.index_cast %add3A_993 : i32 to index
          %swap3A_1048 = arith.constant 96 : index
          %swap3A_1049 = tpu.vector_load %arg10[%swap3A_1047, %swap3A_1048] {strides = array<i32>} : memref<80x128xf32, #tpu.memory_space<vmem>>, vector<16xf32>,
          tpu.vector_store %arg10[%swap3A_1047, %swap3A_1048], %mul3A_1046 {strides = array<i32>} : memref<80x128xf32, #tpu.memory_space<vmem>>, vector<16xf32>,
          %get3A_1050 = arith.index_cast %add3A_993 : i32 to index
          %get3A_1051 = arith.constant 112 : index
          %get3A_1052 = tpu.vector_load %arg10[%get3A_1050, %get3A_1051] {strides = array<i32>} : memref<80x128xf32, #tpu.memory_space<vmem>>, vector<16xf32>,
          %mul3A_1053 = vector.broadcast %squeeze3A_989 : f32 to vector<16xf32>
          %mul3A_1054 = arith.mulf %get3A_1052, %mul3A_1053 : vector<16xf32>
          %swap3A_1055 = arith.index_cast %add3A_993 : i32 to index
          %swap3A_1056 = arith.constant 112 : index
          %swap3A_1057 = tpu.vector_load %arg10[%swap3A_1055, %swap3A_1056] {strides = array<i32>} : memref<80x128xf32, #tpu.memory_space<vmem>>, vector<16xf32>,
          tpu.vector_store %arg10[%swap3A_1055, %swap3A_1056], %mul3A_1054 {strides = array<i32>} : memref<80x128xf32, #tpu.memory_space<vmem>>, vector<16xf32>,
          %slice3A_1058 = vector.extract_strided_slice %get3A_150 {offsets = [13], sizes = [1], strides = [1]} : vector<16xf32> to vector<1xf32>
          %squeeze3A_1059 = vector.extract %slice3A_1058[0] : f32 from vector<1xf32>
          %mul3A_1060 = arith.constant 16 : i32
          %mul3A_1061 = arith.muli %scan3A_146, %mul3A_1060 : i32
          %add3A_1062 = arith.constant 13 : i32
          %add3A_1063 = arith.addi %mul3A_1061, %add3A_1062 : i32
          %get3A_1064 = arith.index_cast %add3A_1063 : i32 to index
          %get3A_1065 = arith.constant 0 : index
          %get3A_1066 = tpu.vector_load %arg10[%get3A_1064, %get3A_1065] {strides = array<i32>} : memref<80x128xf32, #tpu.memory_space<vmem>>, vector<16xf32>,
          %mul3A_1067 = vector.broadcast %squeeze3A_1059 : f32 to vector<16xf32>
          %mul3A_1068 = arith.mulf %get3A_1066, %mul3A_1067 : vector<16xf32>
          %swap3A_1069 = arith.index_cast %add3A_1063 : i32 to index
          %swap3A_1070 = arith.constant 0 : index
          %swap3A_1071 = tpu.vector_load %arg10[%swap3A_1069, %swap3A_1070] {strides = array<i32>} : memref<80x128xf32, #tpu.memory_space<vmem>>, vector<16xf32>,
          tpu.vector_store %arg10[%swap3A_1069, %swap3A_1070], %mul3A_1068 {strides = array<i32>} : memref<80x128xf32, #tpu.memory_space<vmem>>, vector<16xf32>,
          %get3A_1072 = arith.index_cast %add3A_1063 : i32 to index
          %get3A_1073 = arith.constant 16 : index
          %get3A_1074 = tpu.vector_load %arg10[%get3A_1072, %get3A_1073] {strides = array<i32>} : memref<80x128xf32, #tpu.memory_space<vmem>>, vector<16xf32>,
          %mul3A_1075 = vector.broadcast %squeeze3A_1059 : f32 to vector<16xf32>
          %mul3A_1076 = arith.mulf %get3A_1074, %mul3A_1075 : vector<16xf32>
          %swap3A_1077 = arith.index_cast %add3A_1063 : i32 to index
          %swap3A_1078 = arith.constant 16 : index
          %swap3A_1079 = tpu.vector_load %arg10[%swap3A_1077, %swap3A_1078] {strides = array<i32>} : memref<80x128xf32, #tpu.memory_space<vmem>>, vector<16xf32>,
          tpu.vector_store %arg10[%swap3A_1077, %swap3A_1078], %mul3A_1076 {strides = array<i32>} : memref<80x128xf32, #tpu.memory_space<vmem>>, vector<16xf32>,
          %get3A_1080 = arith.index_cast %add3A_1063 : i32 to index
          %get3A_1081 = arith.constant 32 : index
          %get3A_1082 = tpu.vector_load %arg10[%get3A_1080, %get3A_1081] {strides = array<i32>} : memref<80x128xf32, #tpu.memory_space<vmem>>, vector<16xf32>,
          %mul3A_1083 = vector.broadcast %squeeze3A_1059 : f32 to vector<16xf32>
          %mul3A_1084 = arith.mulf %get3A_1082, %mul3A_1083 : vector<16xf32>
          %swap3A_1085 = arith.index_cast %add3A_1063 : i32 to index
          %swap3A_1086 = arith.constant 32 : index
          %swap3A_1087 = tpu.vector_load %arg10[%swap3A_1085, %swap3A_1086] {strides = array<i32>} : memref<80x128xf32, #tpu.memory_space<vmem>>, vector<16xf32>,
          tpu.vector_store %arg10[%swap3A_1085, %swap3A_1086], %mul3A_1084 {strides = array<i32>} : memref<80x128xf32, #tpu.memory_space<vmem>>, vector<16xf32>,
          %get3A_1088 = arith.index_cast %add3A_1063 : i32 to index
          %get3A_1089 = arith.constant 48 : index
          %get3A_1090 = tpu.vector_load %arg10[%get3A_1088, %get3A_1089] {strides = array<i32>} : memref<80x128xf32, #tpu.memory_space<vmem>>, vector<16xf32>,
          %mul3A_1091 = vector.broadcast %squeeze3A_1059 : f32 to vector<16xf32>
          %mul3A_1092 = arith.mulf %get3A_1090, %mul3A_1091 : vector<16xf32>
          %swap3A_1093 = arith.index_cast %add3A_1063 : i32 to index
          %swap3A_1094 = arith.constant 48 : index
          %swap3A_1095 = tpu.vector_load %arg10[%swap3A_1093, %swap3A_1094] {strides = array<i32>} : memref<80x128xf32, #tpu.memory_space<vmem>>, vector<16xf32>,
          tpu.vector_store %arg10[%swap3A_1093, %swap3A_1094], %mul3A_1092 {strides = array<i32>} : memref<80x128xf32, #tpu.memory_space<vmem>>, vector<16xf32>,
          %get3A_1096 = arith.index_cast %add3A_1063 : i32 to index
          %get3A_1097 = arith.constant 64 : index
          %get3A_1098 = tpu.vector_load %arg10[%get3A_1096, %get3A_1097] {strides = array<i32>} : memref<80x128xf32, #tpu.memory_space<vmem>>, vector<16xf32>,
          %mul3A_1099 = vector.broadcast %squeeze3A_1059 : f32 to vector<16xf32>
          %mul3A_1100 = arith.mulf %get3A_1098, %mul3A_1099 : vector<16xf32>
          %swap3A_1101 = arith.index_cast %add3A_1063 : i32 to index
          %swap3A_1102 = arith.constant 64 : index
          %swap3A_1103 = tpu.vector_load %arg10[%swap3A_1101, %swap3A_1102] {strides = array<i32>} : memref<80x128xf32, #tpu.memory_space<vmem>>, vector<16xf32>,
          tpu.vector_store %arg10[%swap3A_1101, %swap3A_1102], %mul3A_1100 {strides = array<i32>} : memref<80x128xf32, #tpu.memory_space<vmem>>, vector<16xf32>,
          %get3A_1104 = arith.index_cast %add3A_1063 : i32 to index
          %get3A_1105 = arith.constant 80 : index
          %get3A_1106 = tpu.vector_load %arg10[%get3A_1104, %get3A_1105] {strides = array<i32>} : memref<80x128xf32, #tpu.memory_space<vmem>>, vector<16xf32>,
          %mul3A_1107 = vector.broadcast %squeeze3A_1059 : f32 to vector<16xf32>
          %mul3A_1108 = arith.mulf %get3A_1106, %mul3A_1107 : vector<16xf32>
          %swap3A_1109 = arith.index_cast %add3A_1063 : i32 to index
          %swap3A_1110 = arith.constant 80 : index
          %swap3A_1111 = tpu.vector_load %arg10[%swap3A_1109, %swap3A_1110] {strides = array<i32>} : memref<80x128xf32, #tpu.memory_space<vmem>>, vector<16xf32>,
          tpu.vector_store %arg10[%swap3A_1109, %swap3A_1110], %mul3A_1108 {strides = array<i32>} : memref<80x128xf32, #tpu.memory_space<vmem>>, vector<16xf32>,
          %get3A_1112 = arith.index_cast %add3A_1063 : i32 to index
          %get3A_1113 = arith.constant 96 : index
          %get3A_1114 = tpu.vector_load %arg10[%get3A_1112, %get3A_1113] {strides = array<i32>} : memref<80x128xf32, #tpu.memory_space<vmem>>, vector<16xf32>,
          %mul3A_1115 = vector.broadcast %squeeze3A_1059 : f32 to vector<16xf32>
          %mul3A_1116 = arith.mulf %get3A_1114, %mul3A_1115 : vector<16xf32>
          %swap3A_1117 = arith.index_cast %add3A_1063 : i32 to index
          %swap3A_1118 = arith.constant 96 : index
          %swap3A_1119 = tpu.vector_load %arg10[%swap3A_1117, %swap3A_1118] {strides = array<i32>} : memref<80x128xf32, #tpu.memory_space<vmem>>, vector<16xf32>,
          tpu.vector_store %arg10[%swap3A_1117, %swap3A_1118], %mul3A_1116 {strides = array<i32>} : memref<80x128xf32, #tpu.memory_space<vmem>>, vector<16xf32>,
          %get3A_1120 = arith.index_cast %add3A_1063 : i32 to index
          %get3A_1121 = arith.constant 112 : index
          %get3A_1122 = tpu.vector_load %arg10[%get3A_1120, %get3A_1121] {strides = array<i32>} : memref<80x128xf32, #tpu.memory_space<vmem>>, vector<16xf32>,
          %mul3A_1123 = vector.broadcast %squeeze3A_1059 : f32 to vector<16xf32>
          %mul3A_1124 = arith.mulf %get3A_1122, %mul3A_1123 : vector<16xf32>
          %swap3A_1125 = arith.index_cast %add3A_1063 : i32 to index
          %swap3A_1126 = arith.constant 112 : index
          %swap3A_1127 = tpu.vector_load %arg10[%swap3A_1125, %swap3A_1126] {strides = array<i32>} : memref<80x128xf32, #tpu.memory_space<vmem>>, vector<16xf32>,
          tpu.vector_store %arg10[%swap3A_1125, %swap3A_1126], %mul3A_1124 {strides = array<i32>} : memref<80x128xf32, #tpu.memory_space<vmem>>, vector<16xf32>,
          %slice3A_1128 = vector.extract_strided_slice %get3A_150 {offsets = [14], sizes = [1], strides = [1]} : vector<16xf32> to vector<1xf32>
          %squeeze3A_1129 = vector.extract %slice3A_1128[0] : f32 from vector<1xf32>
          %mul3A_1130 = arith.constant 16 : i32
          %mul3A_1131 = arith.muli %scan3A_146, %mul3A_1130 : i32
          %add3A_1132 = arith.constant 14 : i32
          %add3A_1133 = arith.addi %mul3A_1131, %add3A_1132 : i32
          %get3A_1134 = arith.index_cast %add3A_1133 : i32 to index
          %get3A_1135 = arith.constant 0 : index
          %get3A_1136 = tpu.vector_load %arg10[%get3A_1134, %get3A_1135] {strides = array<i32>} : memref<80x128xf32, #tpu.memory_space<vmem>>, vector<16xf32>,
          %mul3A_1137 = vector.broadcast %squeeze3A_1129 : f32 to vector<16xf32>
          %mul3A_1138 = arith.mulf %get3A_1136, %mul3A_1137 : vector<16xf32>
          %swap3A_1139 = arith.index_cast %add3A_1133 : i32 to index
          %swap3A_1140 = arith.constant 0 : index
          %swap3A_1141 = tpu.vector_load %arg10[%swap3A_1139, %swap3A_1140] {strides = array<i32>} : memref<80x128xf32, #tpu.memory_space<vmem>>, vector<16xf32>,
          tpu.vector_store %arg10[%swap3A_1139, %swap3A_1140], %mul3A_1138 {strides = array<i32>} : memref<80x128xf32, #tpu.memory_space<vmem>>, vector<16xf32>,
          %get3A_1142 = arith.index_cast %add3A_1133 : i32 to index
          %get3A_1143 = arith.constant 16 : index
          %get3A_1144 = tpu.vector_load %arg10[%get3A_1142, %get3A_1143] {strides = array<i32>} : memref<80x128xf32, #tpu.memory_space<vmem>>, vector<16xf32>,
          %mul3A_1145 = vector.broadcast %squeeze3A_1129 : f32 to vector<16xf32>
          %mul3A_1146 = arith.mulf %get3A_1144, %mul3A_1145 : vector<16xf32>
          %swap3A_1147 = arith.index_cast %add3A_1133 : i32 to index
          %swap3A_1148 = arith.constant 16 : index
          %swap3A_1149 = tpu.vector_load %arg10[%swap3A_1147, %swap3A_1148] {strides = array<i32>} : memref<80x128xf32, #tpu.memory_space<vmem>>, vector<16xf32>,
          tpu.vector_store %arg10[%swap3A_1147, %swap3A_1148], %mul3A_1146 {strides = array<i32>} : memref<80x128xf32, #tpu.memory_space<vmem>>, vector<16xf32>,
          %get3A_1150 = arith.index_cast %add3A_1133 : i32 to index
          %get3A_1151 = arith.constant 32 : index
          %get3A_1152 = tpu.vector_load %arg10[%get3A_1150, %get3A_1151] {strides = array<i32>} : memref<80x128xf32, #tpu.memory_space<vmem>>, vector<16xf32>,
          %mul3A_1153 = vector.broadcast %squeeze3A_1129 : f32 to vector<16xf32>
          %mul3A_1154 = arith.mulf %get3A_1152, %mul3A_1153 : vector<16xf32>
          %swap3A_1155 = arith.index_cast %add3A_1133 : i32 to index
          %swap3A_1156 = arith.constant 32 : index
          %swap3A_1157 = tpu.vector_load %arg10[%swap3A_1155, %swap3A_1156] {strides = array<i32>} : memref<80x128xf32, #tpu.memory_space<vmem>>, vector<16xf32>,
          tpu.vector_store %arg10[%swap3A_1155, %swap3A_1156], %mul3A_1154 {strides = array<i32>} : memref<80x128xf32, #tpu.memory_space<vmem>>, vector<16xf32>,
          %get3A_1158 = arith.index_cast %add3A_1133 : i32 to index
          %get3A_1159 = arith.constant 48 : index
          %get3A_1160 = tpu.vector_load %arg10[%get3A_1158, %get3A_1159] {strides = array<i32>} : memref<80x128xf32, #tpu.memory_space<vmem>>, vector<16xf32>,
          %mul3A_1161 = vector.broadcast %squeeze3A_1129 : f32 to vector<16xf32>
          %mul3A_1162 = arith.mulf %get3A_1160, %mul3A_1161 : vector<16xf32>
          %swap3A_1163 = arith.index_cast %add3A_1133 : i32 to index
          %swap3A_1164 = arith.constant 48 : index
          %swap3A_1165 = tpu.vector_load %arg10[%swap3A_1163, %swap3A_1164] {strides = array<i32>} : memref<80x128xf32, #tpu.memory_space<vmem>>, vector<16xf32>,
          tpu.vector_store %arg10[%swap3A_1163, %swap3A_1164], %mul3A_1162 {strides = array<i32>} : memref<80x128xf32, #tpu.memory_space<vmem>>, vector<16xf32>,
          %get3A_1166 = arith.index_cast %add3A_1133 : i32 to index
          %get3A_1167 = arith.constant 64 : index
          %get3A_1168 = tpu.vector_load %arg10[%get3A_1166, %get3A_1167] {strides = array<i32>} : memref<80x128xf32, #tpu.memory_space<vmem>>, vector<16xf32>,
          %mul3A_1169 = vector.broadcast %squeeze3A_1129 : f32 to vector<16xf32>
          %mul3A_1170 = arith.mulf %get3A_1168, %mul3A_1169 : vector<16xf32>
          %swap3A_1171 = arith.index_cast %add3A_1133 : i32 to index
          %swap3A_1172 = arith.constant 64 : index
          %swap3A_1173 = tpu.vector_load %arg10[%swap3A_1171, %swap3A_1172] {strides = array<i32>} : memref<80x128xf32, #tpu.memory_space<vmem>>, vector<16xf32>,
          tpu.vector_store %arg10[%swap3A_1171, %swap3A_1172], %mul3A_1170 {strides = array<i32>} : memref<80x128xf32, #tpu.memory_space<vmem>>, vector<16xf32>,
          %get3A_1174 = arith.index_cast %add3A_1133 : i32 to index
          %get3A_1175 = arith.constant 80 : index
          %get3A_1176 = tpu.vector_load %arg10[%get3A_1174, %get3A_1175] {strides = array<i32>} : memref<80x128xf32, #tpu.memory_space<vmem>>, vector<16xf32>,
          %mul3A_1177 = vector.broadcast %squeeze3A_1129 : f32 to vector<16xf32>
          %mul3A_1178 = arith.mulf %get3A_1176, %mul3A_1177 : vector<16xf32>
          %swap3A_1179 = arith.index_cast %add3A_1133 : i32 to index
          %swap3A_1180 = arith.constant 80 : index
          %swap3A_1181 = tpu.vector_load %arg10[%swap3A_1179, %swap3A_1180] {strides = array<i32>} : memref<80x128xf32, #tpu.memory_space<vmem>>, vector<16xf32>,
          tpu.vector_store %arg10[%swap3A_1179, %swap3A_1180], %mul3A_1178 {strides = array<i32>} : memref<80x128xf32, #tpu.memory_space<vmem>>, vector<16xf32>,
          %get3A_1182 = arith.index_cast %add3A_1133 : i32 to index
          %get3A_1183 = arith.constant 96 : index
          %get3A_1184 = tpu.vector_load %arg10[%get3A_1182, %get3A_1183] {strides = array<i32>} : memref<80x128xf32, #tpu.memory_space<vmem>>, vector<16xf32>,
          %mul3A_1185 = vector.broadcast %squeeze3A_1129 : f32 to vector<16xf32>
          %mul3A_1186 = arith.mulf %get3A_1184, %mul3A_1185 : vector<16xf32>
          %swap3A_1187 = arith.index_cast %add3A_1133 : i32 to index
          %swap3A_1188 = arith.constant 96 : index
          %swap3A_1189 = tpu.vector_load %arg10[%swap3A_1187, %swap3A_1188] {strides = array<i32>} : memref<80x128xf32, #tpu.memory_space<vmem>>, vector<16xf32>,
          tpu.vector_store %arg10[%swap3A_1187, %swap3A_1188], %mul3A_1186 {strides = array<i32>} : memref<80x128xf32, #tpu.memory_space<vmem>>, vector<16xf32>,
          %get3A_1190 = arith.index_cast %add3A_1133 : i32 to index
          %get3A_1191 = arith.constant 112 : index
          %get3A_1192 = tpu.vector_load %arg10[%get3A_1190, %get3A_1191] {strides = array<i32>} : memref<80x128xf32, #tpu.memory_space<vmem>>, vector<16xf32>,
          %mul3A_1193 = vector.broadcast %squeeze3A_1129 : f32 to vector<16xf32>
          %mul3A_1194 = arith.mulf %get3A_1192, %mul3A_1193 : vector<16xf32>
          %swap3A_1195 = arith.index_cast %add3A_1133 : i32 to index
          %swap3A_1196 = arith.constant 112 : index
          %swap3A_1197 = tpu.vector_load %arg10[%swap3A_1195, %swap3A_1196] {strides = array<i32>} : memref<80x128xf32, #tpu.memory_space<vmem>>, vector<16xf32>,
          tpu.vector_store %arg10[%swap3A_1195, %swap3A_1196], %mul3A_1194 {strides = array<i32>} : memref<80x128xf32, #tpu.memory_space<vmem>>, vector<16xf32>,
          %slice3A_1198 = vector.extract_strided_slice %get3A_150 {offsets = [15], sizes = [1], strides = [1]} : vector<16xf32> to vector<1xf32>
          %squeeze3A_1199 = vector.extract %slice3A_1198[0] : f32 from vector<1xf32>
          %mul3A_1200 = arith.constant 16 : i32
          %mul3A_1201 = arith.muli %scan3A_146, %mul3A_1200 : i32
          %add3A_1202 = arith.constant 15 : i32
          %add3A_1203 = arith.addi %mul3A_1201, %add3A_1202 : i32
          %get3A_1204 = arith.index_cast %add3A_1203 : i32 to index
          %get3A_1205 = arith.constant 0 : index
          %get3A_1206 = tpu.vector_load %arg10[%get3A_1204, %get3A_1205] {strides = array<i32>} : memref<80x128xf32, #tpu.memory_space<vmem>>, vector<16xf32>,
          %mul3A_1207 = vector.broadcast %squeeze3A_1199 : f32 to vector<16xf32>
          %mul3A_1208 = arith.mulf %get3A_1206, %mul3A_1207 : vector<16xf32>
          %swap3A_1209 = arith.index_cast %add3A_1203 : i32 to index
          %swap3A_1210 = arith.constant 0 : index
          %swap3A_1211 = tpu.vector_load %arg10[%swap3A_1209, %swap3A_1210] {strides = array<i32>} : memref<80x128xf32, #tpu.memory_space<vmem>>, vector<16xf32>,
          tpu.vector_store %arg10[%swap3A_1209, %swap3A_1210], %mul3A_1208 {strides = array<i32>} : memref<80x128xf32, #tpu.memory_space<vmem>>, vector<16xf32>,
          %get3A_1212 = arith.index_cast %add3A_1203 : i32 to index
          %get3A_1213 = arith.constant 16 : index
          %get3A_1214 = tpu.vector_load %arg10[%get3A_1212, %get3A_1213] {strides = array<i32>} : memref<80x128xf32, #tpu.memory_space<vmem>>, vector<16xf32>,
          %mul3A_1215 = vector.broadcast %squeeze3A_1199 : f32 to vector<16xf32>
          %mul3A_1216 = arith.mulf %get3A_1214, %mul3A_1215 : vector<16xf32>
          %swap3A_1217 = arith.index_cast %add3A_1203 : i32 to index
          %swap3A_1218 = arith.constant 16 : index
          %swap3A_1219 = tpu.vector_load %arg10[%swap3A_1217, %swap3A_1218] {strides = array<i32>} : memref<80x128xf32, #tpu.memory_space<vmem>>, vector<16xf32>,
          tpu.vector_store %arg10[%swap3A_1217, %swap3A_1218], %mul3A_1216 {strides = array<i32>} : memref<80x128xf32, #tpu.memory_space<vmem>>, vector<16xf32>,
          %get3A_1220 = arith.index_cast %add3A_1203 : i32 to index
          %get3A_1221 = arith.constant 32 : index
          %get3A_1222 = tpu.vector_load %arg10[%get3A_1220, %get3A_1221] {strides = array<i32>} : memref<80x128xf32, #tpu.memory_space<vmem>>, vector<16xf32>,
          %mul3A_1223 = vector.broadcast %squeeze3A_1199 : f32 to vector<16xf32>
          %mul3A_1224 = arith.mulf %get3A_1222, %mul3A_1223 : vector<16xf32>
          %swap3A_1225 = arith.index_cast %add3A_1203 : i32 to index
          %swap3A_1226 = arith.constant 32 : index
          %swap3A_1227 = tpu.vector_load %arg10[%swap3A_1225, %swap3A_1226] {strides = array<i32>} : memref<80x128xf32, #tpu.memory_space<vmem>>, vector<16xf32>,
          tpu.vector_store %arg10[%swap3A_1225, %swap3A_1226], %mul3A_1224 {strides = array<i32>} : memref<80x128xf32, #tpu.memory_space<vmem>>, vector<16xf32>,
          %get3A_1228 = arith.index_cast %add3A_1203 : i32 to index
          %get3A_1229 = arith.constant 48 : index
          %get3A_1230 = tpu.vector_load %arg10[%get3A_1228, %get3A_1229] {strides = array<i32>} : memref<80x128xf32, #tpu.memory_space<vmem>>, vector<16xf32>,
          %mul3A_1231 = vector.broadcast %squeeze3A_1199 : f32 to vector<16xf32>
          %mul3A_1232 = arith.mulf %get3A_1230, %mul3A_1231 : vector<16xf32>
          %swap3A_1233 = arith.index_cast %add3A_1203 : i32 to index
          %swap3A_1234 = arith.constant 48 : index
          %swap3A_1235 = tpu.vector_load %arg10[%swap3A_1233, %swap3A_1234] {strides = array<i32>} : memref<80x128xf32, #tpu.memory_space<vmem>>, vector<16xf32>,
          tpu.vector_store %arg10[%swap3A_1233, %swap3A_1234], %mul3A_1232 {strides = array<i32>} : memref<80x128xf32, #tpu.memory_space<vmem>>, vector<16xf32>,
          %get3A_1236 = arith.index_cast %add3A_1203 : i32 to index
          %get3A_1237 = arith.constant 64 : index
          %get3A_1238 = tpu.vector_load %arg10[%get3A_1236, %get3A_1237] {strides = array<i32>} : memref<80x128xf32, #tpu.memory_space<vmem>>, vector<16xf32>,
          %mul3A_1239 = vector.broadcast %squeeze3A_1199 : f32 to vector<16xf32>
          %mul3A_1240 = arith.mulf %get3A_1238, %mul3A_1239 : vector<16xf32>
          %swap3A_1241 = arith.index_cast %add3A_1203 : i32 to index
          %swap3A_1242 = arith.constant 64 : index
          %swap3A_1243 = tpu.vector_load %arg10[%swap3A_1241, %swap3A_1242] {strides = array<i32>} : memref<80x128xf32, #tpu.memory_space<vmem>>, vector<16xf32>,
          tpu.vector_store %arg10[%swap3A_1241, %swap3A_1242], %mul3A_1240 {strides = array<i32>} : memref<80x128xf32, #tpu.memory_space<vmem>>, vector<16xf32>,
          %get3A_1244 = arith.index_cast %add3A_1203 : i32 to index
          %get3A_1245 = arith.constant 80 : index
          %get3A_1246 = tpu.vector_load %arg10[%get3A_1244, %get3A_1245] {strides = array<i32>} : memref<80x128xf32, #tpu.memory_space<vmem>>, vector<16xf32>,
          %mul3A_1247 = vector.broadcast %squeeze3A_1199 : f32 to vector<16xf32>
          %mul3A_1248 = arith.mulf %get3A_1246, %mul3A_1247 : vector<16xf32>
          %swap3A_1249 = arith.index_cast %add3A_1203 : i32 to index
          %swap3A_1250 = arith.constant 80 : index
          %swap3A_1251 = tpu.vector_load %arg10[%swap3A_1249, %swap3A_1250] {strides = array<i32>} : memref<80x128xf32, #tpu.memory_space<vmem>>, vector<16xf32>,
          tpu.vector_store %arg10[%swap3A_1249, %swap3A_1250], %mul3A_1248 {strides = array<i32>} : memref<80x128xf32, #tpu.memory_space<vmem>>, vector<16xf32>,
          %get3A_1252 = arith.index_cast %add3A_1203 : i32 to index
          %get3A_1253 = arith.constant 96 : index
          %get3A_1254 = tpu.vector_load %arg10[%get3A_1252, %get3A_1253] {strides = array<i32>} : memref<80x128xf32, #tpu.memory_space<vmem>>, vector<16xf32>,
          %mul3A_1255 = vector.broadcast %squeeze3A_1199 : f32 to vector<16xf32>
          %mul3A_1256 = arith.mulf %get3A_1254, %mul3A_1255 : vector<16xf32>
          %swap3A_1257 = arith.index_cast %add3A_1203 : i32 to index
          %swap3A_1258 = arith.constant 96 : index
          %swap3A_1259 = tpu.vector_load %arg10[%swap3A_1257, %swap3A_1258] {strides = array<i32>} : memref<80x128xf32, #tpu.memory_space<vmem>>, vector<16xf32>,
          tpu.vector_store %arg10[%swap3A_1257, %swap3A_1258], %mul3A_1256 {strides = array<i32>} : memref<80x128xf32, #tpu.memory_space<vmem>>, vector<16xf32>,
          %get3A_1260 = arith.index_cast %add3A_1203 : i32 to index
          %get3A_1261 = arith.constant 112 : index
          %get3A_1262 = tpu.vector_load %arg10[%get3A_1260, %get3A_1261] {strides = array<i32>} : memref<80x128xf32, #tpu.memory_space<vmem>>, vector<16xf32>,
          %mul3A_1263 = vector.broadcast %squeeze3A_1199 : f32 to vector<16xf32>
          %mul3A_1264 = arith.mulf %get3A_1262, %mul3A_1263 : vector<16xf32>
          %swap3A_1265 = arith.index_cast %add3A_1203 : i32 to index
          %swap3A_1266 = arith.constant 112 : index
          %swap3A_1267 = tpu.vector_load %arg10[%swap3A_1265, %swap3A_1266] {strides = array<i32>} : memref<80x128xf32, #tpu.memory_space<vmem>>, vector<16xf32>,
          tpu.vector_store %arg10[%swap3A_1265, %swap3A_1266], %mul3A_1264 {strides = array<i32>} : memref<80x128xf32, #tpu.memory_space<vmem>>, vector<16xf32>,
        }
        %scan3A_145 = arith.constant 5 : i32
        "tpu.region"() ({
          %run_scoped3A = tpu.sem_alloc : memref<!tpu.dma_semaphore, #tpu.memory_space<semaphore_mem>>
          %dma_start3A_146 = arith.constant 0 : i32
          %dma_start3A_147 = tpu.memref_slice %arg8[%scan3A_129, %dma_start3A_146] : memref<25x80xi32, #tpu.memory_space<vmem>> -> memref<1x80xi32, #tpu.memory_space<vmem>>
          %dma_start3A_148 = tpu.memref_squeeze %dma_start3A_147 : memref<1x80xi32, #tpu.memory_space<vmem>> -> memref<80xi32, #tpu.memory_space<vmem>>
          %dma_start3A_149 = arith.constant 0 : i32
          %dma_start3A_150 = arith.constant 0 : i32
          %dma_start3A_151 = tpu.memref_slice %arg11[%dma_start3A_149, %dma_start3A_150] : memref<10000x128xf32, #tpu.memory_space<vmem_shared>> -> memref<10000x128xf32, #tpu.memory_space<vmem_shared>>
          tpu.enqueue_indirect_dma source(%arg10 : memref<80x128xf32, #tpu.memory_space<vmem>>) target(%dma_start3A_151 : memref<10000x128xf32, #tpu.memory_space<vmem_shared>>) offsets(%dma_start3A_148 : memref<80xi32, #tpu.memory_space<vmem>>) semaphore(%run_scoped3A : memref<!tpu.dma_semaphore, #tpu.memory_space<semaphore_mem>>) {add = true}
          %dma_wait3A_152 = arith.constant 0 : i32
          %dma_wait3A_153 = tpu.memref_slice %arg8[%scan3A_129, %dma_wait3A_152] : memref<25x80xi32, #tpu.memory_space<vmem>> -> memref<1x80xi32, #tpu.memory_space<vmem>>
          %dma_wait3A_154 = tpu.memref_squeeze %dma_wait3A_153 : memref<1x80xi32, #tpu.memory_space<vmem>> -> memref<80xi32, #tpu.memory_space<vmem>>
          %dma_wait3A_155 = arith.constant 0 : i32
          %dma_wait3A_156 = arith.constant 0 : i32
          %dma_wait3A_157 = tpu.memref_slice %arg11[%dma_wait3A_155, %dma_wait3A_156] : memref<10000x128xf32, #tpu.memory_space<vmem_shared>> -> memref<10000x128xf32, #tpu.memory_space<vmem_shared>>
          tpu.wait_indirect_dma semaphore(%run_scoped3A : memref<!tpu.dma_semaphore, #tpu.memory_space<semaphore_mem>>) src(%arg10 : memref<80x128xf32, #tpu.memory_space<vmem>>) dst(%dma_wait3A_157 : memref<10000x128xf32, #tpu.memory_space<vmem_shared>>)
          tpu.yield
        }) : () -> ()
      }
      %scan3A_128 = arith.constant 25 : i32
    }
    %scan3A_64 = arith.constant 5 : i32
    %barrier3A_65 = arith.constant 0 : index
    tpu.barrier barrier_id(%barrier3A_65)
    %add3A_66 = arith.constant 0 : i32
    %add3A_67 = arith.addi %arg1, %add3A_66 : i32
    %lt3A_68 = arith.constant 125 : i32
    %lt3A_69 = arith.cmpi slt, %add3A_67, %lt3A_68 : i32
    %convert_element_type3A_70 = arith.extui %lt3A_69 : i1 to i32
    %cond3A_71 = arith.constant 0 : i32
    %cond3A_72 = arith.cmpi ne, %convert_element_type3A_70, %cond3A_71 : i32
    scf.if %cond3A_72 {
      %mul3A_122 = arith.constant 80 : i32
      %mul3A_123 = arith.muli %add3A_67, %mul3A_122 : i32
      %multiple_of3A = tpu.assume_multiple %mul3A_123, 80 : i32
      "tpu.region"() ({
        %run_scoped3A = tpu.sem_alloc : memref<!tpu.dma_semaphore, #tpu.memory_space<semaphore_mem>>
        %dma_start3A = arith.constant 0 : i32
        %dma_start3A_124 = tpu.memref_slice %arg11[%multiple_of3A, %dma_start3A] : memref<10000x128xf32, #tpu.memory_space<vmem_shared>> -> memref<80x128xf32, #tpu.memory_space<vmem_shared>>
        %dma_start3A_125 = arith.constant 0 : i32
        %dma_start3A_126 = tpu.memref_slice %arg11[%multiple_of3A, %dma_start3A_125] : memref<10000x128xf32, #tpu.memory_space<vmem_shared>> -> memref<80x128xf32, #tpu.memory_space<vmem_shared>>
        tpu.enqueue_dma source(%dma_start3A_126 : memref<80x128xf32, #tpu.memory_space<vmem_shared>>) target(%arg10 : memref<80x128xf32, #tpu.memory_space<vmem>>) target_semaphore(%run_scoped3A : memref<!tpu.dma_semaphore, #tpu.memory_space<semaphore_mem>>)
        %dma_wait3A = arith.constant 0 : i32
        %dma_wait3A_127 = tpu.memref_slice %arg11[%multiple_of3A, %dma_wait3A] : memref<10000x128xf32, #tpu.memory_space<vmem_shared>> -> memref<80x128xf32, #tpu.memory_space<vmem_shared>>
        %dma_wait3A_128 = arith.constant 0 : i32
        %dma_wait3A_129 = tpu.memref_slice %arg11[%multiple_of3A, %dma_wait3A_128] : memref<10000x128xf32, #tpu.memory_space<vmem_shared>> -> memref<80x128xf32, #tpu.memory_space<vmem_shared>>
        tpu.wait_dma2 semaphore(%run_scoped3A : memref<!tpu.dma_semaphore, #tpu.memory_space<semaphore_mem>>) src(%dma_wait3A_129 : memref<80x128xf32, #tpu.memory_space<vmem_shared>>) dst(%arg10 : memref<80x128xf32, #tpu.memory_space<vmem>>)
        tpu.yield
      }) : () -> ()
      "tpu.region"() ({
        %run_scoped3A = tpu.sem_alloc : memref<!tpu.dma_semaphore, #tpu.memory_space<semaphore_mem>>
        %dma_start3A = arith.constant 0 : i32
        %dma_start3A_124 = tpu.memref_slice %arg6[%arg0, %multiple_of3A, %dma_start3A] : memref<2x10000x128xf32, #tpu.memory_space<hbm>> -> memref<1x80x128xf32, #tpu.memory_space<hbm>>
        %dma_start3A_125 = tpu.memref_squeeze %dma_start3A_124 : memref<1x80x128xf32, #tpu.memory_space<hbm>> -> memref<80x128xf32, #tpu.memory_space<hbm>>
        %dma_start3A_126 = arith.constant 0 : i32
        %dma_start3A_127 = tpu.memref_slice %arg6[%arg0, %multiple_of3A, %dma_start3A_126] : memref<2x10000x128xf32, #tpu.memory_space<hbm>> -> memref<1x80x128xf32, #tpu.memory_space<hbm>>
        %dma_start3A_128 = tpu.memref_squeeze %dma_start3A_127 : memref<1x80x128xf32, #tpu.memory_space<hbm>> -> memref<80x128xf32, #tpu.memory_space<hbm>>
        tpu.enqueue_dma source(%arg10 : memref<80x128xf32, #tpu.memory_space<vmem>>) target(%dma_start3A_128 : memref<80x128xf32, #tpu.memory_space<hbm>>) target_semaphore(%run_scoped3A : memref<!tpu.dma_semaphore, #tpu.memory_space<semaphore_mem>>)
        %dma_wait3A = arith.constant 0 : i32
        %dma_wait3A_129 = tpu.memref_slice %arg6[%arg0, %multiple_of3A, %dma_wait3A] : memref<2x10000x128xf32, #tpu.memory_space<hbm>> -> memref<1x80x128xf32, #tpu.memory_space<hbm>>
        %dma_wait3A_130 = tpu.memref_squeeze %dma_wait3A_129 : memref<1x80x128xf32, #tpu.memory_space<hbm>> -> memref<80x128xf32, #tpu.memory_space<hbm>>
        %dma_wait3A_131 = arith.constant 0 : i32
        %dma_wait3A_132 = tpu.memref_slice %arg6[%arg0, %multiple_of3A, %dma_wait3A_131] : memref<2x10000x128xf32, #tpu.memory_space<hbm>> -> memref<1x80x128xf32, #tpu.memory_space<hbm>>
        %dma_wait3A_133 = tpu.memref_squeeze %dma_wait3A_132 : memref<1x80x128xf32, #tpu.memory_space<hbm>> -> memref<80x128xf32, #tpu.memory_space<hbm>>
        tpu.wait_dma2 semaphore(%run_scoped3A : memref<!tpu.dma_semaphore, #tpu.memory_space<semaphore_mem>>) src(%arg10 : memref<80x128xf32, #tpu.memory_space<vmem>>) dst(%dma_wait3A_133 : memref<80x128xf32, #tpu.memory_space<hbm>>)
        tpu.yield
      }) : () -> ()
    } else {
    }
    %add3A_73 = arith.constant 16 : i32
    %add3A_74 = arith.addi %arg1, %add3A_73 : i32
    %lt3A_75 = arith.constant 125 : i32
    %lt3A_76 = arith.cmpi slt, %add3A_74, %lt3A_75 : i32
    %convert_element_type3A_77 = arith.extui %lt3A_76 : i1 to i32
    %cond3A_78 = arith.constant 0 : i32
    %cond3A_79 = arith.cmpi ne, %convert_element_type3A_77, %cond3A_78 : i32
    scf.if %cond3A_79 {
      %mul3A_122 = arith.constant 80 : i32
      %mul3A_123 = arith.muli %add3A_74, %mul3A_122 : i32
      %multiple_of3A = tpu.assume_multiple %mul3A_123, 80 : i32
      "tpu.region"() ({
        %run_scoped3A = tpu.sem_alloc : memref<!tpu.dma_semaphore, #tpu.memory_space<semaphore_mem>>
        %dma_start3A = arith.constant 0 : i32
        %dma_start3A_124 = tpu.memref_slice %arg11[%multiple_of3A, %dma_start3A] : memref<10000x128xf32, #tpu.memory_space<vmem_shared>> -> memref<80x128xf32, #tpu.memory_space<vmem_shared>>
        %dma_start3A_125 = arith.constant 0 : i32
        %dma_start3A_126 = tpu.memref_slice %arg11[%multiple_of3A, %dma_start3A_125] : memref<10000x128xf32, #tpu.memory_space<vmem_shared>> -> memref<80x128xf32, #tpu.memory_space<vmem_shared>>
        tpu.enqueue_dma source(%dma_start3A_126 : memref<80x128xf32, #tpu.memory_space<vmem_shared>>) target(%arg10 : memref<80x128xf32, #tpu.memory_space<vmem>>) target_semaphore(%run_scoped3A : memref<!tpu.dma_semaphore, #tpu.memory_space<semaphore_mem>>)
        %dma_wait3A = arith.constant 0 : i32
        %dma_wait3A_127 = tpu.memref_slice %arg11[%multiple_of3A, %dma_wait3A] : memref<10000x128xf32, #tpu.memory_space<vmem_shared>> -> memref<80x128xf32, #tpu.memory_space<vmem_shared>>
        %dma_wait3A_128 = arith.constant 0 : i32
        %dma_wait3A_129 = tpu.memref_slice %arg11[%multiple_of3A, %dma_wait3A_128] : memref<10000x128xf32, #tpu.memory_space<vmem_shared>> -> memref<80x128xf32, #tpu.memory_space<vmem_shared>>
        tpu.wait_dma2 semaphore(%run_scoped3A : memref<!tpu.dma_semaphore, #tpu.memory_space<semaphore_mem>>) src(%dma_wait3A_129 : memref<80x128xf32, #tpu.memory_space<vmem_shared>>) dst(%arg10 : memref<80x128xf32, #tpu.memory_space<vmem>>)
        tpu.yield
      }) : () -> ()
      "tpu.region"() ({
        %run_scoped3A = tpu.sem_alloc : memref<!tpu.dma_semaphore, #tpu.memory_space<semaphore_mem>>
        %dma_start3A = arith.constant 0 : i32
        %dma_start3A_124 = tpu.memref_slice %arg6[%arg0, %multiple_of3A, %dma_start3A] : memref<2x10000x128xf32, #tpu.memory_space<hbm>> -> memref<1x80x128xf32, #tpu.memory_space<hbm>>
        %dma_start3A_125 = tpu.memref_squeeze %dma_start3A_124 : memref<1x80x128xf32, #tpu.memory_space<hbm>> -> memref<80x128xf32, #tpu.memory_space<hbm>>
        %dma_start3A_126 = arith.constant 0 : i32
        %dma_start3A_127 = tpu.memref_slice %arg6[%arg0, %multiple_of3A, %dma_start3A_126] : memref<2x10000x128xf32, #tpu.memory_space<hbm>> -> memref<1x80x128xf32, #tpu.memory_space<hbm>>
        %dma_start3A_128 = tpu.memref_squeeze %dma_start3A_127 : memref<1x80x128xf32, #tpu.memory_space<hbm>> -> memref<80x128xf32, #tpu.memory_space<hbm>>
        tpu.enqueue_dma source(%arg10 : memref<80x128xf32, #tpu.memory_space<vmem>>) target(%dma_start3A_128 : memref<80x128xf32, #tpu.memory_space<hbm>>) target_semaphore(%run_scoped3A : memref<!tpu.dma_semaphore, #tpu.memory_space<semaphore_mem>>)
        %dma_wait3A = arith.constant 0 : i32
        %dma_wait3A_129 = tpu.memref_slice %arg6[%arg0, %multiple_of3A, %dma_wait3A] : memref<2x10000x128xf32, #tpu.memory_space<hbm>> -> memref<1x80x128xf32, #tpu.memory_space<hbm>>
        %dma_wait3A_130 = tpu.memref_squeeze %dma_wait3A_129 : memref<1x80x128xf32, #tpu.memory_space<hbm>> -> memref<80x128xf32, #tpu.memory_space<hbm>>
        %dma_wait3A_131 = arith.constant 0 : i32
        %dma_wait3A_132 = tpu.memref_slice %arg6[%arg0, %multiple_of3A, %dma_wait3A_131] : memref<2x10000x128xf32, #tpu.memory_space<hbm>> -> memref<1x80x128xf32, #tpu.memory_space<hbm>>
        %dma_wait3A_133 = tpu.memref_squeeze %dma_wait3A_132 : memref<1x80x128xf32, #tpu.memory_space<hbm>> -> memref<80x128xf32, #tpu.memory_space<hbm>>
        tpu.wait_dma2 semaphore(%run_scoped3A : memref<!tpu.dma_semaphore, #tpu.memory_space<semaphore_mem>>) src(%arg10 : memref<80x128xf32, #tpu.memory_space<vmem>>) dst(%dma_wait3A_133 : memref<80x128xf32, #tpu.memory_space<hbm>>)
        tpu.yield
      }) : () -> ()
    } else {
    }
    %add3A_80 = arith.constant 32 : i32
    %add3A_81 = arith.addi %arg1, %add3A_80 : i32
    %lt3A_82 = arith.constant 125 : i32
    %lt3A_83 = arith.cmpi slt, %add3A_81, %lt3A_82 : i32
    %convert_element_type3A_84 = arith.extui %lt3A_83 : i1 to i32
    %cond3A_85 = arith.constant 0 : i32
    %cond3A_86 = arith.cmpi ne, %convert_element_type3A_84, %cond3A_85 : i32
    scf.if %cond3A_86 {
      %mul3A_122 = arith.constant 80 : i32
      %mul3A_123 = arith.muli %add3A_81, %mul3A_122 : i32
      %multiple_of3A = tpu.assume_multiple %mul3A_123, 80 : i32
      "tpu.region"() ({
        %run_scoped3A = tpu.sem_alloc : memref<!tpu.dma_semaphore, #tpu.memory_space<semaphore_mem>>
        %dma_start3A = arith.constant 0 : i32
        %dma_start3A_124 = tpu.memref_slice %arg11[%multiple_of3A, %dma_start3A] : memref<10000x128xf32, #tpu.memory_space<vmem_shared>> -> memref<80x128xf32, #tpu.memory_space<vmem_shared>>
        %dma_start3A_125 = arith.constant 0 : i32
        %dma_start3A_126 = tpu.memref_slice %arg11[%multiple_of3A, %dma_start3A_125] : memref<10000x128xf32, #tpu.memory_space<vmem_shared>> -> memref<80x128xf32, #tpu.memory_space<vmem_shared>>
        tpu.enqueue_dma source(%dma_start3A_126 : memref<80x128xf32, #tpu.memory_space<vmem_shared>>) target(%arg10 : memref<80x128xf32, #tpu.memory_space<vmem>>) target_semaphore(%run_scoped3A : memref<!tpu.dma_semaphore, #tpu.memory_space<semaphore_mem>>)
        %dma_wait3A = arith.constant 0 : i32
        %dma_wait3A_127 = tpu.memref_slice %arg11[%multiple_of3A, %dma_wait3A] : memref<10000x128xf32, #tpu.memory_space<vmem_shared>> -> memref<80x128xf32, #tpu.memory_space<vmem_shared>>
        %dma_wait3A_128 = arith.constant 0 : i32
        %dma_wait3A_129 = tpu.memref_slice %arg11[%multiple_of3A, %dma_wait3A_128] : memref<10000x128xf32, #tpu.memory_space<vmem_shared>> -> memref<80x128xf32, #tpu.memory_space<vmem_shared>>
        tpu.wait_dma2 semaphore(%run_scoped3A : memref<!tpu.dma_semaphore, #tpu.memory_space<semaphore_mem>>) src(%dma_wait3A_129 : memref<80x128xf32, #tpu.memory_space<vmem_shared>>) dst(%arg10 : memref<80x128xf32, #tpu.memory_space<vmem>>)
        tpu.yield
      }) : () -> ()
      "tpu.region"() ({
        %run_scoped3A = tpu.sem_alloc : memref<!tpu.dma_semaphore, #tpu.memory_space<semaphore_mem>>
        %dma_start3A = arith.constant 0 : i32
        %dma_start3A_124 = tpu.memref_slice %arg6[%arg0, %multiple_of3A, %dma_start3A] : memref<2x10000x128xf32, #tpu.memory_space<hbm>> -> memref<1x80x128xf32, #tpu.memory_space<hbm>>
        %dma_start3A_125 = tpu.memref_squeeze %dma_start3A_124 : memref<1x80x128xf32, #tpu.memory_space<hbm>> -> memref<80x128xf32, #tpu.memory_space<hbm>>
        %dma_start3A_126 = arith.constant 0 : i32
        %dma_start3A_127 = tpu.memref_slice %arg6[%arg0, %multiple_of3A, %dma_start3A_126] : memref<2x10000x128xf32, #tpu.memory_space<hbm>> -> memref<1x80x128xf32, #tpu.memory_space<hbm>>
        %dma_start3A_128 = tpu.memref_squeeze %dma_start3A_127 : memref<1x80x128xf32, #tpu.memory_space<hbm>> -> memref<80x128xf32, #tpu.memory_space<hbm>>
        tpu.enqueue_dma source(%arg10 : memref<80x128xf32, #tpu.memory_space<vmem>>) target(%dma_start3A_128 : memref<80x128xf32, #tpu.memory_space<hbm>>) target_semaphore(%run_scoped3A : memref<!tpu.dma_semaphore, #tpu.memory_space<semaphore_mem>>)
        %dma_wait3A = arith.constant 0 : i32
        %dma_wait3A_129 = tpu.memref_slice %arg6[%arg0, %multiple_of3A, %dma_wait3A] : memref<2x10000x128xf32, #tpu.memory_space<hbm>> -> memref<1x80x128xf32, #tpu.memory_space<hbm>>
        %dma_wait3A_130 = tpu.memref_squeeze %dma_wait3A_129 : memref<1x80x128xf32, #tpu.memory_space<hbm>> -> memref<80x128xf32, #tpu.memory_space<hbm>>
        %dma_wait3A_131 = arith.constant 0 : i32
        %dma_wait3A_132 = tpu.memref_slice %arg6[%arg0, %multiple_of3A, %dma_wait3A_131] : memref<2x10000x128xf32, #tpu.memory_space<hbm>> -> memref<1x80x128xf32, #tpu.memory_space<hbm>>
        %dma_wait3A_133 = tpu.memref_squeeze %dma_wait3A_132 : memref<1x80x128xf32, #tpu.memory_space<hbm>> -> memref<80x128xf32, #tpu.memory_space<hbm>>
        tpu.wait_dma2 semaphore(%run_scoped3A : memref<!tpu.dma_semaphore, #tpu.memory_space<semaphore_mem>>) src(%arg10 : memref<80x128xf32, #tpu.memory_space<vmem>>) dst(%dma_wait3A_133 : memref<80x128xf32, #tpu.memory_space<hbm>>)
        tpu.yield
      }) : () -> ()
    } else {
    }
    %add3A_87 = arith.constant 48 : i32
    %add3A_88 = arith.addi %arg1, %add3A_87 : i32
    %lt3A_89 = arith.constant 125 : i32
    %lt3A_90 = arith.cmpi slt, %add3A_88, %lt3A_89 : i32
    %convert_element_type3A_91 = arith.extui %lt3A_90 : i1 to i32
    %cond3A_92 = arith.constant 0 : i32
    %cond3A_93 = arith.cmpi ne, %convert_element_type3A_91, %cond3A_92 : i32
    scf.if %cond3A_93 {
      %mul3A_122 = arith.constant 80 : i32
      %mul3A_123 = arith.muli %add3A_88, %mul3A_122 : i32
      %multiple_of3A = tpu.assume_multiple %mul3A_123, 80 : i32
      "tpu.region"() ({
        %run_scoped3A = tpu.sem_alloc : memref<!tpu.dma_semaphore, #tpu.memory_space<semaphore_mem>>
        %dma_start3A = arith.constant 0 : i32
        %dma_start3A_124 = tpu.memref_slice %arg11[%multiple_of3A, %dma_start3A] : memref<10000x128xf32, #tpu.memory_space<vmem_shared>> -> memref<80x128xf32, #tpu.memory_space<vmem_shared>>
        %dma_start3A_125 = arith.constant 0 : i32
        %dma_start3A_126 = tpu.memref_slice %arg11[%multiple_of3A, %dma_start3A_125] : memref<10000x128xf32, #tpu.memory_space<vmem_shared>> -> memref<80x128xf32, #tpu.memory_space<vmem_shared>>
        tpu.enqueue_dma source(%dma_start3A_126 : memref<80x128xf32, #tpu.memory_space<vmem_shared>>) target(%arg10 : memref<80x128xf32, #tpu.memory_space<vmem>>) target_semaphore(%run_scoped3A : memref<!tpu.dma_semaphore, #tpu.memory_space<semaphore_mem>>)
        %dma_wait3A = arith.constant 0 : i32
        %dma_wait3A_127 = tpu.memref_slice %arg11[%multiple_of3A, %dma_wait3A] : memref<10000x128xf32, #tpu.memory_space<vmem_shared>> -> memref<80x128xf32, #tpu.memory_space<vmem_shared>>
        %dma_wait3A_128 = arith.constant 0 : i32
        %dma_wait3A_129 = tpu.memref_slice %arg11[%multiple_of3A, %dma_wait3A_128] : memref<10000x128xf32, #tpu.memory_space<vmem_shared>> -> memref<80x128xf32, #tpu.memory_space<vmem_shared>>
        tpu.wait_dma2 semaphore(%run_scoped3A : memref<!tpu.dma_semaphore, #tpu.memory_space<semaphore_mem>>) src(%dma_wait3A_129 : memref<80x128xf32, #tpu.memory_space<vmem_shared>>) dst(%arg10 : memref<80x128xf32, #tpu.memory_space<vmem>>)
        tpu.yield
      }) : () -> ()
      "tpu.region"() ({
        %run_scoped3A = tpu.sem_alloc : memref<!tpu.dma_semaphore, #tpu.memory_space<semaphore_mem>>
        %dma_start3A = arith.constant 0 : i32
        %dma_start3A_124 = tpu.memref_slice %arg6[%arg0, %multiple_of3A, %dma_start3A] : memref<2x10000x128xf32, #tpu.memory_space<hbm>> -> memref<1x80x128xf32, #tpu.memory_space<hbm>>
        %dma_start3A_125 = tpu.memref_squeeze %dma_start3A_124 : memref<1x80x128xf32, #tpu.memory_space<hbm>> -> memref<80x128xf32, #tpu.memory_space<hbm>>
        %dma_start3A_126 = arith.constant 0 : i32
        %dma_start3A_127 = tpu.memref_slice %arg6[%arg0, %multiple_of3A, %dma_start3A_126] : memref<2x10000x128xf32, #tpu.memory_space<hbm>> -> memref<1x80x128xf32, #tpu.memory_space<hbm>>
        %dma_start3A_128 = tpu.memref_squeeze %dma_start3A_127 : memref<1x80x128xf32, #tpu.memory_space<hbm>> -> memref<80x128xf32, #tpu.memory_space<hbm>>
        tpu.enqueue_dma source(%arg10 : memref<80x128xf32, #tpu.memory_space<vmem>>) target(%dma_start3A_128 : memref<80x128xf32, #tpu.memory_space<hbm>>) target_semaphore(%run_scoped3A : memref<!tpu.dma_semaphore, #tpu.memory_space<semaphore_mem>>)
        %dma_wait3A = arith.constant 0 : i32
        %dma_wait3A_129 = tpu.memref_slice %arg6[%arg0, %multiple_of3A, %dma_wait3A] : memref<2x10000x128xf32, #tpu.memory_space<hbm>> -> memref<1x80x128xf32, #tpu.memory_space<hbm>>
        %dma_wait3A_130 = tpu.memref_squeeze %dma_wait3A_129 : memref<1x80x128xf32, #tpu.memory_space<hbm>> -> memref<80x128xf32, #tpu.memory_space<hbm>>
        %dma_wait3A_131 = arith.constant 0 : i32
        %dma_wait3A_132 = tpu.memref_slice %arg6[%arg0, %multiple_of3A, %dma_wait3A_131] : memref<2x10000x128xf32, #tpu.memory_space<hbm>> -> memref<1x80x128xf32, #tpu.memory_space<hbm>>
        %dma_wait3A_133 = tpu.memref_squeeze %dma_wait3A_132 : memref<1x80x128xf32, #tpu.memory_space<hbm>> -> memref<80x128xf32, #tpu.memory_space<hbm>>
        tpu.wait_dma2 semaphore(%run_scoped3A : memref<!tpu.dma_semaphore, #tpu.memory_space<semaphore_mem>>) src(%arg10 : memref<80x128xf32, #tpu.memory_space<vmem>>) dst(%dma_wait3A_133 : memref<80x128xf32, #tpu.memory_space<hbm>>)
        tpu.yield
      }) : () -> ()
    } else {
    }
    %add3A_94 = arith.constant 64 : i32
    %add3A_95 = arith.addi %arg1, %add3A_94 : i32
    %lt3A_96 = arith.constant 125 : i32
    %lt3A_97 = arith.cmpi slt, %add3A_95, %lt3A_96 : i32
    %convert_element_type3A_98 = arith.extui %lt3A_97 : i1 to i32
    %cond3A_99 = arith.constant 0 : i32
    %cond3A_100 = arith.cmpi ne, %convert_element_type3A_98, %cond3A_99 : i32
    scf.if %cond3A_100 {
      %mul3A_122 = arith.constant 80 : i32
      %mul3A_123 = arith.muli %add3A_95, %mul3A_122 : i32
      %multiple_of3A = tpu.assume_multiple %mul3A_123, 80 : i32
      "tpu.region"() ({
        %run_scoped3A = tpu.sem_alloc : memref<!tpu.dma_semaphore, #tpu.memory_space<semaphore_mem>>
        %dma_start3A = arith.constant 0 : i32
        %dma_start3A_124 = tpu.memref_slice %arg11[%multiple_of3A, %dma_start3A] : memref<10000x128xf32, #tpu.memory_space<vmem_shared>> -> memref<80x128xf32, #tpu.memory_space<vmem_shared>>
        %dma_start3A_125 = arith.constant 0 : i32
        %dma_start3A_126 = tpu.memref_slice %arg11[%multiple_of3A, %dma_start3A_125] : memref<10000x128xf32, #tpu.memory_space<vmem_shared>> -> memref<80x128xf32, #tpu.memory_space<vmem_shared>>
        tpu.enqueue_dma source(%dma_start3A_126 : memref<80x128xf32, #tpu.memory_space<vmem_shared>>) target(%arg10 : memref<80x128xf32, #tpu.memory_space<vmem>>) target_semaphore(%run_scoped3A : memref<!tpu.dma_semaphore, #tpu.memory_space<semaphore_mem>>)
        %dma_wait3A = arith.constant 0 : i32
        %dma_wait3A_127 = tpu.memref_slice %arg11[%multiple_of3A, %dma_wait3A] : memref<10000x128xf32, #tpu.memory_space<vmem_shared>> -> memref<80x128xf32, #tpu.memory_space<vmem_shared>>
        %dma_wait3A_128 = arith.constant 0 : i32
        %dma_wait3A_129 = tpu.memref_slice %arg11[%multiple_of3A, %dma_wait3A_128] : memref<10000x128xf32, #tpu.memory_space<vmem_shared>> -> memref<80x128xf32, #tpu.memory_space<vmem_shared>>
        tpu.wait_dma2 semaphore(%run_scoped3A : memref<!tpu.dma_semaphore, #tpu.memory_space<semaphore_mem>>) src(%dma_wait3A_129 : memref<80x128xf32, #tpu.memory_space<vmem_shared>>) dst(%arg10 : memref<80x128xf32, #tpu.memory_space<vmem>>)
        tpu.yield
      }) : () -> ()
      "tpu.region"() ({
        %run_scoped3A = tpu.sem_alloc : memref<!tpu.dma_semaphore, #tpu.memory_space<semaphore_mem>>
        %dma_start3A = arith.constant 0 : i32
        %dma_start3A_124 = tpu.memref_slice %arg6[%arg0, %multiple_of3A, %dma_start3A] : memref<2x10000x128xf32, #tpu.memory_space<hbm>> -> memref<1x80x128xf32, #tpu.memory_space<hbm>>
        %dma_start3A_125 = tpu.memref_squeeze %dma_start3A_124 : memref<1x80x128xf32, #tpu.memory_space<hbm>> -> memref<80x128xf32, #tpu.memory_space<hbm>>
        %dma_start3A_126 = arith.constant 0 : i32
        %dma_start3A_127 = tpu.memref_slice %arg6[%arg0, %multiple_of3A, %dma_start3A_126] : memref<2x10000x128xf32, #tpu.memory_space<hbm>> -> memref<1x80x128xf32, #tpu.memory_space<hbm>>
        %dma_start3A_128 = tpu.memref_squeeze %dma_start3A_127 : memref<1x80x128xf32, #tpu.memory_space<hbm>> -> memref<80x128xf32, #tpu.memory_space<hbm>>
        tpu.enqueue_dma source(%arg10 : memref<80x128xf32, #tpu.memory_space<vmem>>) target(%dma_start3A_128 : memref<80x128xf32, #tpu.memory_space<hbm>>) target_semaphore(%run_scoped3A : memref<!tpu.dma_semaphore, #tpu.memory_space<semaphore_mem>>)
        %dma_wait3A = arith.constant 0 : i32
        %dma_wait3A_129 = tpu.memref_slice %arg6[%arg0, %multiple_of3A, %dma_wait3A] : memref<2x10000x128xf32, #tpu.memory_space<hbm>> -> memref<1x80x128xf32, #tpu.memory_space<hbm>>
        %dma_wait3A_130 = tpu.memref_squeeze %dma_wait3A_129 : memref<1x80x128xf32, #tpu.memory_space<hbm>> -> memref<80x128xf32, #tpu.memory_space<hbm>>
        %dma_wait3A_131 = arith.constant 0 : i32
        %dma_wait3A_132 = tpu.memref_slice %arg6[%arg0, %multiple_of3A, %dma_wait3A_131] : memref<2x10000x128xf32, #tpu.memory_space<hbm>> -> memref<1x80x128xf32, #tpu.memory_space<hbm>>
        %dma_wait3A_133 = tpu.memref_squeeze %dma_wait3A_132 : memref<1x80x128xf32, #tpu.memory_space<hbm>> -> memref<80x128xf32, #tpu.memory_space<hbm>>
        tpu.wait_dma2 semaphore(%run_scoped3A : memref<!tpu.dma_semaphore, #tpu.memory_space<semaphore_mem>>) src(%arg10 : memref<80x128xf32, #tpu.memory_space<vmem>>) dst(%dma_wait3A_133 : memref<80x128xf32, #tpu.memory_space<hbm>>)
        tpu.yield
      }) : () -> ()
    } else {
    }
    %add3A_101 = arith.constant 80 : i32
    %add3A_102 = arith.addi %arg1, %add3A_101 : i32
    %lt3A_103 = arith.constant 125 : i32
    %lt3A_104 = arith.cmpi slt, %add3A_102, %lt3A_103 : i32
    %convert_element_type3A_105 = arith.extui %lt3A_104 : i1 to i32
    %cond3A_106 = arith.constant 0 : i32
    %cond3A_107 = arith.cmpi ne, %convert_element_type3A_105, %cond3A_106 : i32
    scf.if %cond3A_107 {
      %mul3A_122 = arith.constant 80 : i32
      %mul3A_123 = arith.muli %add3A_102, %mul3A_122 : i32
      %multiple_of3A = tpu.assume_multiple %mul3A_123, 80 : i32
      "tpu.region"() ({
        %run_scoped3A = tpu.sem_alloc : memref<!tpu.dma_semaphore, #tpu.memory_space<semaphore_mem>>
        %dma_start3A = arith.constant 0 : i32
        %dma_start3A_124 = tpu.memref_slice %arg11[%multiple_of3A, %dma_start3A] : memref<10000x128xf32, #tpu.memory_space<vmem_shared>> -> memref<80x128xf32, #tpu.memory_space<vmem_shared>>
        %dma_start3A_125 = arith.constant 0 : i32
        %dma_start3A_126 = tpu.memref_slice %arg11[%multiple_of3A, %dma_start3A_125] : memref<10000x128xf32, #tpu.memory_space<vmem_shared>> -> memref<80x128xf32, #tpu.memory_space<vmem_shared>>
        tpu.enqueue_dma source(%dma_start3A_126 : memref<80x128xf32, #tpu.memory_space<vmem_shared>>) target(%arg10 : memref<80x128xf32, #tpu.memory_space<vmem>>) target_semaphore(%run_scoped3A : memref<!tpu.dma_semaphore, #tpu.memory_space<semaphore_mem>>)
        %dma_wait3A = arith.constant 0 : i32
        %dma_wait3A_127 = tpu.memref_slice %arg11[%multiple_of3A, %dma_wait3A] : memref<10000x128xf32, #tpu.memory_space<vmem_shared>> -> memref<80x128xf32, #tpu.memory_space<vmem_shared>>
        %dma_wait3A_128 = arith.constant 0 : i32
        %dma_wait3A_129 = tpu.memref_slice %arg11[%multiple_of3A, %dma_wait3A_128] : memref<10000x128xf32, #tpu.memory_space<vmem_shared>> -> memref<80x128xf32, #tpu.memory_space<vmem_shared>>
        tpu.wait_dma2 semaphore(%run_scoped3A : memref<!tpu.dma_semaphore, #tpu.memory_space<semaphore_mem>>) src(%dma_wait3A_129 : memref<80x128xf32, #tpu.memory_space<vmem_shared>>) dst(%arg10 : memref<80x128xf32, #tpu.memory_space<vmem>>)
        tpu.yield
      }) : () -> ()
      "tpu.region"() ({
        %run_scoped3A = tpu.sem_alloc : memref<!tpu.dma_semaphore, #tpu.memory_space<semaphore_mem>>
        %dma_start3A = arith.constant 0 : i32
        %dma_start3A_124 = tpu.memref_slice %arg6[%arg0, %multiple_of3A, %dma_start3A] : memref<2x10000x128xf32, #tpu.memory_space<hbm>> -> memref<1x80x128xf32, #tpu.memory_space<hbm>>
        %dma_start3A_125 = tpu.memref_squeeze %dma_start3A_124 : memref<1x80x128xf32, #tpu.memory_space<hbm>> -> memref<80x128xf32, #tpu.memory_space<hbm>>
        %dma_start3A_126 = arith.constant 0 : i32
        %dma_start3A_127 = tpu.memref_slice %arg6[%arg0, %multiple_of3A, %dma_start3A_126] : memref<2x10000x128xf32, #tpu.memory_space<hbm>> -> memref<1x80x128xf32, #tpu.memory_space<hbm>>
        %dma_start3A_128 = tpu.memref_squeeze %dma_start3A_127 : memref<1x80x128xf32, #tpu.memory_space<hbm>> -> memref<80x128xf32, #tpu.memory_space<hbm>>
        tpu.enqueue_dma source(%arg10 : memref<80x128xf32, #tpu.memory_space<vmem>>) target(%dma_start3A_128 : memref<80x128xf32, #tpu.memory_space<hbm>>) target_semaphore(%run_scoped3A : memref<!tpu.dma_semaphore, #tpu.memory_space<semaphore_mem>>)
        %dma_wait3A = arith.constant 0 : i32
        %dma_wait3A_129 = tpu.memref_slice %arg6[%arg0, %multiple_of3A, %dma_wait3A] : memref<2x10000x128xf32, #tpu.memory_space<hbm>> -> memref<1x80x128xf32, #tpu.memory_space<hbm>>
        %dma_wait3A_130 = tpu.memref_squeeze %dma_wait3A_129 : memref<1x80x128xf32, #tpu.memory_space<hbm>> -> memref<80x128xf32, #tpu.memory_space<hbm>>
        %dma_wait3A_131 = arith.constant 0 : i32
        %dma_wait3A_132 = tpu.memref_slice %arg6[%arg0, %multiple_of3A, %dma_wait3A_131] : memref<2x10000x128xf32, #tpu.memory_space<hbm>> -> memref<1x80x128xf32, #tpu.memory_space<hbm>>
        %dma_wait3A_133 = tpu.memref_squeeze %dma_wait3A_132 : memref<1x80x128xf32, #tpu.memory_space<hbm>> -> memref<80x128xf32, #tpu.memory_space<hbm>>
        tpu.wait_dma2 semaphore(%run_scoped3A : memref<!tpu.dma_semaphore, #tpu.memory_space<semaphore_mem>>) src(%arg10 : memref<80x128xf32, #tpu.memory_space<vmem>>) dst(%dma_wait3A_133 : memref<80x128xf32, #tpu.memory_space<hbm>>)
        tpu.yield
      }) : () -> ()
    } else {
    }
    %add3A_108 = arith.constant 96 : i32
    %add3A_109 = arith.addi %arg1, %add3A_108 : i32
    %lt3A_110 = arith.constant 125 : i32
    %lt3A_111 = arith.cmpi slt, %add3A_109, %lt3A_110 : i32
    %convert_element_type3A_112 = arith.extui %lt3A_111 : i1 to i32
    %cond3A_113 = arith.constant 0 : i32
    %cond3A_114 = arith.cmpi ne, %convert_element_type3A_112, %cond3A_113 : i32
    scf.if %cond3A_114 {
      %mul3A_122 = arith.constant 80 : i32
      %mul3A_123 = arith.muli %add3A_109, %mul3A_122 : i32
      %multiple_of3A = tpu.assume_multiple %mul3A_123, 80 : i32
      "tpu.region"() ({
        %run_scoped3A = tpu.sem_alloc : memref<!tpu.dma_semaphore, #tpu.memory_space<semaphore_mem>>
        %dma_start3A = arith.constant 0 : i32
        %dma_start3A_124 = tpu.memref_slice %arg11[%multiple_of3A, %dma_start3A] : memref<10000x128xf32, #tpu.memory_space<vmem_shared>> -> memref<80x128xf32, #tpu.memory_space<vmem_shared>>
        %dma_start3A_125 = arith.constant 0 : i32
        %dma_start3A_126 = tpu.memref_slice %arg11[%multiple_of3A, %dma_start3A_125] : memref<10000x128xf32, #tpu.memory_space<vmem_shared>> -> memref<80x128xf32, #tpu.memory_space<vmem_shared>>
        tpu.enqueue_dma source(%dma_start3A_126 : memref<80x128xf32, #tpu.memory_space<vmem_shared>>) target(%arg10 : memref<80x128xf32, #tpu.memory_space<vmem>>) target_semaphore(%run_scoped3A : memref<!tpu.dma_semaphore, #tpu.memory_space<semaphore_mem>>)
        %dma_wait3A = arith.constant 0 : i32
        %dma_wait3A_127 = tpu.memref_slice %arg11[%multiple_of3A, %dma_wait3A] : memref<10000x128xf32, #tpu.memory_space<vmem_shared>> -> memref<80x128xf32, #tpu.memory_space<vmem_shared>>
        %dma_wait3A_128 = arith.constant 0 : i32
        %dma_wait3A_129 = tpu.memref_slice %arg11[%multiple_of3A, %dma_wait3A_128] : memref<10000x128xf32, #tpu.memory_space<vmem_shared>> -> memref<80x128xf32, #tpu.memory_space<vmem_shared>>
        tpu.wait_dma2 semaphore(%run_scoped3A : memref<!tpu.dma_semaphore, #tpu.memory_space<semaphore_mem>>) src(%dma_wait3A_129 : memref<80x128xf32, #tpu.memory_space<vmem_shared>>) dst(%arg10 : memref<80x128xf32, #tpu.memory_space<vmem>>)
        tpu.yield
      }) : () -> ()
      "tpu.region"() ({
        %run_scoped3A = tpu.sem_alloc : memref<!tpu.dma_semaphore, #tpu.memory_space<semaphore_mem>>
        %dma_start3A = arith.constant 0 : i32
        %dma_start3A_124 = tpu.memref_slice %arg6[%arg0, %multiple_of3A, %dma_start3A] : memref<2x10000x128xf32, #tpu.memory_space<hbm>> -> memref<1x80x128xf32, #tpu.memory_space<hbm>>
        %dma_start3A_125 = tpu.memref_squeeze %dma_start3A_124 : memref<1x80x128xf32, #tpu.memory_space<hbm>> -> memref<80x128xf32, #tpu.memory_space<hbm>>
        %dma_start3A_126 = arith.constant 0 : i32
        %dma_start3A_127 = tpu.memref_slice %arg6[%arg0, %multiple_of3A, %dma_start3A_126] : memref<2x10000x128xf32, #tpu.memory_space<hbm>> -> memref<1x80x128xf32, #tpu.memory_space<hbm>>
        %dma_start3A_128 = tpu.memref_squeeze %dma_start3A_127 : memref<1x80x128xf32, #tpu.memory_space<hbm>> -> memref<80x128xf32, #tpu.memory_space<hbm>>
        tpu.enqueue_dma source(%arg10 : memref<80x128xf32, #tpu.memory_space<vmem>>) target(%dma_start3A_128 : memref<80x128xf32, #tpu.memory_space<hbm>>) target_semaphore(%run_scoped3A : memref<!tpu.dma_semaphore, #tpu.memory_space<semaphore_mem>>)
        %dma_wait3A = arith.constant 0 : i32
        %dma_wait3A_129 = tpu.memref_slice %arg6[%arg0, %multiple_of3A, %dma_wait3A] : memref<2x10000x128xf32, #tpu.memory_space<hbm>> -> memref<1x80x128xf32, #tpu.memory_space<hbm>>
        %dma_wait3A_130 = tpu.memref_squeeze %dma_wait3A_129 : memref<1x80x128xf32, #tpu.memory_space<hbm>> -> memref<80x128xf32, #tpu.memory_space<hbm>>
        %dma_wait3A_131 = arith.constant 0 : i32
        %dma_wait3A_132 = tpu.memref_slice %arg6[%arg0, %multiple_of3A, %dma_wait3A_131] : memref<2x10000x128xf32, #tpu.memory_space<hbm>> -> memref<1x80x128xf32, #tpu.memory_space<hbm>>
        %dma_wait3A_133 = tpu.memref_squeeze %dma_wait3A_132 : memref<1x80x128xf32, #tpu.memory_space<hbm>> -> memref<80x128xf32, #tpu.memory_space<hbm>>
        tpu.wait_dma2 semaphore(%run_scoped3A : memref<!tpu.dma_semaphore, #tpu.memory_space<semaphore_mem>>) src(%arg10 : memref<80x128xf32, #tpu.memory_space<vmem>>) dst(%dma_wait3A_133 : memref<80x128xf32, #tpu.memory_space<hbm>>)
        tpu.yield
      }) : () -> ()
    } else {
    }
    %add3A_115 = arith.constant 112 : i32
    %add3A_116 = arith.addi %arg1, %add3A_115 : i32
    %lt3A_117 = arith.constant 125 : i32
    %lt3A_118 = arith.cmpi slt, %add3A_116, %lt3A_117 : i32
    %convert_element_type3A_119 = arith.extui %lt3A_118 : i1 to i32
    %cond3A_120 = arith.constant 0 : i32
    %cond3A_121 = arith.cmpi ne, %convert_element_type3A_119, %cond3A_120 : i32
    scf.if %cond3A_121 {
      %mul3A_122 = arith.constant 80 : i32
      %mul3A_123 = arith.muli %add3A_116, %mul3A_122 : i32
      %multiple_of3A = tpu.assume_multiple %mul3A_123, 80 : i32
      "tpu.region"() ({
        %run_scoped3A = tpu.sem_alloc : memref<!tpu.dma_semaphore, #tpu.memory_space<semaphore_mem>>
        %dma_start3A = arith.constant 0 : i32
        %dma_start3A_124 = tpu.memref_slice %arg11[%multiple_of3A, %dma_start3A] : memref<10000x128xf32, #tpu.memory_space<vmem_shared>> -> memref<80x128xf32, #tpu.memory_space<vmem_shared>>
        %dma_start3A_125 = arith.constant 0 : i32
        %dma_start3A_126 = tpu.memref_slice %arg11[%multiple_of3A, %dma_start3A_125] : memref<10000x128xf32, #tpu.memory_space<vmem_shared>> -> memref<80x128xf32, #tpu.memory_space<vmem_shared>>
        tpu.enqueue_dma source(%dma_start3A_126 : memref<80x128xf32, #tpu.memory_space<vmem_shared>>) target(%arg10 : memref<80x128xf32, #tpu.memory_space<vmem>>) target_semaphore(%run_scoped3A : memref<!tpu.dma_semaphore, #tpu.memory_space<semaphore_mem>>)
        %dma_wait3A = arith.constant 0 : i32
        %dma_wait3A_127 = tpu.memref_slice %arg11[%multiple_of3A, %dma_wait3A] : memref<10000x128xf32, #tpu.memory_space<vmem_shared>> -> memref<80x128xf32, #tpu.memory_space<vmem_shared>>
        %dma_wait3A_128 = arith.constant 0 : i32
        %dma_wait3A_129 = tpu.memref_slice %arg11[%multiple_of3A, %dma_wait3A_128] : memref<10000x128xf32, #tpu.memory_space<vmem_shared>> -> memref<80x128xf32, #tpu.memory_space<vmem_shared>>
        tpu.wait_dma2 semaphore(%run_scoped3A : memref<!tpu.dma_semaphore, #tpu.memory_space<semaphore_mem>>) src(%dma_wait3A_129 : memref<80x128xf32, #tpu.memory_space<vmem_shared>>) dst(%arg10 : memref<80x128xf32, #tpu.memory_space<vmem>>)
        tpu.yield
      }) : () -> ()
      "tpu.region"() ({
        %run_scoped3A = tpu.sem_alloc : memref<!tpu.dma_semaphore, #tpu.memory_space<semaphore_mem>>
        %dma_start3A = arith.constant 0 : i32
        %dma_start3A_124 = tpu.memref_slice %arg6[%arg0, %multiple_of3A, %dma_start3A] : memref<2x10000x128xf32, #tpu.memory_space<hbm>> -> memref<1x80x128xf32, #tpu.memory_space<hbm>>
        %dma_start3A_125 = tpu.memref_squeeze %dma_start3A_124 : memref<1x80x128xf32, #tpu.memory_space<hbm>> -> memref<80x128xf32, #tpu.memory_space<hbm>>
        %dma_start3A_126 = arith.constant 0 : i32
        %dma_start3A_127 = tpu.memref_slice %arg6[%arg0, %multiple_of3A, %dma_start3A_126] : memref<2x10000x128xf32, #tpu.memory_space<hbm>> -> memref<1x80x128xf32, #tpu.memory_space<hbm>>
        %dma_start3A_128 = tpu.memref_squeeze %dma_start3A_127 : memref<1x80x128xf32, #tpu.memory_space<hbm>> -> memref<80x128xf32, #tpu.memory_space<hbm>>
        tpu.enqueue_dma source(%arg10 : memref<80x128xf32, #tpu.memory_space<vmem>>) target(%dma_start3A_128 : memref<80x128xf32, #tpu.memory_space<hbm>>) target_semaphore(%run_scoped3A : memref<!tpu.dma_semaphore, #tpu.memory_space<semaphore_mem>>)
        %dma_wait3A = arith.constant 0 : i32
        %dma_wait3A_129 = tpu.memref_slice %arg6[%arg0, %multiple_of3A, %dma_wait3A] : memref<2x10000x128xf32, #tpu.memory_space<hbm>> -> memref<1x80x128xf32, #tpu.memory_space<hbm>>
        %dma_wait3A_130 = tpu.memref_squeeze %dma_wait3A_129 : memref<1x80x128xf32, #tpu.memory_space<hbm>> -> memref<80x128xf32, #tpu.memory_space<hbm>>
        %dma_wait3A_131 = arith.constant 0 : i32
        %dma_wait3A_132 = tpu.memref_slice %arg6[%arg0, %multiple_of3A, %dma_wait3A_131] : memref<2x10000x128xf32, #tpu.memory_space<hbm>> -> memref<1x80x128xf32, #tpu.memory_space<hbm>>
        %dma_wait3A_133 = tpu.memref_squeeze %dma_wait3A_132 : memref<1x80x128xf32, #tpu.memory_space<hbm>> -> memref<80x128xf32, #tpu.memory_space<hbm>>
        tpu.wait_dma2 semaphore(%run_scoped3A : memref<!tpu.dma_semaphore, #tpu.memory_space<semaphore_mem>>) src(%arg10 : memref<80x128xf32, #tpu.memory_space<vmem>>) dst(%dma_wait3A_133 : memref<80x128xf32, #tpu.memory_space<hbm>>)
        tpu.yield
      }) : () -> ()
    } else {
    }
    return
  }
}

module attributes {stable_mosaic.version = 14 : i64} {
  func.func @_mm_body(%arg0: i32, %arg1: memref<2000x128xf32, #tpu.memory_space<vmem>>, %arg2: memref<128x256xf32, #tpu.memory_space<vmem>>, %arg3: memref<2000x256xf32, #tpu.memory_space<vmem>>) attributes {dimension_semantics = [#tpu.dimension_semantics<arbitrary>], iteration_bounds = array<i64: 5>, scalar_prefetch = 0 : i64, scratch_operands = 0 : i64, tpu.core_type = #tpu.core_type<tc>, window_params = [{transform_indices = @transform_0, window_bounds = array<i64: 2000, 128>}, {pipeline_mode = #tpu.pipeline_mode<synchronous>, transform_indices = @transform_1, window_bounds = array<i64: 128, 256>}, {transform_indices = @transform_2, window_bounds = array<i64: 2000, 256>}]} {
    %get3A = arith.constant 0 : index
    %get3A_0 = arith.constant 0 : index
    %get3A_1 = vector.load %arg1[%get3A, %get3A_0] : memref<2000x128xf32, #tpu.memory_space<vmem>>, vector<2000x128xf32>
    %get3A_2 = arith.constant 0 : index
    %get3A_3 = arith.constant 0 : index
    %get3A_4 = vector.load %arg2[%get3A_2, %get3A_3] : memref<128x256xf32, #tpu.memory_space<vmem>>, vector<128x256xf32>
    %dot_general3A = arith.constant dense<0.000000e+00> : vector<2000x256xf32>
    %dot_general3A_5 = tpu.matmul %get3A_1, %get3A_4, %dot_general3A {dimension_numbers = #tpu.dot_dimension_numbers<[1], [0], [0], [1], [0, 0, 1, 1], [], []>, transpose_lhs_hint = false} : vector<2000x128xf32>, vector<128x256xf32>, vector<2000x256xf32> -> vector<2000x256xf32>
    %swap3A = arith.constant 0 : index
    %swap3A_6 = arith.constant 0 : index
    %swap3A_7 = vector.load %arg3[%swap3A, %swap3A_6] : memref<2000x256xf32, #tpu.memory_space<vmem>>, vector<2000x256xf32>
    tpu.vector_store %arg3[%swap3A, %swap3A_6], %dot_general3A_5 {strides = array<i32>} : memref<2000x256xf32, #tpu.memory_space<vmem>>, vector<2000x256xf32>,
    return
  }
  func.func @transform_0(%arg0: i32) -> (i32, i32) {
    %c0_i32 = arith.constant 0 : i32
    %c0_i32_0 = arith.constant 0 : i32
    return %arg0, %c0_i32 : i32, i32
  }
  func.func @transform_1(%arg0: i32) -> (i32, i32) {
    %c0_i32 = arith.constant 0 : i32
    %c0_i32_0 = arith.constant 0 : i32
    %c0_i32_1 = arith.constant 0 : i32
    return %c0_i32, %c0_i32_0 : i32, i32
  }
  func.func @transform_2(%arg0: i32) -> (i32, i32) {
    %c0_i32 = arith.constant 0 : i32
    %c0_i32_0 = arith.constant 0 : i32
    return %arg0, %c0_i32 : i32, i32
  }
}

module attributes {stable_mosaic.version = 14 : i64} {
  func.func @_softmax_body(%arg0: memref<2500x128xf32, #tpu.memory_space<vmem>>, %arg1: memref<2500x128xf32, #tpu.memory_space<vmem>>) attributes {dimension_semantics = [], scalar_prefetch = 0 : i64, scratch_operands = 0 : i64, tpu.core_type = #tpu.core_type<tc>} {
    %get3A = arith.constant 0 : index
    %get3A_0 = arith.constant 0 : index
    %get3A_1 = vector.load %arg0[%get3A, %get3A_0] : memref<2500x128xf32, #tpu.memory_space<vmem>>, vector<2500x128xf32>
    %reduce_max3A = vector.shape_cast %get3A_1 : vector<2500x128xf32> to vector<1x2500x128xf32>
    %reduce_max3A_2 = arith.constant dense<0xFF800000> : vector<1xf32>
    %reduce_max3A_3 = vector.multi_reduction <maximumf>, %reduce_max3A, %reduce_max3A_2 [1, 2] : vector<1x2500x128xf32> to vector<1xf32>
    %reduce_max3A_4 = vector.shape_cast %reduce_max3A_3 : vector<1xf32> to vector<1x1x1xf32>
    %reduce_max3A_5 = vector.extract %reduce_max3A_4[0, 0, 0] : f32 from vector<1x1x1xf32>
    %sub3A = vector.broadcast %reduce_max3A_5 : f32 to vector<2500x128xf32>
    %sub3A_6 = arith.subf %get3A_1, %sub3A : vector<2500x128xf32>
    %exp3A = math.exp %sub3A_6 : vector<2500x128xf32>
    %reduce_sum3A = vector.shape_cast %exp3A : vector<2500x128xf32> to vector<1x2500x128xf32>
    %reduce_sum3A_7 = arith.constant dense<0.000000e+00> : vector<1xf32>
    %reduce_sum3A_8 = vector.multi_reduction <add>, %reduce_sum3A, %reduce_sum3A_7 [1, 2] : vector<1x2500x128xf32> to vector<1xf32>
    %reduce_sum3A_9 = vector.shape_cast %reduce_sum3A_8 : vector<1xf32> to vector<1x1x1xf32>
    %reduce_sum3A_10 = vector.extract %reduce_sum3A_9[0, 0, 0] : f32 from vector<1x1x1xf32>
    %div3A = arith.constant 1.000000e+00 : f32
    %div3A_11 = arith.divf %div3A, %reduce_sum3A_10 : f32
    %mul3A = vector.broadcast %div3A_11 : f32 to vector<2500x128xf32>
    %mul3A_12 = arith.mulf %exp3A, %mul3A : vector<2500x128xf32>
    %swap3A = arith.constant 0 : index
    %swap3A_13 = arith.constant 0 : index
    %swap3A_14 = vector.load %arg1[%swap3A, %swap3A_13] : memref<2500x128xf32, #tpu.memory_space<vmem>>, vector<2500x128xf32>
    tpu.vector_store %arg1[%swap3A, %swap3A_13], %mul3A_12 {strides = array<i32>} : memref<2500x128xf32, #tpu.memory_space<vmem>>, vector<2500x128xf32>,
    return
  }
}

module attributes {stable_mosaic.version = 14 : i64} {
  func.func @_final_body(%arg0: i32, %arg1: memref<2x2000x128xf32, #tpu.memory_space<vmem>>, %arg2: memref<2000x128xf32, #tpu.memory_space<vmem>>, %arg3: memref<1x128xf32, #tpu.memory_space<vmem>>, %arg4: memref<2000x128xf32, #tpu.memory_space<vmem>>) attributes {dimension_semantics = [#tpu.dimension_semantics<arbitrary>], iteration_bounds = array<i64: 5>, scalar_prefetch = 0 : i64, scratch_operands = 0 : i64, tpu.core_type = #tpu.core_type<tc>, window_params = [{transform_indices = @transform_0, window_bounds = array<i64: 2, 2000, 128>}, {transform_indices = @transform_1, window_bounds = array<i64: 2000, 128>}, {pipeline_mode = #tpu.pipeline_mode<synchronous>, transform_indices = @transform_2, window_bounds = array<i64: 1, 128>}, {transform_indices = @transform_3, window_bounds = array<i64: 2000, 128>}]} {
    %get3A = arith.constant 0 : index
    %get3A_0 = arith.constant 0 : index
    %get3A_1 = arith.constant 0 : index
    %get3A_2 = vector.load %arg1[%get3A, %get3A_0, %get3A_1] : memref<2x2000x128xf32, #tpu.memory_space<vmem>>, vector<1x2000x128xf32>
    %get3A_3 = vector.shape_cast %get3A_2 : vector<1x2000x128xf32> to vector<2000x128xf32>
    %get3A_4 = arith.constant 1 : index
    %get3A_5 = arith.constant 0 : index
    %get3A_6 = arith.constant 0 : index
    %get3A_7 = vector.load %arg1[%get3A_4, %get3A_5, %get3A_6] : memref<2x2000x128xf32, #tpu.memory_space<vmem>>, vector<1x2000x128xf32>
    %get3A_8 = vector.shape_cast %get3A_7 : vector<1x2000x128xf32> to vector<2000x128xf32>
    %add3A = arith.addf %get3A_3, %get3A_8 : vector<2000x128xf32>
    %get3A_9 = arith.constant 0 : index
    %get3A_10 = arith.constant 0 : index
    %get3A_11 = vector.load %arg3[%get3A_9, %get3A_10] : memref<1x128xf32, #tpu.memory_space<vmem>>, vector<1x128xf32>
    %add3A_12 = vector.broadcast %get3A_11 : vector<1x128xf32> to vector<2000x128xf32>
    %add3A_13 = arith.addf %add3A, %add3A_12 : vector<2000x128xf32>
    %max3A = arith.constant 0.000000e+00 : f32
    %max3A_14 = vector.broadcast %max3A : f32 to vector<2000x128xf32>
    %max3A_15 = arith.maximumf %add3A_13, %max3A_14 : vector<2000x128xf32>
    %get3A_16 = arith.constant 0 : index
    %get3A_17 = arith.constant 0 : index
    %get3A_18 = vector.load %arg2[%get3A_16, %get3A_17] : memref<2000x128xf32, #tpu.memory_space<vmem>>, vector<2000x128xf32>
    %add3A_19 = arith.addf %max3A_15, %get3A_18 : vector<2000x128xf32>
    %swap3A = arith.constant 0 : index
    %swap3A_20 = arith.constant 0 : index
    %swap3A_21 = vector.load %arg4[%swap3A, %swap3A_20] : memref<2000x128xf32, #tpu.memory_space<vmem>>, vector<2000x128xf32>
    tpu.vector_store %arg4[%swap3A, %swap3A_20], %add3A_19 {strides = array<i32>} : memref<2000x128xf32, #tpu.memory_space<vmem>>, vector<2000x128xf32>,
    return
  }
  func.func @transform_0(%arg0: i32) -> (i32, i32, i32) {
    %c0_i32 = arith.constant 0 : i32
    %c0_i32_0 = arith.constant 0 : i32
    %c0_i32_1 = arith.constant 0 : i32
    return %c0_i32, %arg0, %c0_i32_0 : i32, i32, i32
  }
  func.func @transform_1(%arg0: i32) -> (i32, i32) {
    %c0_i32 = arith.constant 0 : i32
    %c0_i32_0 = arith.constant 0 : i32
    return %arg0, %c0_i32 : i32, i32
  }
  func.func @transform_2(%arg0: i32) -> (i32, i32) {
    %c0_i32 = arith.constant 0 : i32
    %c0_i32_0 = arith.constant 0 : i32
    %c0_i32_1 = arith.constant 0 : i32
    return %c0_i32, %c0_i32_0 : i32, i32
  }
  func.func @transform_3(%arg0: i32) -> (i32, i32) {
    %c0_i32 = arith.constant 0 : i32
    %c0_i32_0 = arith.constant 0 : i32
    return %arg0, %c0_i32 : i32, i32
  }
}

</mosaic_0001>

<sc_bundles>
// kernel: kernel.10.cloned.1.call-start
scs
__scs_entry_jumppad:
0x0: {  	(pc) =	sbr.rel $0x88, $3  }
0x1: {  	(tag) =	ssettag $0x0;
	lr =	simm.s32 $0x1  }
0x2: {  	[smem:$0x3F9B] =	sst lr;
	_ =	strace $0xD0000000  }
0x3: {  	_ = 	snop  }
0x4: {  	_ = 	snop  }
0x5: {  	_ = 	snop  }
0x6: {  	_ = 	snop  }
0x7: {  	_ = 	snop  }
__scs_overlays_trampoline_lowered:
0x8: {  	[smem:$0x3FAA] =	sst s0  }
0x9: {  	[smem:$0x3FAB] =	sst s1  }
0xa: {  	[smem:$0x3FAC] =	sst s2  }
0xb: {  	[smem:$0x3FAD] =	sst s3  }
0xc: {  	[smem:$0x3FAE] =	sst s4  }
0xd: {  	[smem:$0x3FAF] =	sst s5  }
0xe: {  	[smem:$0x3FB0] =	sst s6  }
0xf: {  	[smem:$0x3FB1] =	sst s7  }
0x10: {  	[smem:$0x3FB2] =	sst s8  }
0x11: {  	[smem:$0x3FB3] =	sst s9;
	s0 =	simm.s32 @!p0 $0x0  }
0x12: {  	s1 =	sld [smem:$0x3F99];
	s0 =	simm.s32 @p0 $0x1  }
0x13: {  	[smem:$0x3FB4] =	sst s0;
	s0 =	simm.s32 @!p1 $0x0  }
0x14: {  	s2 =	sld [smem:$0x3F98];
	s0 =	simm.s32 @p1 $0x1  }
0x15: {  	[smem:$0x3FB5] =	sst s0;
	s0 =	simm.s32 @!p2 $0x0  }
0x16: {  	s3 =	sld [smem:$0x3FDB];
	s0 =	simm.s32 @p2 $0x1  }
0x17: {  	s4 =	simm.s32 $0x1BF5;
	[smem:$0x3FB7] =	sst s0  }
0x18: {  	s0 =	sld [smem:$0x3F9A];
	_ =	swait.ge [sflag:s4], $0x0  }
0x19: {  	s7 =	sld [smem:$0x3F9B]  }
0x1a: {  	s8 =	sadd.s32 $0xFFFFE003, lr  }
0x1b: {  	s9 =	sadd.s32 $0xFFFFFEF7, lr;
	s5 =	simm.s32 $0xFFFFFFFF;
	p2 =	slt.u32 s8, $0xFFFFF086  }
0x1c: {  	p1 =	slt.u32 s9, $0xF7A;
	s5 =	simm.s32 @!p2 $0x0  }
0x1d: {  	s5 =	simm.s32 @p1 $0x1;
	p0 =	seq.s32 s7, s2  }
0x1e: {  	s7 =	smul.u32 @!p0 $0xF7A, s2;
	p2 =	seq.s32 @!p0 s5, $0x0  }
0x1f: {  	s9 =	smul.u32 $0xF7A, s1;
	s8 =	simm.s32 @!p0 $0x1BF5;
	p2 =	por !p2, p0  }
0x20: {  	[sflag:s8] =	ssyncset.s32 @!p0 $0xFFFFF086;
	s6 =	sadd.s32 @!p0 s3, s7;
	s7 =	simm.s32 @!p0 $0x108  }
0x21: {  	s3 =	sadd.s32 s3, s9;
	s6 =	sadd.s32 @!p0 $0x88, s6;
	s7 =	simm.s32 @p2 $0x1082  }
0x22: {  	[simem:s7], [sflag:s8] =	dma.local @!p0 [hbm:s6], $0xF7A  }
0x23: {  	s9 =	sor.u32 $0xD0000000, s2;
	s6 =	simm.s32 $0x108;
	_ =	swait.ge @!p0 [sflag:s8], $0x0  }
0x24: {  	s3 =	sadd.s32 $0x88, s3;
	s6 =	simm.s32 @!p1 $0x1082;
	[sflag:s4] =	ssyncset.s32 $0xFFFFF086  }
0x25: {  	[simem:s6], [sflag:s4] =	dma.local [hbm:s3], $0xF7A  }
0x26: {  	[smem:$0x3F9B] =	sst s1;
	(tag) =	ssettag s2;
	_ =	strace s9  }
0x27: {  	s1 =	sld [smem:$0x3FAB]  }
0x28: {  	s2 =	sld [smem:$0x3FAC]  }
0x29: {  	s4 =	sld [smem:$0x3FAE]  }
0x2a: {  	p0 =	seq.s32 s5, $0x0;
	s5 =	sld [smem:$0x3FAF]  }
0x2b: {  	s6 =	sld [smem:$0x3FB0]  }
0x2c: {  	s7 =	sld [smem:$0x3FB1]  }
0x2d: {  	s3 =	simm.s32 $0x108;
	s8 =	sld [smem:$0x3FB2]  }
0x2e: {  	s3 =	simm.s32 @!p0 $0x1082;
	s9 =	sld [smem:$0x3FB3]  }
0x2f: {  	lr =	sadd.s32 s0, s3;
	s0 =	sld [smem:$0x3FAA]  }
0x30: {  	s3 =	sld [smem:$0x3FAD]  }
0x31: {  	[smem:$0x3FB6] =	sst s10  }
0x32: {  	s10 =	sld [smem:$0x3FB4];
	_ =	sdelay $0x3  }
0x33: {  	p0 =	seq.s32 s10, $0x1;
	s10 =	sld [smem:$0x3FB6];
	_ =	sdelay $0x3  }
0x34: {  	[smem:$0x3FB6] =	sst s10  }
0x35: {  	s10 =	sld [smem:$0x3FB5];
	_ =	sdelay $0x3  }
0x36: {  	p1 =	seq.s32 s10, $0x1;
	s10 =	sld [smem:$0x3FB6];
	_ =	sdelay $0x3  }
0x37: {  	[smem:$0x3FB6] =	sst s10  }
0x38: {  	s10 =	sld [smem:$0x3FB7]  }
0x39: {  	_ = 	snop;
	(pc) =	sbr.ind lr, $3  }
0x3a: {  	_ = 	snop  }
0x3b: {  	_ = 	snop  }
0x3c: {  	p2 =	seq.s32 s10, $0x1;
	s10 =	sld [smem:$0x3FB6]  }
0x3d: {  	_ =	shalt  }
0x3e: {  	_ =	shalt  }
0x3f: {  	_ =	shalt  }
0x40: {  	_ =	shalt  }
0x41: {  	_ =	shalt  }
0x42: {  	_ =	shalt  }
0x43: {  	_ =	shalt  }
0x44: {  	_ =	shalt  }
0x45: {  	_ =	shalt  }
0x46: {  	_ =	shalt  }
0x47: {  	_ =	shalt  }
0x48: {  	_ =	shalt  }
0x49: {  	_ =	shalt  }
0x4a: {  	_ =	shalt  }
0x4b: {  	_ =	shalt  }
0x4c: {  	_ =	shalt  }
0x4d: {  	_ =	shalt  }
0x4e: {  	_ =	shalt  }
0x4f: {  	_ =	shalt  }
0x50: {  	_ =	shalt  }
0x51: {  	_ =	shalt  }
0x52: {  	_ =	shalt  }
0x53: {  	_ =	shalt  }
0x54: {  	_ =	shalt  }
0x55: {  	_ =	shalt  }
0x56: {  	_ =	shalt  }
0x57: {  	_ =	shalt  }
0x58: {  	_ =	shalt  }
0x59: {  	_ =	shalt  }
0x5a: {  	_ =	shalt  }
0x5b: {  	_ =	shalt  }
0x5c: {  	_ =	shalt  }
0x5d: {  	_ =	shalt  }
0x5e: {  	_ =	shalt  }
0x5f: {  	_ =	shalt  }
0x60: {  	_ =	shalt  }
0x61: {  	_ =	shalt  }
0x62: {  	_ =	shalt  }
0x63: {  	_ =	shalt  }
0x64: {  	_ =	shalt  }
0x65: {  	_ =	shalt  }
0x66: {  	_ =	shalt  }
0x67: {  	_ =	shalt  }
0x68: {  	_ =	shalt  }
0x69: {  	_ =	shalt  }
0x6a: {  	_ =	shalt  }
0x6b: {  	_ =	shalt  }
0x6c: {  	_ =	shalt  }
0x6d: {  	_ =	shalt  }
0x6e: {  	_ =	shalt  }
0x6f: {  	_ =	shalt  }
0x70: {  	_ =	shalt  }
0x71: {  	_ =	shalt  }
0x72: {  	_ =	shalt  }
0x73: {  	_ =	shalt  }
0x74: {  	_ =	shalt  }
0x75: {  	_ =	shalt  }
0x76: {  	_ =	shalt  }
0x77: {  	_ =	shalt  }
0x78: {  	_ =	shalt  }
0x79: {  	_ =	shalt  }
0x7a: {  	_ =	shalt  }
0x7b: {  	_ =	shalt  }
0x7c: {  	_ =	shalt  }
0x7d: {  	_ =	shalt  }
0x7e: {  	_ =	shalt  }
0x7f: {  	_ =	shalt  }
0x80: {  	_ =	shalt  }
0x81: {  	_ =	shalt  }
0x82: {  	_ =	shalt  }
0x83: {  	_ =	shalt  }
0x84: {  	_ =	shalt  }
0x85: {  	_ =	shalt  }
0x86: {  	_ =	shalt  }
0x87: {  	_ =	shalt  }
.Lfunc_end0:
.L_simem_size_0:
called_computation.1_lowered:
.L_overlay_start_0:
0x88: {  	s2 =	sld [smem:$0x3FD9]  }
0x89: {  	s3 =	sld [smem:$0x3FFE];
	_ =	sdelay $0x1  }
0x8a: {  	s1 =	srdreg.scid  }
0x8b: {  	s0 =	sand.u32 $0x1, s1  }
0x8c: {  	s14 =	sshll.u32 s0, $0xA;
	s2 =	sadd.s32 s3, s2  }
0x8d: {  	s2 =	sadd.s32 s2, s14  }
0x8e: {  	[smem:$0x3FC2] =	sst s2  }
0x8f: {  	_ = 	snop  }
0x90: {  	s2 =	sld [smem:$0x3FD0];
	_ =	sdelay $0x2  }
0x91: {  	s15 =	simm.s32 $0xA;
	s4 =	simm.s32 $0x10  }
0x92: {  	[smem:s4], [sflag:s15] =	dma.local [hbm:s2], $0x1  }
0x93: {  	_ =	swait.eq [sflag:s15], $0x1  }
0x94: {  	[sflag:s15] =	ssyncset.done $0x0  }
0x95: {  	[sflag:s15] =	ssyncadd.s32 $0xFFFFFFFF  }
0x96: {  	s16 =	sld [smem:$0x10];
	(tm) =	ssettm $0x1  }
0x97: {  	s17 =	sld [smem:$0x3FFB];
	_ =	sdelay $0x3  }
0x98: {  	_ =	strace s17  }
0x99: {  	s3 =	sld [smem:$0x3FFC];
	_ =	sdelay $0x3  }
0x9a: {  	_ =	strace s3  }
0x9b: {  	s3 =	sld [smem:$0x3FFD];
	_ =	sdelay $0x3  }
0x9c: {  	_ =	strace s3  }
0x9d: {  	_ =	strace $0x8FFFFFFF  }
0x9e: {  	s18 =	sld [smem:$0x3FDB];
	_ =	sdelay $0x1  }
0x9f: {  	s19 =	simm.s32 $_scs_section_size  }
0xa0: {  	s5 =	simm.s32 $_size__tile_overlayer_lowered;
	s6 =	simm.s32 $_tile_overlayer_lowered  }
0xa1: {  	s22 =	simm.s32 $0x1BFF;
	s21 =	sshll.u32 s6, $0x1;
	s3 =	sadd.s32 s19, s18  }
0xa2: {  	s7 =	simm.s32 $0x0;
	s20 =	sshll.u32 s5, $0x1;
	s5 =	sadd.s32 s21, s3  }
0xa3: {  	[timem:s7], [sflag:s22] =	dma.local [hbm:s5], s20  }
0xa4: {  	_ =	swait.ge [sflag:s22], s20  }
0xa5: {  	s4 =	ssub.s32 $0x0, s20;
	[sflag:s22] =	ssyncset.done $0x0  }
0xa6: {  	[sflag:s22] =	ssyncadd.s32 s4;
	_ =	sdelay $0x1  }
0xa7: {  	s23 =	simm.s32 $0x1B8B  }
0xa8: {  	_ =	swait.ge [sflag:s23], $0x1  }
0xa9: {  	[sflag:s23] =	ssyncset.done $0x0  }
0xaa: {  	s25 =	simm.s32 $0x1B8E;
	s24 =	sld [smem:$0x3FFE];
	[sflag:s23] =	ssyncadd.s32 $0xFFFFFFFF  }
0xab: {  	s26 =	simm.s32 $execute0_lowered;
	[smem:$0x3FD2] =	sst s25  }
0xac: {  	s5 =	sshll.u32 s26, $0x1;
	_ =	strace $0x80000049;
	[dreg:$0x1] =	wrdreg $0xFFFFFFFF  }
0xad: {  	s28 =	simm.s32 $_size_execute0_lowered;
	s3 =	sadd.s32 s3, s5;
	[dreg:$0x0] =	wrdreg $0x0  }
0xae: {  	s5 =	sshll.u32 s28, $0x1;
	[dreg:$0x2] =	wrdreg s3  }
0xaf: {  	[dreg:$0x3] =	wrdreg s5  }
0xb0: {  	[dreg:$0x4] =	wrdreg $0xC0  }
0xb1: {  	_ =	task [dreg:s7], $0x5FFFF  }
0xb2: {  	[dreg:$0x1] =	wrdreg $0xFFFFFFFF  }
0xb3: {  	[dreg:$0x0] =	wrdreg $0x60  }
0xb4: {  	[dreg:$0x2] =	wrdreg s16  }
0xb5: {  	[dreg:$0x3] =	wrdreg s24  }
0xb6: {  	[dreg:$0x4] =	wrdreg $0x58000  }
0xb7: {  	[dreg:$0x5] =	wrdreg $0x9  }
0xb8: {  	_ =	task.clear_ibuf [dreg:s7], $0x6FFFF;
	_ =	strace $0x90000049  }
0xb9: {  	s29 =	simm.s32 $0x9;
	_ =	strace $0x8000004B  }
0xba: {  	_ =	swait.ge [sflag:s29], $0x1  }
0xbb: {  	[sflag:s29] =	ssyncadd.s32 $0xFFFFFFFF  }
0xbc: {  	_ =	strace $0x9000004B  }
0xbd: {  	_ =	sfence  }
0xbe: {  	s30 =	sld [smem:$0x0];
	_ =	sdelay $0x2  }
0xbf: {  	s31 =	sshll.u32 s1, $0xD;
	s1 =	sshrl.u32 s1, $0x2  }
0xc0: {  	s3 =	sand.u32 $0x4000, s31;
	s1 =	sadd.s32 s1, s30  }
0xc1: {  	s0 =	sor.u32 s3, s0;
	s1 =	sshll.u32 s1, $0x11  }
0xc2: {  	s0 =	sor.u32 s1, s0  }
0xc3: {  	s0 =	sadd.s32 $0x8F2B, s0  }
0xc4: {  	[sflag:s0] =	ssyncadd.remote.s32 $0x1  }
0xc5: {  	_ =	sfence.sel $0xFFFF  }
0xc6: {  	[dreg:$0x0] =	wrdreg $0xFFFFFFFF;
	(pc) =	sbr.abs _section_cstart, $3  }
0xc7: {  	[dreg:$0x1] =	wrdreg $0xFFFFFFFF  }
0xc8: {  	_ =	task.clear_ibuf [dreg:s7], $0x2FFFF;
	_ =	strace $0x9FFFFFFF  }
0xc9: {  	(tm) =	ssettm $0x7FFFFFFF  }
tec
execute0_lowered:
.L_overlay_start_1:
0x0: {  	(tag) =	ssettag $0x1  }
0x1: {  	s1 =	rddreg [dreg:$0x0]  }
0x2: {  	s2 =	rddreg [dreg:$0x1]  }
0x3: {  	s3 =	rddreg [dreg:$0x2];
	s4 =	simm.s32 $0x0;
	s0 =	srdreg.scid  }
0x4: {  	s26 =	stileid.u32;
	s28 =	simm.s32 $0x2;
	s29 =	simm.s32 $0x1000  }
0x5: {  	s30 =	simm.s32 $0x2000;
	s0 =	sand.u32 $0x1, s0;
	s8 =	smul.u32 $0x2800, s26  }
0x6: {  	s31 =	simm.s32 $0x50;
	s7 =	sor.u32 $0x10, s26;
	s5 =	smul.u32 $0x138800, s0  }
0x7: {  	[smem:$0x7FF] =	sst s4;
	s10 =	sor.u32 $0x20, s26;
	s11 =	smul.u32 $0x2800, s7  }
0x8: {  	s6 =	sadd.s32 $0x30600, s2;
	s16 =	sor.u32 $0x30, s26;
	s13 =	smul.u32 $0x2800, s10  }
0x9: {  	s9 =	sadd.s32 $0x58600, s2;
	s17 =	sor.u32 $0x40, s26;
	s15 =	smul.u32 $0x2800, s16  }
0xa: {  	s18 =	sor.u32 $0x50, s26;
	s19 =	sor.u32 $0x60, s26;
	s25 =	smul.u32 $0x2800, s17  }
0xb: {  	s20 =	sor.u32 $0x70, s26;
	p0 =	sgt.u32 s26, $0xC;
	s21 =	smul.u32 $0x2800, s18  }
0xc: {  	_ =	strace $0x8000004A;
	s12 =	ssub.s32 $0x2, s0;
	s22 =	smul.u32 $0x2800, s19  }
0xd: {  	s23 =	smul.u32 $0x2800, s20;
	s0 =	sshll.u32 s0, $0x4;
	s14 =	sshrl.u32 s12, $0x1  }
0xe: {  	s7 =	smul.u32 $0xA000, s7;
	s0 =	sor.u32 s26, s0;
	s12 =	ssub.s32 s12, s14  }
0xf: {  	s8 =	sadd.s32 s8, s5;
	s11 =	sadd.s32 s5, s11;
	s13 =	sadd.s32 s5, s13  }
0x10: {  	s15 =	sadd.s32 s5, s15;
	s14 =	sadd.s32 s5, s25;
	s21 =	sadd.s32 s5, s21  }
0x11: {  	s22 =	sadd.s32 s5, s22;
	s5 =	sadd.s32 s5, s23;
	s23 =	smul.u32 $0xA000, s26  }
0x12: {  	s7 =	sshrl.u32 s7, $0x2;
	s26 =	simm.s32 $0x3000;
	s8 =	sshrl.u32 s8, $0x3  }
0x13: {  	s11 =	sshrl.u32 s11, $0x3;
	s24 =	sshrl.u32 s13, $0x3;
	s25 =	sshrl.u32 s15, $0x3  }
0x14: {  	s13 =	sshrl.u32 s14, $0x3;
	s14 =	sshrl.u32 s21, $0x3;
	s15 =	sshrl.u32 s22, $0x3  }
0x15: {  	s5 =	sshrl.u32 s5, $0x3;
	s22 =	smul.u32 $0xA000, s10;
	s8 =	sadd.s32 s9, s8  }
0x16: {  	s10 =	smul.u32 $0xA000, s17;
	s21 =	sadd.s32 s9, s15;
	[dreg:$0x4] =	wrdreg s8  }
0x17: {  	s17 =	sadd.s32 s7, s3;
	s8 =	sadd.s32 s9, s11;
	[dreg:$0xa] =	wrdreg s21  }
0x18: {  	s11 =	sadd.s32 s9, s25;
	s25 =	smul.u32 $0xA000, s16;
	[dreg:$0x5] =	wrdreg s8  }
0x19: {  	s15 =	sadd.s32 $0x44600, s2;
	[dreg:$0x7] =	wrdreg s11;
	s11 =	smul.u32 $0xA000, s18  }
0x1a: {  	s8 =	sadd.s32 s9, s24;
	s24 =	sshrl.u32 s23, $0x2;
	s23 =	smul.u32 $0xA000, s20  }
0x1b: {  	[dreg:$0x6] =	wrdreg s8;
	s8 =	sadd.s32 s9, s13;
	s16 =	sadd.s32 s24, s3  }
0x1c: {  	s13 =	smul.u32 $0xA000, s19;
	[dreg:$0x8] =	wrdreg s8;
	s8 =	sadd.s32 s9, s14  }
0x1d: {  	s14 =	sadd.s32 s9, s5;
	s5 =	sshrl.u32 s22, $0x2;
	s22 =	sshrl.u32 s25, $0x2  }
0x1e: {  	s24 =	sshrl.u32 s11, $0x2;
	s25 =	sshrl.u32 s23, $0x2;
	[dreg:$0x9] =	wrdreg s8  }
0x1f: {  	s18 =	sadd.s32 s5, s3;
	s8 =	sshrl.u32 s10, $0x2;
	s19 =	sadd.s32 s22, s3  }
0x20: {  	s21 =	sadd.s32 s24, s3;
	s5 =	sshrl.u32 s13, $0x2;
	s23 =	sadd.s32 s25, s3  }
0x21: {  	s24 =	smul.u32 $0x5000, s0;
	s25 =	smax.u32 s12, $0x1;
	s0 =	simm.s32 $0x1  }
0x22: {  	v0 =	vimm.f32 $0.0e+00;
	s20 =	sadd.s32 s8, s3;
	s22 =	sadd.s32 s5, s3;
	s5 =	simm.s32 $0x0  }
.LBB2_1:
0x23: {  	s7 =	simm.s32 $0x0;
	s8 =	simm.s32 $0x200  }
.LBB2_2:
0x24: {  	p1 =	sne.s32 s8, $0x9E00;
	[tilespmem:s7+$0x3070] =	vst v0  }
0x25: {  	[tilespmem:s7+$0x3000] =	vst v0  }
0x26: {  	[tilespmem:s7+$0x3010] =	vst v0  }
.Ltmp0:
0x27: {  	[tilespmem:s7+$0x3020] =	vst v0;
	(pc) =	sbr.rel @p1 .LBB2_2-.Ltmp0, $4  }
0x28: {  	[tilespmem:s7+$0x3030] =	vst v0  }
0x29: {  	[tilespmem:s7+$0x3040] =	vst v0  }
0x2a: {  	[tilespmem:s7+$0x3050] =	vst v0  }
0x2b: {  	[tilespmem:s7+$0x3060] =	vst v0;
	s7 =	sshra.s32 s8, $0x2;
	s8 =	sadd.s32 $0x200, s8  }
0x2c: {  	[tilespmem:s7+$0x3070] =	vst v0  }
0x2d: {  	[tilespmem:s7+$0x3000] =	vst v0  }
0x2e: {  	[tilespmem:s7+$0x3010] =	vst v0  }
0x2f: {  	[tilespmem:s7+$0x3020] =	vst v0  }
0x30: {  	[tilespmem:s7+$0x3030] =	vst v0  }
0x31: {  	[tilespmem:s7+$0x3040] =	vst v0  }
0x32: {  	[tilespmem:s7+$0x3050] =	vst v0  }
0x33: {  	[tilespmem:s7+$0x3060] =	vst v0  }
0x34: {  	[spmem:s16] =	stream.linear.scatter [tilespmem:s26], [sflag:$0x2], $0x2800, $0x38;
	[tilespmem:$0x19080] =	vst v63  }
0x35: {  	_ =	swait.ge [sflag:s28], $0x2800  }
0x36: {  	[sflag:s28] =	ssyncset.done $0x0  }
0x37: {  	[sflag:s28] =	ssyncadd.s32 $0xFFFFD800  }
0x38: {  	[spmem:s17] =	stream.linear.scatter [tilespmem:s26], [sflag:$0x2], $0x2800, $0x38;
	[tilespmem:$0x19080] =	vst v63  }
0x39: {  	_ =	swait.ge [sflag:s28], $0x2800  }
0x3a: {  	[sflag:s28] =	ssyncset.done $0x0  }
0x3b: {  	[sflag:s28] =	ssyncadd.s32 $0xFFFFD800  }
0x3c: {  	[spmem:s18] =	stream.linear.scatter [tilespmem:s26], [sflag:$0x2], $0x2800, $0x38;
	[tilespmem:$0x19080] =	vst v63  }
0x3d: {  	_ =	swait.ge [sflag:s28], $0x2800  }
0x3e: {  	[sflag:s28] =	ssyncset.done $0x0  }
0x3f: {  	[sflag:s28] =	ssyncadd.s32 $0xFFFFD800  }
0x40: {  	[spmem:s19] =	stream.linear.scatter [tilespmem:s26], [sflag:$0x2], $0x2800, $0x38;
	[tilespmem:$0x19080] =	vst v63  }
0x41: {  	_ =	swait.ge [sflag:s28], $0x2800  }
0x42: {  	[sflag:s28] =	ssyncset.done $0x0  }
0x43: {  	[sflag:s28] =	ssyncadd.s32 $0xFFFFD800  }
0x44: {  	[spmem:s20] =	stream.linear.scatter [tilespmem:s26], [sflag:$0x2], $0x2800, $0x38;
	[tilespmem:$0x19080] =	vst v63  }
0x45: {  	_ =	swait.ge [sflag:s28], $0x2800  }
0x46: {  	[sflag:s28] =	ssyncset.done $0x0  }
0x47: {  	[sflag:s28] =	ssyncadd.s32 $0xFFFFD800  }
0x48: {  	[spmem:s21] =	stream.linear.scatter [tilespmem:s26], [sflag:$0x2], $0x2800, $0x38;
	[tilespmem:$0x19080] =	vst v63  }
0x49: {  	_ =	swait.ge [sflag:s28], $0x2800  }
0x4a: {  	[sflag:s28] =	ssyncset.done $0x0  }
0x4b: {  	[sflag:s28] =	ssyncadd.s32 $0xFFFFD800  }
0x4c: {  	[spmem:s22] =	stream.linear.scatter [tilespmem:s26], [sflag:$0x2], $0x2800, $0x38;
	[tilespmem:$0x19080] =	vst v63  }
0x4d: {  	_ =	swait.ge [sflag:s28], $0x2800  }
0x4e: {  	[sflag:s28] =	ssyncset.done $0x0  }
0x4f: {  	s7 =	simm.s32 @!p0 $0x3000;
	[sflag:s28] =	ssyncadd.s32 $0xFFFFD800  }
0x50: {  	[spmem:s23] =	stream.linear.scatter @!p0 [tilespmem:s7], [sflag:$0x2], $0x2800, $0x38;
	[tilespmem:$0x19080] =	vst v63  }
0x51: {  	s7 =	simm.s32 @!p0 $0x2  }
0x52: {  	_ =	swait.ge @!p0 [sflag:s7], $0x2800  }
0x53: {  	[sflag:s7] =	ssyncset.done @!p0 $0x0  }
0x54: {  	[sflag:s7] =	ssyncadd.s32 @!p0 $0xFFFFD800  }
0x55: {  	s8 =	simm.s32 $0x0;
	s7 =	simm.s32 $0x0;
	[bflag:$0x0] =	sbarrier.arrive $0xFFFF  }
.LBB2_4:
0x56: {  	s9 =	sshll.u32 s8, $0xC  }
0x57: {  	s9 =	sadd.s32 s24, s9  }
0x58: {  	s9 =	sshrl.u32 s9, $0x3  }
0x59: {  	s10 =	sadd.s32 s6, s9  }
0x5a: {  	[tilespmem:s7], [sflag:$0x2] =	stream.linear.gather [hbm4b:s10+s7], $0xC80, $0x38;
	[tilespmem:$0x19080] =	vst v63  }
0x5b: {  	_ =	swait.ge [sflag:s28], $0xC80  }
0x5c: {  	[sflag:s28] =	ssyncset.done $0x0  }
0x5d: {  	s13 =	sadd.s32 s15, s9;
	[sflag:s28] =	ssyncadd.s32 $0xFFFFF380  }
0x5e: {  	[tilespmem:s29], [sflag:$0x2] =	stream.linear.gather [hbm4b:s13+s7], $0xC80, $0x38;
	[tilespmem:$0x19080] =	vst v63  }
0x5f: {  	_ =	swait.ge [sflag:s28], $0xC80  }
0x60: {  	[sflag:s28] =	ssyncset.done $0x0  }
0x61: {  	s9 =	sadd.s32 s2, s9;
	[sflag:s28] =	ssyncadd.s32 $0xFFFFF380  }
0x62: {  	[tilespmem:s30], [sflag:$0x2] =	stream.linear.gather [hbm4b:s9+s7], $0xC80, $0x38;
	[tilespmem:$0x19080] =	vst v63  }
0x63: {  	_ =	swait.ge [sflag:s28], $0xC80  }
0x64: {  	[sflag:s28] =	ssyncset.done $0x0  }
0x65: {  	s9 =	simm.s32 $0x0;
	[sflag:s28] =	ssyncadd.s32 $0xFFFFF380  }
.LBB2_5:
0x66: {  	s10 =	sshll.u32 s9, $0x7  }
0x67: {  	s11 =	sadd.s32 $0x2000, s10  }
0x68: {  	v1 =	vmov s11  }
0x69: {  	[tilespmem:s26], [sflag:$0x1] =	stream.indirect.gather [hbm4b:s1+s31], $0x80, s10, s31, $0xb8;
	[tilespmem:$0x19080] =	vst v63  }
0x6a: {  	_ =	swait.ge [sflag:s0], $0x2800  }
0x6b: {  	s13 =	simm.s32 $0x0;
	[sflag:s0] =	ssyncset.done $0x0  }
0x6c: {  	s12 =	simm.s32 $0x0;
	s11 =	sand.u32 $0x3FFFFFF0, s13;
	[sflag:s0] =	ssyncadd.s32 $0xFFFFD800  }
0x6d: {  	v2 =	vld.idx.msk [tilespmem:v1+s11+$0x0 ss:$0x1], $0xffff;
	s11 =	sand.u32 $0x3FFFF800, s12  }
0x6e: {  	v8 =	vld [tilespmem:s11+$0x30C0]  }
0x6f: {  	v4 =	vld [tilespmem:s11+$0x3020]  }
0x70: {  	v5 =	vld [tilespmem:s11+$0x3030]  }
0x71: {  	v11 =	vld [tilespmem:s11+$0x3060]  }
0x72: {  	v12 =	vld [tilespmem:s11+$0x3070];
	v3 =	vbroadcast v2, $0x0  }
0x73: {  	v13 =	vld [tilespmem:s11+$0x3080]  }
0x74: {  	v14 =	vld [tilespmem:s11+$0x3090];
	v4 =	vmul.f32 v4, v3  }
0x75: {  	v15 =	vld [tilespmem:s11+$0x30A0];
	v5 =	vmul.f32 v5, v3  }
0x76: {  	v10 =	vld [tilespmem:s11+$0x30B0];
	v21 =	vbroadcast v2, $0x1;
	v20 =	vmul.f32 v11, v3;
	[tilespmem:s11+$0x3020] =	vst v4  }
0x77: {  	v9 =	vld [tilespmem:s11+$0x30D0];
	v12 =	vmul.f32 v12, v3;
	[tilespmem:s11+$0x3030] =	vst v5  }
0x78: {  	v7 =	vld [tilespmem:s11+$0x3570];
	v13 =	vmul.f32 v13, v21;
	[tilespmem:s11+$0x3060] =	vst v20  }
0x79: {  	v23 =	vld [tilespmem:s11+$0x30F0];
	v14 =	vmul.f32 v14, v21;
	[tilespmem:s11+$0x3070] =	vst v12  }
0x7a: {  	v24 =	vld [tilespmem:s11+$0x3100];
	v15 =	vmul.f32 v15, v21;
	[tilespmem:s11+$0x3080] =	vst v13  }
0x7b: {  	v25 =	vld [tilespmem:s11+$0x3110];
	v10 =	vmul.f32 v10, v21;
	[tilespmem:s11+$0x3090] =	vst v14  }
0x7c: {  	v22 =	vld [tilespmem:s11+$0x30E0];
	v8 =	vmul.f32 v8, v21;
	[tilespmem:s11+$0x30A0] =	vst v15  }
0x7d: {  	v26 =	vld [tilespmem:s11+$0x3120];
	v16 =	vbroadcast v2, $0x2;
	v9 =	vmul.f32 v9, v21;
	[tilespmem:s11+$0x30B0] =	vst v10  }
0x7e: {  	v27 =	vld [tilespmem:s11+$0x3130];
	v11 =	vmul.f32 v23, v21;
	[tilespmem:s11+$0x30C0] =	vst v8  }
0x7f: {  	v28 =	vld [tilespmem:s11+$0x3140];
	v6 =	vbroadcast v2, $0xA;
	v30 =	vmul.f32 v24, v16;
	[tilespmem:s11+$0x30D0] =	vst v9  }
0x80: {  	v29 =	vld [tilespmem:s11+$0x3150];
	v32 =	vmul.f32 v25, v16;
	[tilespmem:s11+$0x30F0] =	vst v11  }
0x81: {  	v31 =	vld [tilespmem:s11+$0x3160];
	v4 =	vmul.f32 v7, v6;
	[tilespmem:s11+$0x3100] =	vst v30  }
0x82: {  	v33 =	vld [tilespmem:s11+$0x3170];
	v12 =	vmul.f32 v22, v21;
	[tilespmem:s11+$0x3110] =	vst v32  }
0x83: {  	v34 =	vld [tilespmem:s11+$0x3180];
	v10 =	vmul.f32 v26, v16;
	[tilespmem:s11+$0x3570] =	vst v4  }
0x84: {  	v35 =	vld [tilespmem:s11+$0x3190];
	v8 =	vmul.f32 v27, v16;
	[tilespmem:s11+$0x30E0] =	vst v12  }
0x85: {  	v36 =	vld [tilespmem:s11+$0x31A0];
	v9 =	vmul.f32 v28, v16;
	[tilespmem:s11+$0x3120] =	vst v10  }
0x86: {  	v37 =	vld [tilespmem:s11+$0x31B0];
	v39 =	vbroadcast v2, $0x3;
	v11 =	vmul.f32 v31, v16;
	[tilespmem:s11+$0x3130] =	vst v8  }
0x87: {  	v38 =	vld [tilespmem:s11+$0x31C0];
	v13 =	vmul.f32 v33, v16;
	[tilespmem:s11+$0x3140] =	vst v9  }
0x88: {  	v40 =	vld [tilespmem:s11+$0x31D0];
	v14 =	vmul.f32 v34, v39;
	[tilespmem:s11+$0x3160] =	vst v11  }
0x89: {  	v41 =	vld [tilespmem:s11+$0x31E0];
	v12 =	vmul.f32 v29, v16;
	[tilespmem:s11+$0x3170] =	vst v13  }
0x8a: {  	v42 =	vld [tilespmem:s11+$0x31F0];
	v10 =	vmul.f32 v35, v39;
	[tilespmem:s11+$0x3180] =	vst v14  }
0x8b: {  	v43 =	vld [tilespmem:s11+$0x3200];
	v8 =	vmul.f32 v36, v39;
	[tilespmem:s11+$0x3150] =	vst v12  }
0x8c: {  	v44 =	vld [tilespmem:s11+$0x3210];
	v9 =	vmul.f32 v37, v39;
	[tilespmem:s11+$0x3190] =	vst v10  }
0x8d: {  	v45 =	vld [tilespmem:s11+$0x3220];
	v11 =	vmul.f32 v40, v39;
	[tilespmem:s11+$0x31A0] =	vst v8  }
0x8e: {  	v46 =	vld [tilespmem:s11+$0x3230];
	v13 =	vmul.f32 v41, v39;
	[tilespmem:s11+$0x31B0] =	vst v9  }
0x8f: {  	v47 =	vld [tilespmem:s11+$0x3240];
	v48 =	vbroadcast v2, $0x4;
	v14 =	vmul.f32 v42, v39;
	[tilespmem:s11+$0x31D0] =	vst v11  }
0x90: {  	v49 =	vld [tilespmem:s11+$0x3250];
	v12 =	vmul.f32 v38, v39;
	[tilespmem:s11+$0x31E0] =	vst v13  }
0x91: {  	v50 =	vld [tilespmem:s11+$0x3260];
	v10 =	vmul.f32 v43, v48;
	[tilespmem:s11+$0x31F0] =	vst v14  }
0x92: {  	v51 =	vld [tilespmem:s11+$0x3270];
	v8 =	vmul.f32 v44, v48;
	[tilespmem:s11+$0x31C0] =	vst v12  }
0x93: {  	v52 =	vld [tilespmem:s11+$0x3280];
	v9 =	vmul.f32 v45, v48;
	[tilespmem:s11+$0x3200] =	vst v10  }
0x94: {  	v53 =	vld [tilespmem:s11+$0x3290];
	v11 =	vmul.f32 v47, v48;
	[tilespmem:s11+$0x3210] =	vst v8  }
0x95: {  	v54 =	vld [tilespmem:s11+$0x32A0];
	v13 =	vmul.f32 v49, v48;
	[tilespmem:s11+$0x3220] =	vst v9  }
0x96: {  	v55 =	vld [tilespmem:s11+$0x32B0];
	v14 =	vmul.f32 v50, v48;
	[tilespmem:s11+$0x3240] =	vst v11  }
0x97: {  	v56 =	vld [tilespmem:s11+$0x32C0];
	v57 =	vbroadcast v2, $0x5;
	v12 =	vmul.f32 v46, v48;
	[tilespmem:s11+$0x3250] =	vst v13  }
0x98: {  	v58 =	vld [tilespmem:s11+$0x32D0];
	v10 =	vmul.f32 v51, v48;
	[tilespmem:s11+$0x3260] =	vst v14  }
0x99: {  	v59 =	vld [tilespmem:s11+$0x32E0];
	v8 =	vmul.f32 v52, v57;
	[tilespmem:s11+$0x3230] =	vst v12  }
0x9a: {  	v60 =	vld [tilespmem:s11+$0x32F0];
	v9 =	vmul.f32 v53, v57;
	[tilespmem:s11+$0x3270] =	vst v10  }
0x9b: {  	v61 =	vld [tilespmem:s11+$0x3300];
	v11 =	vmul.f32 v55, v57;
	[tilespmem:s11+$0x3280] =	vst v8  }
0x9c: {  	v62 =	vld [tilespmem:s11+$0x3310];
	v13 =	vmul.f32 v56, v57;
	[tilespmem:s11+$0x3290] =	vst v9  }
0x9d: {  	v63 =	vld [tilespmem:s11+$0x3320];
	v14 =	vmul.f32 v58, v57;
	[tilespmem:s11+$0x32B0] =	vst v11  }
0x9e: {  	v20 =	vld [tilespmem:s11+$0x3330];
	v12 =	vmul.f32 v54, v57;
	[tilespmem:s11+$0x32C0] =	vst v13  }
0x9f: {  	v21 =	vld [tilespmem:s11+$0x3340];
	v22 =	vbroadcast v2, $0x6;
	v10 =	vmul.f32 v59, v57;
	[tilespmem:s11+$0x32D0] =	vst v14  }
0xa0: {  	v23 =	vld [tilespmem:s11+$0x3350];
	v8 =	vmul.f32 v60, v57;
	[tilespmem:s11+$0x32A0] =	vst v12  }
0xa1: {  	v24 =	vld [tilespmem:s11+$0x3360];
	v9 =	vmul.f32 v61, v22;
	[tilespmem:s11+$0x32E0] =	vst v10  }
0xa2: {  	v25 =	vld [tilespmem:s11+$0x3370];
	v11 =	vmul.f32 v63, v22;
	[tilespmem:s11+$0x32F0] =	vst v8  }
0xa3: {  	v5 =	vld [tilespmem:s11+$0x3580];
	v13 =	vmul.f32 v20, v22;
	[tilespmem:s11+$0x3300] =	vst v9  }
0xa4: {  	v27 =	vld [tilespmem:s11+$0x3390];
	v14 =	vmul.f32 v21, v22;
	[tilespmem:s11+$0x3320] =	vst v11  }
0xa5: {  	v28 =	vld [tilespmem:s11+$0x33A0];
	v12 =	vmul.f32 v62, v22;
	[tilespmem:s11+$0x3330] =	vst v13  }
0xa6: {  	v29 =	vld [tilespmem:s11+$0x33B0];
	v10 =	vmul.f32 v23, v22;
	[tilespmem:s11+$0x3340] =	vst v14  }
0xa7: {  	v31 =	vbroadcast v2, $0x7;
	v53 =	vld [tilespmem:s11+$0x3500];
	v8 =	vmul.f32 v24, v22;
	[tilespmem:s11+$0x3310] =	vst v12  }
0xa8: {  	v58 =	vld [tilespmem:s11+$0x3550];
	v9 =	vmul.f32 v25, v22;
	[tilespmem:s11+$0x3350] =	vst v10  }
0xa9: {  	v26 =	vld [tilespmem:s11+$0x3380];
	v11 =	vmul.f32 v27, v31;
	[tilespmem:s11+$0x3360] =	vst v8  }
0xaa: {  	v30 =	vld [tilespmem:s11+$0x33C0];
	v13 =	vmul.f32 v28, v31;
	[tilespmem:s11+$0x3370] =	vst v9  }
0xab: {  	v32 =	vld [tilespmem:s11+$0x33D0];
	v14 =	vmul.f32 v29, v31;
	[tilespmem:s11+$0x3390] =	vst v11  }
0xac: {  	v33 =	vld [tilespmem:s11+$0x33E0];
	v59 =	vmul.f32 v53, v6;
	[tilespmem:s11+$0x33A0] =	vst v13  }
0xad: {  	v35 =	vld [tilespmem:s11+$0x3400];
	v21 =	vmul.f32 v58, v6;
	[tilespmem:s11+$0x33B0] =	vst v14  }
0xae: {  	v36 =	vld [tilespmem:s11+$0x3410];
	v12 =	vmul.f32 v26, v31;
	[tilespmem:s11+$0x3500] =	vst v59  }
0xaf: {  	v37 =	vld [tilespmem:s11+$0x3420];
	v10 =	vmul.f32 v30, v31;
	[tilespmem:s11+$0x3550] =	vst v21  }
0xb0: {  	v7 =	vld [tilespmem:s11+$0x3590];
	v40 =	vbroadcast v2, $0x8;
	v8 =	vmul.f32 v32, v31;
	[tilespmem:s11+$0x3380] =	vst v12  }
0xb1: {  	v34 =	vld [tilespmem:s11+$0x33F0];
	v9 =	vmul.f32 v33, v31;
	[tilespmem:s11+$0x33C0] =	vst v10  }
0xb2: {  	v57 =	vld [tilespmem:s11+$0x3540];
	v11 =	vmul.f32 v35, v40;
	[tilespmem:s11+$0x33D0] =	vst v8  }
0xb3: {  	v61 =	vld [tilespmem:s11+$0x3000];
	v24 =	vbroadcast v2, $0xB;
	v13 =	vmul.f32 v36, v40;
	[tilespmem:s11+$0x33E0] =	vst v9  }
0xb4: {  	v4 =	vld [tilespmem:s11+$0x37D0];
	v14 =	vmul.f32 v37, v40;
	[tilespmem:s11+$0x3400] =	vst v11  }
0xb5: {  	v38 =	vld [tilespmem:s11+$0x3430];
	v5 =	vmul.f32 v5, v24;
	[tilespmem:s11+$0x3410] =	vst v13  }
0xb6: {  	v39 =	vld [tilespmem:s11+$0x3440];
	v7 =	vmul.f32 v7, v24;
	[tilespmem:s11+$0x3420] =	vst v14  }
0xb7: {  	v41 =	vld [tilespmem:s11+$0x3450];
	v19 =	vmul.f32 v57, v6;
	[tilespmem:s11+$0x3580] =	vst v5  }
0xb8: {  	v43 =	vld [tilespmem:s11+$0x3470];
	v25 =	vmul.f32 v3, v61;
	[tilespmem:s11+$0x3590] =	vst v7  }
0xb9: {  	v44 =	vld [tilespmem:s11+$0x3480];
	v12 =	vmul.f32 v34, v31;
	[tilespmem:s11+$0x3540] =	vst v19  }
0xba: {  	v45 =	vld [tilespmem:s11+$0x3490];
	v10 =	vmul.f32 v38, v40;
	[tilespmem:s11+$0x3000] =	vst v25  }
0xbb: {  	v27 =	vld [tilespmem:s11+$0x35D0];
	v8 =	vmul.f32 v39, v40;
	[tilespmem:s11+$0x33F0] =	vst v12  }
0xbc: {  	v49 =	vbroadcast v2, $0x9;
	v29 =	vld [tilespmem:s11+$0x35F0];
	v9 =	vmul.f32 v41, v40;
	[tilespmem:s11+$0x3430] =	vst v10  }
0xbd: {  	v42 =	vld [tilespmem:s11+$0x3460];
	v11 =	vmul.f32 v43, v40;
	[tilespmem:s11+$0x3440] =	vst v8  }
0xbe: {  	v46 =	vld [tilespmem:s11+$0x34A0];
	v13 =	vmul.f32 v44, v49;
	[tilespmem:s11+$0x3450] =	vst v9  }
0xbf: {  	v47 =	vld [tilespmem:s11+$0x34B0];
	v14 =	vmul.f32 v45, v49;
	[tilespmem:s11+$0x3470] =	vst v11  }
0xc0: {  	v48 =	vld [tilespmem:s11+$0x34C0];
	v32 =	vmul.f32 v27, v24;
	[tilespmem:s11+$0x3480] =	vst v13  }
0xc1: {  	v51 =	vld [tilespmem:s11+$0x34E0];
	v7 =	vmul.f32 v29, v24;
	[tilespmem:s11+$0x3490] =	vst v14  }
0xc2: {  	v52 =	vld [tilespmem:s11+$0x34F0];
	v12 =	vmul.f32 v42, v40;
	[tilespmem:s11+$0x35D0] =	vst v32  }
0xc3: {  	v10 =	vmul.f32 v46, v49;
	[tilespmem:s11+$0x35F0] =	vst v7  }
0xc4: {  	v28 =	vld [tilespmem:s11+$0x35E0];
	v8 =	vmul.f32 v47, v49;
	[tilespmem:s11+$0x3460] =	vst v12  }
0xc5: {  	v30 =	vld [tilespmem:s11+$0x3600];
	v9 =	vmul.f32 v48, v49;
	[tilespmem:s11+$0x34A0] =	vst v10  }
0xc6: {  	v50 =	vld [tilespmem:s11+$0x34D0];
	v5 =	vbroadcast v2, $0xF;
	v11 =	vmul.f32 v51, v49;
	[tilespmem:s11+$0x34B0] =	vst v8  }
0xc7: {  	v54 =	vld [tilespmem:s11+$0x3510];
	v13 =	vmul.f32 v52, v49;
	[tilespmem:s11+$0x34C0] =	vst v9  }
0xc8: {  	v55 =	vld [tilespmem:s11+$0x3520];
	v35 =	vbroadcast v2, $0xC;
	v4 =	vmul.f32 v4, v5;
	[tilespmem:s11+$0x34E0] =	vst v11  }
0xc9: {  	v56 =	vld [tilespmem:s11+$0x3530];
	v40 =	vmul.f32 v28, v24;
	[tilespmem:s11+$0x34F0] =	vst v13  }
0xca: {  	v60 =	vld [tilespmem:s11+$0x3560];
	v16 =	vmul.f32 v30, v35;
	[tilespmem:s11+$0x37D0] =	vst v4  }
0xcb: {  	v62 =	vld [tilespmem:s11+$0x3010];
	v12 =	vmul.f32 v50, v49;
	[tilespmem:s11+$0x35E0] =	vst v40  }
0xcc: {  	v63 =	vld [tilespmem:s11+$0x3040];
	v10 =	vmul.f32 v54, v6;
	[tilespmem:s11+$0x3600] =	vst v16  }
0xcd: {  	v20 =	vld [tilespmem:s11+$0x3050];
	v8 =	vmul.f32 v55, v6;
	[tilespmem:s11+$0x34D0] =	vst v12  }
0xce: {  	v33 =	vld [tilespmem:s11+$0x3630];
	v9 =	vmul.f32 v56, v6;
	[tilespmem:s11+$0x3510] =	vst v10  }
0xcf: {  	v61 =	vld [tilespmem:s11+$0x37F0];
	v6 =	vmul.f32 v60, v6;
	[tilespmem:s11+$0x3520] =	vst v8  }
0xd0: {  	v38 =	vld [tilespmem:s11+$0x3670];
	v13 =	vmul.f32 v62, v3;
	[tilespmem:s11+$0x3530] =	vst v9  }
0xd1: {  	v22 =	vld [tilespmem:s11+$0x35A0];
	v4 =	vmul.f32 v63, v3;
	[tilespmem:s11+$0x3560] =	vst v6  }
0xd2: {  	v23 =	vld [tilespmem:s11+$0x35B0];
	v3 =	vmul.f32 v20, v3;
	[tilespmem:s11+$0x3010] =	vst v13  }
0xd3: {  	v26 =	vld [tilespmem:s11+$0x35C0];
	v62 =	vmul.f32 v33, v35;
	[tilespmem:s11+$0x3040] =	vst v4  }
0xd4: {  	v31 =	vld [tilespmem:s11+$0x3610];
	v63 =	vmul.f32 v61, v5;
	[tilespmem:s11+$0x3050] =	vst v3  }
0xd5: {  	v34 =	vld [tilespmem:s11+$0x3640];
	v16 =	vmul.f32 v38, v35;
	[tilespmem:s11+$0x3630] =	vst v62  }
0xd6: {  	v41 =	vld [tilespmem:s11+$0x36A0];
	v8 =	vmul.f32 v22, v24;
	[tilespmem:s11+$0x37F0] =	vst v63  }
0xd7: {  	v46 =	vld [tilespmem:s11+$0x36E0];
	v9 =	vmul.f32 v23, v24;
	[tilespmem:s11+$0x3670] =	vst v16  }
0xd8: {  	v6 =	vmul.f32 v26, v24;
	v3 =	vld [tilespmem:s11+$0x3690];
	[tilespmem:s11+$0x35A0] =	vst v8  }
0xd9: {  	v36 =	vld [tilespmem:s11+$0x3650];
	v44 =	vbroadcast v2, $0xD;
	v10 =	vmul.f32 v31, v35;
	[tilespmem:s11+$0x35B0] =	vst v9  }
0xda: {  	v37 =	vld [tilespmem:s11+$0x3660];
	v13 =	vmul.f32 v34, v35;
	[tilespmem:s11+$0x35C0] =	vst v6  }
0xdb: {  	v39 =	vld [tilespmem:s11+$0x3680];
	v12 =	vmul.f32 v41, v44;
	[tilespmem:s11+$0x3610] =	vst v10  }
0xdc: {  	v42 =	vld [tilespmem:s11+$0x36B0];
	v51 =	vmul.f32 v46, v44;
	[tilespmem:s11+$0x3640] =	vst v13  }
0xdd: {  	v48 =	vld [tilespmem:s11+$0x3710];
	[tilespmem:s11+$0x36A0] =	vst v12;
	v3 =	vmul.f32 v3, v44  }
0xde: {  	v49 =	vld [tilespmem:s11+$0x3720];
	v9 =	vmul.f32 v36, v35;
	[tilespmem:s11+$0x36E0] =	vst v51  }
0xdf: {  	v6 =	vmul.f32 v37, v35;
	[tilespmem:s11+$0x3690] =	vst v3;
	v3 =	vld [tilespmem:s11+$0x3700]  }
0xe0: {  	v2 =	vbroadcast v2, $0xE;
	v50 =	vld [tilespmem:s11+$0x3730];
	v10 =	vmul.f32 v39, v44;
	[tilespmem:s11+$0x3650] =	vst v9  }
0xe1: {  	v45 =	vld [tilespmem:s11+$0x36D0];
	v13 =	vmul.f32 v42, v44;
	[tilespmem:s11+$0x3660] =	vst v6  }
0xe2: {  	v47 =	vld [tilespmem:s11+$0x36F0];
	v12 =	vmul.f32 v48, v2;
	[tilespmem:s11+$0x3680] =	vst v10  }
0xe3: {  	v43 =	vld [tilespmem:s11+$0x36C0];
	v11 =	vmul.f32 v49, v2;
	[tilespmem:s11+$0x36B0] =	vst v13  }
0xe4: {  	v55 =	vld [tilespmem:s11+$0x3780];
	[tilespmem:s11+$0x3710] =	vst v12;
	v3 =	vmul.f32 v3, v2  }
0xe5: {  	v57 =	vld [tilespmem:s11+$0x37A0];
	v7 =	vmul.f32 v50, v2;
	[tilespmem:s11+$0x3720] =	vst v11  }
0xe6: {  	v6 =	vmul.f32 v45, v44;
	[tilespmem:s11+$0x3700] =	vst v3;
	v3 =	vld [tilespmem:s11+$0x3770]  }
0xe7: {  	v52 =	vld [tilespmem:s11+$0x3740];
	v10 =	vmul.f32 v47, v44;
	[tilespmem:s11+$0x3730] =	vst v7  }
0xe8: {  	v56 =	vld [tilespmem:s11+$0x3790];
	v9 =	vmul.f32 v43, v44;
	[tilespmem:s11+$0x36D0] =	vst v6  }
0xe9: {  	v54 =	vld [tilespmem:s11+$0x3760];
	v12 =	vmul.f32 v55, v5;
	[tilespmem:s11+$0x36F0] =	vst v10  }
0xea: {  	v58 =	vld [tilespmem:s11+$0x37B0];
	v7 =	vmul.f32 v57, v5;
	[tilespmem:s11+$0x36C0] =	vst v9  }
0xeb: {  	v53 =	vld [tilespmem:s11+$0x3750];
	[tilespmem:s11+$0x3780] =	vst v12;
	v3 =	vmul.f32 v3, v2  }
0xec: {  	v59 =	vld [tilespmem:s11+$0x37C0];
	v6 =	vmul.f32 v52, v2;
	[tilespmem:s11+$0x37A0] =	vst v7  }
0xed: {  	v60 =	vld [tilespmem:s11+$0x37E0];
	[tilespmem:s11+$0x3770] =	vst v3;
	v3 =	vmul.f32 v56, v5  }
0xee: {  	v10 =	vmul.f32 v54, v2;
	[tilespmem:s11+$0x3740] =	vst v6  }
0xef: {  	v4 =	vld [tilespmem:s11+$0x3620];
	[tilespmem:s11+$0x3790] =	vst v3;
	v3 =	vmul.f32 v58, v5  }
0xf0: {  	[tilespmem:s11+$0x3760] =	vst v10;
	v2 =	vmul.f32 v53, v2  }
0xf1: {  	[tilespmem:s11+$0x37B0] =	vst v3;
	v3 =	vmul.f32 v59, v5  }
0xf2: {  	[tilespmem:s11+$0x3750] =	vst v2;
	v5 =	vmul.f32 v60, v5  }
0xf3: {  	[tilespmem:s11+$0x37C0] =	vst v3  }
0xf4: {  	s12 =	simm.s32 $0x1;
	v3 =	vmul.f32 v4, v35;
	[tilespmem:s11+$0x37E0] =	vst v5  }
.LBB2_6:
0xf5: {  	s13 =	sshll.u32 s12, $0x4  }
0xf6: {  	p1 =	sne.s32 s12, $0x4;
	[tilespmem:s11+$0x3620] =	vst v3;
	s11 =	smov.u32 s12;
	s12 =	sadd.s32 $0x1, s12  }
0xf7: {  	s13 =	sand.u32 $0x3FFFFFF0, s13  }
0xf8: {  	v2 =	vld.idx.msk [tilespmem:v1+s13+$0x0 ss:$0x1], $0xffff  }
0xf9: {  	s11 =	sshll.u32 s11, $0xB  }
0xfa: {  	s11 =	sand.u32 $0x3FFFF800, s11  }
0xfb: {  	v9 =	vld [tilespmem:s11+$0x30C0]  }
0xfc: {  	v10 =	vld [tilespmem:s11+$0x30D0]  }
0xfd: {  	v11 =	vld [tilespmem:s11+$0x30B0]  }
0xfe: {  	v3 =	vbroadcast v2, $0x0;
	v8 =	vbroadcast v2, $0x4;
	v4 =	vld [tilespmem:s11+$0x3020]  }
0xff: {  	v6 =	vld [tilespmem:s11+$0x3030]  }
0x100: {  	v7 =	vld [tilespmem:s11+$0x3570]  }
0x101: {  	v12 =	vld [tilespmem:s11+$0x3060]  }
0x102: {  	v13 =	vld [tilespmem:s11+$0x3070]  }
0x103: {  	v5 =	vbroadcast v2, $0xA;
	v4 =	vmul.f32 v4, v3;
	v14 =	vld [tilespmem:s11+$0x3080]  }
0x104: {  	v6 =	vmul.f32 v6, v3;
	v15 =	vld [tilespmem:s11+$0x3090]  }
0x105: {  	[tilespmem:s11+$0x3020] =	vst v4;
	v16 =	vld [tilespmem:s11+$0x30A0];
	v4 =	vmul.f32 v7, v5  }
0x106: {  	[tilespmem:s11+$0x3030] =	vst v6;
	v7 =	vmul.f32 v12, v3;
	v12 =	vbroadcast v2, $0x1;
	v6 =	vld [tilespmem:s11+$0x3580]  }
0x107: {  	v13 =	vmul.f32 v13, v3;
	[tilespmem:s11+$0x3570] =	vst v4;
	v4 =	vld [tilespmem:s11+$0x37D0]  }
0x108: {  	[tilespmem:s11+$0x3060] =	vst v7;
	v14 =	vmul.f32 v14, v12;
	v7 =	vld [tilespmem:s11+$0x3590]  }
0x109: {  	[tilespmem:s11+$0x3070] =	vst v13;
	v13 =	vmul.f32 v15, v12;
	v15 =	vld [tilespmem:s11+$0x30E0]  }
0x10a: {  	[tilespmem:s11+$0x3080] =	vst v14;
	v14 =	vmul.f32 v16, v12;
	v16 =	vld [tilespmem:s11+$0x30F0]  }
0x10b: {  	v11 =	vmul.f32 v11, v12;
	[tilespmem:s11+$0x3090] =	vst v13;
	v13 =	vld [tilespmem:s11+$0x3100]  }
0x10c: {  	v9 =	vmul.f32 v9, v12;
	[tilespmem:s11+$0x30A0] =	vst v14;
	v14 =	vld [tilespmem:s11+$0x3110]  }
0x10d: {  	v10 =	vmul.f32 v10, v12;
	[tilespmem:s11+$0x30B0] =	vst v11;
	v11 =	vld [tilespmem:s11+$0x3120]  }
0x10e: {  	[tilespmem:s11+$0x30C0] =	vst v9;
	v9 =	vmul.f32 v15, v12;
	v15 =	vbroadcast v2, $0x2;
	v17 =	vld [tilespmem:s11+$0x3130]  }
0x10f: {  	[tilespmem:s11+$0x30D0] =	vst v10;
	v10 =	vmul.f32 v16, v12;
	v12 =	vld [tilespmem:s11+$0x3140]  }
0x110: {  	[tilespmem:s11+$0x30E0] =	vst v9;
	v9 =	vmul.f32 v13, v15;
	v13 =	vld [tilespmem:s11+$0x3150]  }
0x111: {  	[tilespmem:s11+$0x30F0] =	vst v10;
	v10 =	vmul.f32 v14, v15;
	v14 =	vld [tilespmem:s11+$0x3160]  }
0x112: {  	[tilespmem:s11+$0x3100] =	vst v9;
	v9 =	vmul.f32 v11, v15;
	v11 =	vld [tilespmem:s11+$0x3170]  }
0x113: {  	[tilespmem:s11+$0x3110] =	vst v10;
	v10 =	vmul.f32 v17, v15;
	v16 =	vld [tilespmem:s11+$0x3180]  }
0x114: {  	[tilespmem:s11+$0x3120] =	vst v9;
	v9 =	vmul.f32 v12, v15;
	v12 =	vld [tilespmem:s11+$0x3190]  }
0x115: {  	[tilespmem:s11+$0x3130] =	vst v10;
	v10 =	vmul.f32 v13, v15;
	v13 =	vld [tilespmem:s11+$0x31A0]  }
0x116: {  	[tilespmem:s11+$0x3140] =	vst v9;
	v9 =	vmul.f32 v14, v15;
	v14 =	vbroadcast v2, $0x3;
	v17 =	vld [tilespmem:s11+$0x31B0]  }
0x117: {  	[tilespmem:s11+$0x3150] =	vst v10;
	v10 =	vmul.f32 v11, v15;
	v11 =	vld [tilespmem:s11+$0x31C0]  }
0x118: {  	[tilespmem:s11+$0x3160] =	vst v9;
	v9 =	vmul.f32 v16, v14;
	v15 =	vld [tilespmem:s11+$0x31D0]  }
0x119: {  	[tilespmem:s11+$0x3170] =	vst v10;
	v10 =	vmul.f32 v12, v14;
	v12 =	vld [tilespmem:s11+$0x31E0]  }
0x11a: {  	[tilespmem:s11+$0x3180] =	vst v9;
	v9 =	vmul.f32 v13, v14;
	v13 =	vld [tilespmem:s11+$0x31F0]  }
0x11b: {  	[tilespmem:s11+$0x3190] =	vst v10;
	v10 =	vmul.f32 v17, v14;
	v16 =	vld [tilespmem:s11+$0x3200]  }
0x11c: {  	[tilespmem:s11+$0x31A0] =	vst v9;
	v9 =	vmul.f32 v11, v14;
	v11 =	vld [tilespmem:s11+$0x3210]  }
0x11d: {  	[tilespmem:s11+$0x31B0] =	vst v10;
	v10 =	vmul.f32 v15, v14;
	v15 =	vld [tilespmem:s11+$0x3220]  }
0x11e: {  	[tilespmem:s11+$0x31C0] =	vst v9;
	v9 =	vmul.f32 v12, v14;
	v12 =	vld [tilespmem:s11+$0x3230]  }
0x11f: {  	[tilespmem:s11+$0x31D0] =	vst v10;
	v10 =	vmul.f32 v13, v14;
	v13 =	vld [tilespmem:s11+$0x3240]  }
0x120: {  	[tilespmem:s11+$0x31E0] =	vst v9;
	v9 =	vmul.f32 v16, v8;
	v14 =	vld [tilespmem:s11+$0x3250]  }
0x121: {  	[tilespmem:s11+$0x31F0] =	vst v10;
	v10 =	vmul.f32 v11, v8;
	v11 =	vld [tilespmem:s11+$0x3260]  }
0x122: {  	[tilespmem:s11+$0x3200] =	vst v9;
	v9 =	vmul.f32 v15, v8;
	v15 =	vld [tilespmem:s11+$0x3270]  }
0x123: {  	[tilespmem:s11+$0x3210] =	vst v10;
	v10 =	vmul.f32 v12, v8;
	v12 =	vld [tilespmem:s11+$0x3280]  }
0x124: {  	[tilespmem:s11+$0x3220] =	vst v9;
	v9 =	vmul.f32 v13, v8;
	v13 =	vld [tilespmem:s11+$0x3290]  }
0x125: {  	[tilespmem:s11+$0x3230] =	vst v10;
	v10 =	vmul.f32 v14, v8;
	v14 =	vld [tilespmem:s11+$0x32A0]  }
0x126: {  	[tilespmem:s11+$0x3240] =	vst v9;
	v9 =	vmul.f32 v11, v8;
	v11 =	vbroadcast v2, $0x5;
	v16 =	vld [tilespmem:s11+$0x32B0]  }
0x127: {  	[tilespmem:s11+$0x3250] =	vst v10;
	v8 =	vmul.f32 v15, v8;
	v10 =	vld [tilespmem:s11+$0x32C0]  }
0x128: {  	[tilespmem:s11+$0x3260] =	vst v9;
	v9 =	vmul.f32 v12, v11;
	v12 =	vld [tilespmem:s11+$0x32D0]  }
0x129: {  	[tilespmem:s11+$0x3270] =	vst v8;
	v8 =	vmul.f32 v13, v11;
	v13 =	vld [tilespmem:s11+$0x32E0]  }
0x12a: {  	[tilespmem:s11+$0x3280] =	vst v9;
	v9 =	vmul.f32 v14, v11;
	v14 =	vld [tilespmem:s11+$0x32F0]  }
0x12b: {  	[tilespmem:s11+$0x3290] =	vst v8;
	v8 =	vmul.f32 v16, v11;
	v15 =	vld [tilespmem:s11+$0x3300]  }
0x12c: {  	[tilespmem:s11+$0x32A0] =	vst v9;
	v9 =	vmul.f32 v10, v11;
	v10 =	vld [tilespmem:s11+$0x3310]  }
0x12d: {  	[tilespmem:s11+$0x32B0] =	vst v8;
	v8 =	vmul.f32 v12, v11;
	v12 =	vld [tilespmem:s11+$0x3320]  }
0x12e: {  	[tilespmem:s11+$0x32C0] =	vst v9;
	v9 =	vmul.f32 v13, v11;
	v13 =	vbroadcast v2, $0x6;
	v16 =	vld [tilespmem:s11+$0x3330]  }
0x12f: {  	[tilespmem:s11+$0x32D0] =	vst v8;
	v8 =	vmul.f32 v14, v11;
	v11 =	vld [tilespmem:s11+$0x3340]  }
0x130: {  	[tilespmem:s11+$0x32E0] =	vst v9;
	v9 =	vmul.f32 v15, v13;
	v14 =	vld [tilespmem:s11+$0x3350]  }
0x131: {  	[tilespmem:s11+$0x32F0] =	vst v8;
	v8 =	vmul.f32 v10, v13;
	v10 =	vld [tilespmem:s11+$0x3360]  }
0x132: {  	[tilespmem:s11+$0x3300] =	vst v9;
	v9 =	vmul.f32 v12, v13;
	v12 =	vld [tilespmem:s11+$0x3370]  }
0x133: {  	[tilespmem:s11+$0x3310] =	vst v8;
	v8 =	vmul.f32 v16, v13;
	v15 =	vld [tilespmem:s11+$0x3380]  }
0x134: {  	[tilespmem:s11+$0x3320] =	vst v9;
	v9 =	vmul.f32 v11, v13;
	v11 =	vld [tilespmem:s11+$0x3390]  }
0x135: {  	[tilespmem:s11+$0x3330] =	vst v8;
	v8 =	vmul.f32 v14, v13;
	v14 =	vld [tilespmem:s11+$0x33A0]  }
0x136: {  	[tilespmem:s11+$0x3340] =	vst v9;
	v9 =	vmul.f32 v10, v13;
	v10 =	vbroadcast v2, $0x7;
	v16 =	vld [tilespmem:s11+$0x33B0]  }
0x137: {  	[tilespmem:s11+$0x3350] =	vst v8;
	v8 =	vmul.f32 v12, v13;
	v12 =	vld [tilespmem:s11+$0x33C0]  }
0x138: {  	[tilespmem:s11+$0x3360] =	vst v9;
	v9 =	vmul.f32 v15, v10;
	v13 =	vld [tilespmem:s11+$0x33D0]  }
0x139: {  	[tilespmem:s11+$0x3370] =	vst v8;
	v8 =	vmul.f32 v11, v10;
	v11 =	vld [tilespmem:s11+$0x33E0]  }
0x13a: {  	[tilespmem:s11+$0x3380] =	vst v9;
	v9 =	vmul.f32 v14, v10;
	v14 =	vld [tilespmem:s11+$0x33F0]  }
0x13b: {  	[tilespmem:s11+$0x3390] =	vst v8;
	v8 =	vmul.f32 v16, v10;
	v15 =	vld [tilespmem:s11+$0x3400]  }
0x13c: {  	[tilespmem:s11+$0x33A0] =	vst v9;
	v9 =	vmul.f32 v12, v10;
	v12 =	vld [tilespmem:s11+$0x3410]  }
0x13d: {  	[tilespmem:s11+$0x33B0] =	vst v8;
	v8 =	vmul.f32 v13, v10;
	v13 =	vld [tilespmem:s11+$0x3420]  }
0x13e: {  	[tilespmem:s11+$0x33C0] =	vst v9;
	v9 =	vmul.f32 v11, v10;
	v11 =	vbroadcast v2, $0x8;
	v16 =	vld [tilespmem:s11+$0x3430]  }
0x13f: {  	[tilespmem:s11+$0x33D0] =	vst v8;
	v8 =	vmul.f32 v14, v10;
	v10 =	vld [tilespmem:s11+$0x3440]  }
0x140: {  	[tilespmem:s11+$0x33E0] =	vst v9;
	v9 =	vmul.f32 v15, v11;
	v14 =	vld [tilespmem:s11+$0x3450]  }
0x141: {  	[tilespmem:s11+$0x33F0] =	vst v8;
	v8 =	vmul.f32 v12, v11;
	v12 =	vld [tilespmem:s11+$0x3460]  }
0x142: {  	[tilespmem:s11+$0x3400] =	vst v9;
	v9 =	vmul.f32 v13, v11;
	v13 =	vld [tilespmem:s11+$0x3470]  }
0x143: {  	[tilespmem:s11+$0x3410] =	vst v8;
	v8 =	vmul.f32 v16, v11;
	v15 =	vld [tilespmem:s11+$0x3480]  }
0x144: {  	[tilespmem:s11+$0x3420] =	vst v9;
	v9 =	vmul.f32 v10, v11;
	v10 =	vld [tilespmem:s11+$0x3490]  }
0x145: {  	[tilespmem:s11+$0x3430] =	vst v8;
	v8 =	vmul.f32 v14, v11;
	v14 =	vld [tilespmem:s11+$0x34A0]  }
0x146: {  	[tilespmem:s11+$0x3440] =	vst v9;
	v9 =	vmul.f32 v12, v11;
	v12 =	vbroadcast v2, $0x9;
	v16 =	vld [tilespmem:s11+$0x34B0]  }
0x147: {  	[tilespmem:s11+$0x3450] =	vst v8;
	v8 =	vmul.f32 v13, v11;
	v11 =	vld [tilespmem:s11+$0x34C0]  }
0x148: {  	[tilespmem:s11+$0x3460] =	vst v9;
	v9 =	vmul.f32 v15, v12;
	v13 =	vld [tilespmem:s11+$0x34D0]  }
0x149: {  	[tilespmem:s11+$0x3470] =	vst v8;
	v8 =	vmul.f32 v10, v12;
	v10 =	vld [tilespmem:s11+$0x34E0]  }
0x14a: {  	[tilespmem:s11+$0x3480] =	vst v9;
	v9 =	vmul.f32 v14, v12;
	v14 =	vld [tilespmem:s11+$0x34F0]  }
0x14b: {  	[tilespmem:s11+$0x3490] =	vst v8;
	v8 =	vmul.f32 v16, v12;
	v15 =	vld [tilespmem:s11+$0x3500]  }
0x14c: {  	[tilespmem:s11+$0x34A0] =	vst v9;
	v9 =	vmul.f32 v11, v12;
	v11 =	vld [tilespmem:s11+$0x3510]  }
0x14d: {  	[tilespmem:s11+$0x34B0] =	vst v8;
	v8 =	vmul.f32 v13, v12;
	v13 =	vld [tilespmem:s11+$0x3520]  }
0x14e: {  	[tilespmem:s11+$0x34C0] =	vst v9;
	v9 =	vmul.f32 v10, v12;
	v10 =	vld [tilespmem:s11+$0x3530]  }
0x14f: {  	[tilespmem:s11+$0x34D0] =	vst v8;
	v8 =	vmul.f32 v14, v12;
	v12 =	vld [tilespmem:s11+$0x3540]  }
0x150: {  	[tilespmem:s11+$0x34E0] =	vst v9;
	v9 =	vmul.f32 v15, v5;
	v14 =	vld [tilespmem:s11+$0x3550]  }
0x151: {  	[tilespmem:s11+$0x34F0] =	vst v8;
	v8 =	vmul.f32 v11, v5;
	v11 =	vld [tilespmem:s11+$0x3560]  }
0x152: {  	v15 =	vld [tilespmem:s11+$0x3000];
	[tilespmem:s11+$0x3500] =	vst v9;
	v9 =	vmul.f32 v13, v5  }
0x153: {  	v13 =	vld [tilespmem:s11+$0x3010];
	[tilespmem:s11+$0x3510] =	vst v8;
	v8 =	vmul.f32 v10, v5  }
0x154: {  	v10 =	vld [tilespmem:s11+$0x3040];
	[tilespmem:s11+$0x3520] =	vst v9;
	v9 =	vmul.f32 v12, v5  }
0x155: {  	v12 =	vld [tilespmem:s11+$0x3050];
	[tilespmem:s11+$0x3530] =	vst v8;
	v8 =	vmul.f32 v14, v5  }
0x156: {  	[tilespmem:s11+$0x3540] =	vst v9;
	v9 =	vmul.f32 v11, v5;
	v11 =	vbroadcast v2, $0xB;
	v14 =	vld [tilespmem:s11+$0x35A0]  }
0x157: {  	v5 =	vbroadcast v2, $0xF;
	v15 =	vmul.f32 v3, v15;
	[tilespmem:s11+$0x3550] =	vst v8;
	v8 =	vld [tilespmem:s11+$0x35B0]  }
0x158: {  	v13 =	vmul.f32 v13, v3;
	[tilespmem:s11+$0x3560] =	vst v9;
	v6 =	vmul.f32 v6, v11;
	v9 =	vld [tilespmem:s11+$0x35C0]  }
0x159: {  	v7 =	vmul.f32 v7, v11;
	[tilespmem:s11+$0x3000] =	vst v15;
	v10 =	vmul.f32 v10, v3;
	v15 =	vld [tilespmem:s11+$0x35D0]  }
0x15a: {  	v4 =	vmul.f32 v4, v5;
	v12 =	vmul.f32 v12, v3;
	[tilespmem:s11+$0x3580] =	vst v6;
	v3 =	vld [tilespmem:s11+$0x35E0]  }
0x15b: {  	[tilespmem:s11+$0x3590] =	vst v7;
	v6 =	vmul.f32 v14, v11;
	v7 =	vld [tilespmem:s11+$0x35F0]  }
0x15c: {  	v8 =	vmul.f32 v8, v11;
	v14 =	vld [tilespmem:s11+$0x3600];
	[tilespmem:s11+$0x37D0] =	vst v4  }
0x15d: {  	[tilespmem:s11+$0x3010] =	vst v13;
	v4 =	vmul.f32 v9, v11;
	v9 =	vld [tilespmem:s11+$0x3610]  }
0x15e: {  	[tilespmem:s11+$0x3040] =	vst v10;
	v10 =	vmul.f32 v15, v11;
	v13 =	vld [tilespmem:s11+$0x3620]  }
0x15f: {  	v15 =	vbroadcast v2, $0xC;
	[tilespmem:s11+$0x35A0] =	vst v6;
	v6 =	vmul.f32 v3, v11;
	v16 =	vld [tilespmem:s11+$0x3630]  }
0x160: {  	[tilespmem:s11+$0x35D0] =	vst v10;
	v7 =	vmul.f32 v7, v11;
	v10 =	vld [tilespmem:s11+$0x3640]  }
0x161: {  	[tilespmem:s11+$0x35B0] =	vst v8;
	v3 =	vmul.f32 v14, v15;
	v8 =	vld [tilespmem:s11+$0x3650]  }
0x162: {  	[tilespmem:s11+$0x35C0] =	vst v4;
	v4 =	vmul.f32 v9, v15;
	v9 =	vld [tilespmem:s11+$0x3660]  }
0x163: {  	[tilespmem:s11+$0x3600] =	vst v3;
	v3 =	vmul.f32 v13, v15;
	v11 =	vld [tilespmem:s11+$0x3670]  }
0x164: {  	[tilespmem:s11+$0x3610] =	vst v4;
	v4 =	vld [tilespmem:s11+$0x3680]  }
0x165: {  	[tilespmem:s11+$0x3050] =	vst v12;
	v10 =	vmul.f32 v10, v15;
	v12 =	vld [tilespmem:s11+$0x3690]  }
0x166: {  	[tilespmem:s11+$0x35E0] =	vst v6;
	v6 =	vmul.f32 v8, v15;
	v8 =	vld [tilespmem:s11+$0x36A0]  }
0x167: {  	[tilespmem:s11+$0x3640] =	vst v10;
	v9 =	vmul.f32 v9, v15;
	v10 =	vbroadcast v2, $0xD;
	v13 =	vld [tilespmem:s11+$0x36B0]  }
0x168: {  	[tilespmem:s11+$0x3650] =	vst v6;
	v6 =	vmul.f32 v11, v15;
	v11 =	vld [tilespmem:s11+$0x36C0]  }
0x169: {  	[tilespmem:s11+$0x3660] =	vst v9;
	v4 =	vmul.f32 v4, v10;
	v9 =	vld [tilespmem:s11+$0x36D0]  }
0x16a: {  	[tilespmem:s11+$0x3670] =	vst v6;
	v6 =	vmul.f32 v12, v10;
	v12 =	vld [tilespmem:s11+$0x36E0]  }
0x16b: {  	[tilespmem:s11+$0x3680] =	vst v4;
	v4 =	vmul.f32 v8, v10;
	v8 =	vld [tilespmem:s11+$0x36F0]  }
0x16c: {  	[tilespmem:s11+$0x3690] =	vst v6;
	v6 =	vmul.f32 v13, v10;
	v13 =	vld [tilespmem:s11+$0x3700]  }
0x16d: {  	[tilespmem:s11+$0x36A0] =	vst v4;
	v4 =	vmul.f32 v11, v10;
	v11 =	vld [tilespmem:s11+$0x3710]  }
0x16e: {  	[tilespmem:s11+$0x36B0] =	vst v6;
	v6 =	vmul.f32 v9, v10;
	v9 =	vld [tilespmem:s11+$0x3720]  }
0x16f: {  	v2 =	vbroadcast v2, $0xE;
	[tilespmem:s11+$0x35F0] =	vst v7;
	v7 =	vmul.f32 v12, v10;
	v12 =	vld [tilespmem:s11+$0x3730]  }
0x170: {  	[tilespmem:s11+$0x36D0] =	vst v6;
	v6 =	vmul.f32 v8, v10;
	v8 =	vld [tilespmem:s11+$0x3740]  }
0x171: {  	[tilespmem:s11+$0x36E0] =	vst v7;
	v7 =	vmul.f32 v13, v2;
	v10 =	vld [tilespmem:s11+$0x3750]  }
0x172: {  	[tilespmem:s11+$0x36F0] =	vst v6;
	v6 =	vmul.f32 v11, v2;
	v11 =	vld [tilespmem:s11+$0x3760]  }
0x173: {  	[tilespmem:s11+$0x3700] =	vst v7;
	v7 =	vmul.f32 v9, v2;
	v9 =	vld [tilespmem:s11+$0x3770]  }
0x174: {  	[tilespmem:s11+$0x3710] =	vst v6;
	v6 =	vmul.f32 v12, v2;
	v12 =	vld [tilespmem:s11+$0x3780]  }
0x175: {  	[tilespmem:s11+$0x3720] =	vst v7;
	v7 =	vmul.f32 v8, v2;
	v8 =	vld [tilespmem:s11+$0x3790]  }
0x176: {  	[tilespmem:s11+$0x3730] =	vst v6;
	v6 =	vmul.f32 v10, v2;
	v10 =	vld [tilespmem:s11+$0x37A0]  }
0x177: {  	[tilespmem:s11+$0x3740] =	vst v7;
	v7 =	vmul.f32 v11, v2;
	v11 =	vld [tilespmem:s11+$0x37B0]  }
0x178: {  	[tilespmem:s11+$0x36C0] =	vst v4;
	v2 =	vmul.f32 v9, v2;
	v4 =	vld [tilespmem:s11+$0x37C0]  }
0x179: {  	[tilespmem:s11+$0x3760] =	vst v7;
	v7 =	vmul.f32 v12, v5;
	v9 =	vld [tilespmem:s11+$0x37E0]  }
0x17a: {  	[tilespmem:s11+$0x3770] =	vst v2;
	v2 =	vmul.f32 v8, v5;
	v8 =	vld [tilespmem:s11+$0x37F0]  }
0x17b: {  	[tilespmem:s11+$0x3780] =	vst v7;
	v7 =	vmul.f32 v10, v5  }
0x17c: {  	[tilespmem:s11+$0x3790] =	vst v2;
	v2 =	vmul.f32 v11, v5  }
0x17d: {  	v10 =	vmul.f32 v16, v15;
	[tilespmem:s11+$0x37A0] =	vst v7  }
0x17e: {  	[tilespmem:s11+$0x37B0] =	vst v2;
	v2 =	vmul.f32 v4, v5  }
.Ltmp1:
0x17f: {  	[tilespmem:s11+$0x3630] =	vst v10;
	v4 =	vmul.f32 v8, v5;
	(pc) =	sbr.rel @p1 .LBB2_6-.Ltmp1, $4  }
0x180: {  	[tilespmem:s11+$0x37C0] =	vst v2  }
0x181: {  	v2 =	vmul.f32 v9, v5;
	[tilespmem:s11+$0x37F0] =	vst v4  }
0x182: {  	[tilespmem:s11+$0x3750] =	vst v6  }
0x183: {  	[tilespmem:s11+$0x37E0] =	vst v2  }
0x184: {  	s9 =	sadd.s32 $0x1, s9  }
0x185: {  	p1 =	sne.s32 s9, $0x19  }
.Ltmp2:
0x186: {  	[tilespmem:s11+$0x3620] =	vst v3;
	s10 =	sadd.s32 $0x1000, s10;
	(pc) =	sbr.rel @p1 .LBB2_5-.Ltmp2, $4  }
0x187: {  	[spmem:s3] =	stream.indirect.scatter.add.f32 [tilespmem:s26], [sflag:$0x2], $0x80, s10, s31, $0xb8;
	[tilespmem:$0x19080] =	vst v63  }
0x188: {  	_ =	swait.ge [sflag:s28], $0x2800  }
0x189: {  	[sflag:s28] =	ssyncset.done $0x0  }
0x18a: {  	[sflag:s28] =	ssyncadd.s32 $0xFFFFD800  }
0x18b: {  	s8 =	sadd.s32 $0x1, s8  }
0x18c: {  	p1 =	sne.s32 s8, $0x5  }
.Ltmp3:
0x18d: {  	_ = 	snop;
	(pc) =	sbr.rel @p1 .LBB2_4-.Ltmp3, $1  }
0x18e: {  	_ =	sdelay $0x3  }
0x18f: {  	[bflag:$0x0] =	sbarrier.arrive $0xFFFF  }
0x190: {  	[tilespmem:s26], [sflag:$0x2] =	stream.linear.gather [spmem:s16], $0x2800, $0x38;
	[tilespmem:$0x19080] =	vst v63  }
0x191: {  	_ =	swait.ge [sflag:s28], $0x2800  }
0x192: {  	[sflag:s28] =	ssyncset.done $0x0  }
0x193: {  	s7 =	rddreg [dreg:$0x4];
	[sflag:s28] =	ssyncadd.s32 $0xFFFFD800  }
0x194: {  	[hbm4b:s7+s4] =	stream.linear.scatter [tilespmem:s26], [sflag:$0x2], $0x2800, $0x38;
	[tilespmem:$0x19080] =	vst v63  }
0x195: {  	_ =	swait.ge [sflag:s28], $0x2800  }
0x196: {  	[sflag:s28] =	ssyncset.done $0x0  }
0x197: {  	[sflag:s28] =	ssyncadd.s32 $0xFFFFD800  }
0x198: {  	[tilespmem:s26], [sflag:$0x2] =	stream.linear.gather [spmem:s17], $0x2800, $0x38;
	[tilespmem:$0x19080] =	vst v63  }
0x199: {  	_ =	swait.ge [sflag:s28], $0x2800  }
0x19a: {  	[sflag:s28] =	ssyncset.done $0x0  }
0x19b: {  	s8 =	rddreg [dreg:$0x5];
	[sflag:s28] =	ssyncadd.s32 $0xFFFFD800  }
0x19c: {  	[hbm4b:s8+s4] =	stream.linear.scatter [tilespmem:s26], [sflag:$0x2], $0x2800, $0x38;
	[tilespmem:$0x19080] =	vst v63  }
0x19d: {  	_ =	swait.ge [sflag:s28], $0x2800  }
0x19e: {  	[sflag:s28] =	ssyncset.done $0x0  }
0x19f: {  	[sflag:s28] =	ssyncadd.s32 $0xFFFFD800  }
0x1a0: {  	[tilespmem:s26], [sflag:$0x2] =	stream.linear.gather [spmem:s18], $0x2800, $0x38;
	[tilespmem:$0x19080] =	vst v63  }
0x1a1: {  	_ =	swait.ge [sflag:s28], $0x2800  }
0x1a2: {  	[sflag:s28] =	ssyncset.done $0x0  }
0x1a3: {  	s9 =	rddreg [dreg:$0x6];
	[sflag:s28] =	ssyncadd.s32 $0xFFFFD800  }
0x1a4: {  	[hbm4b:s9+s4] =	stream.linear.scatter [tilespmem:s26], [sflag:$0x2], $0x2800, $0x38;
	[tilespmem:$0x19080] =	vst v63  }
0x1a5: {  	_ =	swait.ge [sflag:s28], $0x2800  }
0x1a6: {  	[sflag:s28] =	ssyncset.done $0x0  }
0x1a7: {  	[sflag:s28] =	ssyncadd.s32 $0xFFFFD800  }
0x1a8: {  	[tilespmem:s26], [sflag:$0x2] =	stream.linear.gather [spmem:s19], $0x2800, $0x38;
	[tilespmem:$0x19080] =	vst v63  }
0x1a9: {  	_ =	swait.ge [sflag:s28], $0x2800  }
0x1aa: {  	[sflag:s28] =	ssyncset.done $0x0  }
0x1ab: {  	s10 =	rddreg [dreg:$0x7];
	[sflag:s28] =	ssyncadd.s32 $0xFFFFD800  }
0x1ac: {  	[hbm4b:s10+s4] =	stream.linear.scatter [tilespmem:s26], [sflag:$0x2], $0x2800, $0x38;
	[tilespmem:$0x19080] =	vst v63  }
0x1ad: {  	_ =	swait.ge [sflag:s28], $0x2800  }
0x1ae: {  	[sflag:s28] =	ssyncset.done $0x0  }
0x1af: {  	[sflag:s28] =	ssyncadd.s32 $0xFFFFD800  }
0x1b0: {  	[tilespmem:s26], [sflag:$0x2] =	stream.linear.gather [spmem:s20], $0x2800, $0x38;
	[tilespmem:$0x19080] =	vst v63  }
0x1b1: {  	_ =	swait.ge [sflag:s28], $0x2800  }
0x1b2: {  	[sflag:s28] =	ssyncset.done $0x0  }
0x1b3: {  	s11 =	rddreg [dreg:$0x8];
	[sflag:s28] =	ssyncadd.s32 $0xFFFFD800  }
0x1b4: {  	[hbm4b:s11+s4] =	stream.linear.scatter [tilespmem:s26], [sflag:$0x2], $0x2800, $0x38;
	[tilespmem:$0x19080] =	vst v63  }
0x1b5: {  	_ =	swait.ge [sflag:s28], $0x2800  }
0x1b6: {  	[sflag:s28] =	ssyncset.done $0x0  }
0x1b7: {  	[sflag:s28] =	ssyncadd.s32 $0xFFFFD800  }
0x1b8: {  	[tilespmem:s26], [sflag:$0x2] =	stream.linear.gather [spmem:s21], $0x2800, $0x38;
	[tilespmem:$0x19080] =	vst v63  }
0x1b9: {  	_ =	swait.ge [sflag:s28], $0x2800  }
0x1ba: {  	[sflag:s28] =	ssyncset.done $0x0  }
0x1bb: {  	s12 =	rddreg [dreg:$0x9];
	[sflag:s28] =	ssyncadd.s32 $0xFFFFD800  }
0x1bc: {  	[hbm4b:s12+s4] =	stream.linear.scatter [tilespmem:s26], [sflag:$0x2], $0x2800, $0x38;
	[tilespmem:$0x19080] =	vst v63  }
0x1bd: {  	_ =	swait.ge [sflag:s28], $0x2800  }
0x1be: {  	[sflag:s28] =	ssyncset.done $0x0  }
0x1bf: {  	[sflag:s28] =	ssyncadd.s32 $0xFFFFD800  }
0x1c0: {  	[tilespmem:s26], [sflag:$0x2] =	stream.linear.gather [spmem:s22], $0x2800, $0x38;
	[tilespmem:$0x19080] =	vst v63  }
0x1c1: {  	_ =	swait.ge [sflag:s28], $0x2800  }
0x1c2: {  	[sflag:s28] =	ssyncset.done $0x0  }
0x1c3: {  	s13 =	rddreg [dreg:$0xa];
	[sflag:s28] =	ssyncadd.s32 $0xFFFFD800  }
0x1c4: {  	[hbm4b:s13+s4] =	stream.linear.scatter [tilespmem:s26], [sflag:$0x2], $0x2800, $0x38;
	[tilespmem:$0x19080] =	vst v63  }
0x1c5: {  	_ =	swait.ge [sflag:s28], $0x2800  }
0x1c6: {  	[sflag:s28] =	ssyncset.done $0x0  }
0x1c7: {  	s7 =	simm.s32 @!p0 $0x3000;
	s8 =	simm.s32 @!p0 $0x2;
	[sflag:s28] =	ssyncadd.s32 $0xFFFFD800  }
0x1c8: {  	[tilespmem:s7], [sflag:$0x2] =	stream.linear.gather @!p0 [spmem:s23], $0x2800, $0x38;
	[tilespmem:$0x19080] =	vst v63  }
0x1c9: {  	s5 =	sadd.s32 $0x1, s5;
	_ =	swait.ge @!p0 [sflag:s8], $0x2800  }
0x1ca: {  	p1 =	sne.s32 s5, s25;
	[sflag:s8] =	ssyncset.done @!p0 $0x0  }
.Ltmp4:
0x1cb: {  	s9 =	simm.s32 @!p0 $0x0;
	[sflag:s8] =	ssyncadd.s32 @!p0 $0xFFFFD800;
	(pc) =	sbr.rel @p1 .LBB2_1-.Ltmp4, $4  }
0x1cc: {  	[hbm4b:s14+s9] =	stream.linear.scatter @!p0 [tilespmem:s7], [sflag:$0x2], $0x2800, $0x38;
	[tilespmem:$0x19080] =	vst v63  }
0x1cd: {  	_ =	swait.ge @!p0 [sflag:s8], $0x2800  }
0x1ce: {  	[sflag:s8] =	ssyncset.done @!p0 $0x0  }
0x1cf: {  	[sflag:s8] =	ssyncadd.s32 @!p0 $0xFFFFD800  }
0x1d0: {  	_ =	sfence.sel $0x180000  }
0x1d1: {  	[bflag:$0x0] =	sbarrier.arrive $0xFFFF  }
0x1d2: {  	_ =	strace $0x9000004A  }
0x1d3: {  	s0 =	stileid.u32;
	[bflag:$0x2] =	sbarrier.arrive $0xFFFF  }
0x1d4: {  	p0 =	sne.s32 s0, $0x0;
	s0 =	rddreg [dreg:$0x3]  }
0x1d5: {  	s0 =	sadd.s32 @!p0 $0x100000, s0  }
0x1d6: {  	[sflag:s0] =	ssyncadd.tile.s32 @!p0 $0x1;
	_ =	shalt  }
.Lfunc_end2:
_tile_overlayer_lowered:
.L_overlay_start_2:
0x1d7: {  	(tag) =	ssettag $0x2  }
0x1d8: {  	s0 =	rddreg [dreg:$0x0];
	s2 =	stileid.u32  }
0x1d9: {  	s1 =	rddreg [dreg:$0x1];
	p0 =	sne.s32 s2, $0x0  }
0x1da: {  	s3 =	rddreg [dreg:$0x2];
	[bflag:$0x3] =	sbarrier.arrive $0xFFFF;
	s2 =	simm.s32 @!p0 $0x1C02  }
0x1db: {  	[timem:s3], [sflag:s2] =	dma.local @!p0 [hbm:s0], s1  }
0x1dc: {  	s0 =	simm.s32 @!p0 $0x2  }
0x1dd: {  	_ =	swait.ge @!p0 [sflag:s0], s1  }
0x1de: {  	s1 =	ssub.s32 @!p0 $0x0, s1;
	[sflag:s0] =	ssyncset.done @!p0 $0x0  }
0x1df: {  	[sflag:s0] =	ssyncadd.s32 @!p0 s1  }
0x1e0: {  	[bflag:$0x3] =	sbarrier.arrive $0xFFFF  }
0x1e1: {  	_ =	shalt  }

// kernel: kernel.7.cloned.1.call-start
scs
__scs_entry_jumppad:
0x0: {  	(pc) =	sbr.rel $0x88, $3  }
0x1: {  	(tag) =	ssettag $0x0;
	lr =	simm.s32 $0x1  }
0x2: {  	[smem:$0x3F9B] =	sst lr;
	_ =	strace $0xD0000000  }
0x3: {  	_ = 	snop  }
0x4: {  	_ = 	snop  }
0x5: {  	_ = 	snop  }
0x6: {  	_ = 	snop  }
0x7: {  	_ = 	snop  }
__scs_overlays_trampoline_lowered:
0x8: {  	[smem:$0x3FAA] =	sst s0  }
0x9: {  	[smem:$0x3FAB] =	sst s1  }
0xa: {  	[smem:$0x3FAC] =	sst s2  }
0xb: {  	[smem:$0x3FAD] =	sst s3  }
0xc: {  	[smem:$0x3FAE] =	sst s4  }
0xd: {  	[smem:$0x3FAF] =	sst s5  }
0xe: {  	[smem:$0x3FB0] =	sst s6  }
0xf: {  	[smem:$0x3FB1] =	sst s7  }
0x10: {  	[smem:$0x3FB2] =	sst s8  }
0x11: {  	[smem:$0x3FB3] =	sst s9;
	s0 =	simm.s32 @!p0 $0x0  }
0x12: {  	s1 =	sld [smem:$0x3F99];
	s0 =	simm.s32 @p0 $0x1  }
0x13: {  	[smem:$0x3FB4] =	sst s0;
	s0 =	simm.s32 @!p1 $0x0  }
0x14: {  	s2 =	sld [smem:$0x3F98];
	s0 =	simm.s32 @p1 $0x1  }
0x15: {  	[smem:$0x3FB5] =	sst s0;
	s0 =	simm.s32 @!p2 $0x0  }
0x16: {  	s3 =	sld [smem:$0x3FDB];
	s0 =	simm.s32 @p2 $0x1  }
0x17: {  	s4 =	simm.s32 $0x1BF5;
	[smem:$0x3FB7] =	sst s0  }
0x18: {  	s0 =	sld [smem:$0x3F9A];
	_ =	swait.ge [sflag:s4], $0x0  }
0x19: {  	s7 =	sld [smem:$0x3F9B]  }
0x1a: {  	s8 =	sadd.s32 $0xFFFFE003, lr  }
0x1b: {  	s9 =	sadd.s32 $0xFFFFFEF7, lr;
	s5 =	simm.s32 $0xFFFFFFFF;
	p2 =	slt.u32 s8, $0xFFFFF086  }
0x1c: {  	p1 =	slt.u32 s9, $0xF7A;
	s5 =	simm.s32 @!p2 $0x0  }
0x1d: {  	s5 =	simm.s32 @p1 $0x1;
	p0 =	seq.s32 s7, s2  }
0x1e: {  	s7 =	smul.u32 @!p0 $0xF7A, s2;
	p2 =	seq.s32 @!p0 s5, $0x0  }
0x1f: {  	s9 =	smul.u32 $0xF7A, s1;
	s8 =	simm.s32 @!p0 $0x1BF5;
	p2 =	por !p2, p0  }
0x20: {  	[sflag:s8] =	ssyncset.s32 @!p0 $0xFFFFF086;
	s6 =	sadd.s32 @!p0 s3, s7;
	s7 =	simm.s32 @!p0 $0x108  }
0x21: {  	s3 =	sadd.s32 s3, s9;
	s6 =	sadd.s32 @!p0 $0x88, s6;
	s7 =	simm.s32 @p2 $0x1082  }
0x22: {  	[simem:s7], [sflag:s8] =	dma.local @!p0 [hbm:s6], $0xF7A  }
0x23: {  	s9 =	sor.u32 $0xD0000000, s2;
	s6 =	simm.s32 $0x108;
	_ =	swait.ge @!p0 [sflag:s8], $0x0  }
0x24: {  	s3 =	sadd.s32 $0x88, s3;
	s6 =	simm.s32 @!p1 $0x1082;
	[sflag:s4] =	ssyncset.s32 $0xFFFFF086  }
0x25: {  	[simem:s6], [sflag:s4] =	dma.local [hbm:s3], $0xF7A  }
0x26: {  	[smem:$0x3F9B] =	sst s1;
	(tag) =	ssettag s2;
	_ =	strace s9  }
0x27: {  	s1 =	sld [smem:$0x3FAB]  }
0x28: {  	s2 =	sld [smem:$0x3FAC]  }
0x29: {  	s4 =	sld [smem:$0x3FAE]  }
0x2a: {  	p0 =	seq.s32 s5, $0x0;
	s5 =	sld [smem:$0x3FAF]  }
0x2b: {  	s6 =	sld [smem:$0x3FB0]  }
0x2c: {  	s7 =	sld [smem:$0x3FB1]  }
0x2d: {  	s3 =	simm.s32 $0x108;
	s8 =	sld [smem:$0x3FB2]  }
0x2e: {  	s3 =	simm.s32 @!p0 $0x1082;
	s9 =	sld [smem:$0x3FB3]  }
0x2f: {  	lr =	sadd.s32 s0, s3;
	s0 =	sld [smem:$0x3FAA]  }
0x30: {  	s3 =	sld [smem:$0x3FAD]  }
0x31: {  	[smem:$0x3FB6] =	sst s10  }
0x32: {  	s10 =	sld [smem:$0x3FB4];
	_ =	sdelay $0x3  }
0x33: {  	p0 =	seq.s32 s10, $0x1;
	s10 =	sld [smem:$0x3FB6];
	_ =	sdelay $0x3  }
0x34: {  	[smem:$0x3FB6] =	sst s10  }
0x35: {  	s10 =	sld [smem:$0x3FB5];
	_ =	sdelay $0x3  }
0x36: {  	p1 =	seq.s32 s10, $0x1;
	s10 =	sld [smem:$0x3FB6];
	_ =	sdelay $0x3  }
0x37: {  	[smem:$0x3FB6] =	sst s10  }
0x38: {  	s10 =	sld [smem:$0x3FB7]  }
0x39: {  	_ = 	snop;
	(pc) =	sbr.ind lr, $3  }
0x3a: {  	_ = 	snop  }
0x3b: {  	_ = 	snop  }
0x3c: {  	p2 =	seq.s32 s10, $0x1;
	s10 =	sld [smem:$0x3FB6]  }
0x3d: {  	_ =	shalt  }
0x3e: {  	_ =	shalt  }
0x3f: {  	_ =	shalt  }
0x40: {  	_ =	shalt  }
0x41: {  	_ =	shalt  }
0x42: {  	_ =	shalt  }
0x43: {  	_ =	shalt  }
0x44: {  	_ =	shalt  }
0x45: {  	_ =	shalt  }
0x46: {  	_ =	shalt  }
0x47: {  	_ =	shalt  }
0x48: {  	_ =	shalt  }
0x49: {  	_ =	shalt  }
0x4a: {  	_ =	shalt  }
0x4b: {  	_ =	shalt  }
0x4c: {  	_ =	shalt  }
0x4d: {  	_ =	shalt  }
0x4e: {  	_ =	shalt  }
0x4f: {  	_ =	shalt  }
0x50: {  	_ =	shalt  }
0x51: {  	_ =	shalt  }
0x52: {  	_ =	shalt  }
0x53: {  	_ =	shalt  }
0x54: {  	_ =	shalt  }
0x55: {  	_ =	shalt  }
0x56: {  	_ =	shalt  }
0x57: {  	_ =	shalt  }
0x58: {  	_ =	shalt  }
0x59: {  	_ =	shalt  }
0x5a: {  	_ =	shalt  }
0x5b: {  	_ =	shalt  }
0x5c: {  	_ =	shalt  }
0x5d: {  	_ =	shalt  }
0x5e: {  	_ =	shalt  }
0x5f: {  	_ =	shalt  }
0x60: {  	_ =	shalt  }
0x61: {  	_ =	shalt  }
0x62: {  	_ =	shalt  }
0x63: {  	_ =	shalt  }
0x64: {  	_ =	shalt  }
0x65: {  	_ =	shalt  }
0x66: {  	_ =	shalt  }
0x67: {  	_ =	shalt  }
0x68: {  	_ =	shalt  }
0x69: {  	_ =	shalt  }
0x6a: {  	_ =	shalt  }
0x6b: {  	_ =	shalt  }
0x6c: {  	_ =	shalt  }
0x6d: {  	_ =	shalt  }
0x6e: {  	_ =	shalt  }
0x6f: {  	_ =	shalt  }
0x70: {  	_ =	shalt  }
0x71: {  	_ =	shalt  }
0x72: {  	_ =	shalt  }
0x73: {  	_ =	shalt  }
0x74: {  	_ =	shalt  }
0x75: {  	_ =	shalt  }
0x76: {  	_ =	shalt  }
0x77: {  	_ =	shalt  }
0x78: {  	_ =	shalt  }
0x79: {  	_ =	shalt  }
0x7a: {  	_ =	shalt  }
0x7b: {  	_ =	shalt  }
0x7c: {  	_ =	shalt  }
0x7d: {  	_ =	shalt  }
0x7e: {  	_ =	shalt  }
0x7f: {  	_ =	shalt  }
0x80: {  	_ =	shalt  }
0x81: {  	_ =	shalt  }
0x82: {  	_ =	shalt  }
0x83: {  	_ =	shalt  }
0x84: {  	_ =	shalt  }
0x85: {  	_ =	shalt  }
0x86: {  	_ =	shalt  }
0x87: {  	_ =	shalt  }
.Lfunc_end0:
.L_simem_size_0:
called_computation_lowered:
.L_overlay_start_0:
0x88: {  	s2 =	sld [smem:$0x3FD9]  }
0x89: {  	s3 =	sld [smem:$0x3FFE];
	_ =	sdelay $0x1  }
0x8a: {  	s1 =	srdreg.scid  }
0x8b: {  	s0 =	sand.u32 $0x1, s1  }
0x8c: {  	s14 =	sshll.u32 s0, $0xA;
	s2 =	sadd.s32 s3, s2  }
0x8d: {  	s2 =	sadd.s32 s2, s14  }
0x8e: {  	[smem:$0x3FC2] =	sst s2  }
0x8f: {  	_ = 	snop  }
0x90: {  	s2 =	sld [smem:$0x3FD0];
	_ =	sdelay $0x2  }
0x91: {  	s15 =	simm.s32 $0xA;
	s4 =	simm.s32 $0x10  }
0x92: {  	[smem:s4], [sflag:s15] =	dma.local [hbm:s2], $0x1  }
0x93: {  	_ =	swait.eq [sflag:s15], $0x1  }
0x94: {  	[sflag:s15] =	ssyncset.done $0x0  }
0x95: {  	[sflag:s15] =	ssyncadd.s32 $0xFFFFFFFF  }
0x96: {  	s16 =	sld [smem:$0x11];
	(tm) =	ssettm $0x1  }
0x97: {  	s17 =	sld [smem:$0x3FFB];
	_ =	sdelay $0x3  }
0x98: {  	_ =	strace s17  }
0x99: {  	s3 =	sld [smem:$0x3FFC];
	_ =	sdelay $0x3  }
0x9a: {  	_ =	strace s3  }
0x9b: {  	s3 =	sld [smem:$0x3FFD];
	_ =	sdelay $0x3  }
0x9c: {  	_ =	strace s3  }
0x9d: {  	_ =	strace $0x8FFFFFFF  }
0x9e: {  	s18 =	sld [smem:$0x3FDB];
	_ =	sdelay $0x1  }
0x9f: {  	s19 =	simm.s32 $_scs_section_size  }
0xa0: {  	s5 =	simm.s32 $_size__tile_overlayer_lowered;
	s6 =	simm.s32 $_tile_overlayer_lowered  }
0xa1: {  	s22 =	simm.s32 $0x1BFF;
	s21 =	sshll.u32 s6, $0x1;
	s3 =	sadd.s32 s19, s18  }
0xa2: {  	s7 =	simm.s32 $0x0;
	s20 =	sshll.u32 s5, $0x1;
	s5 =	sadd.s32 s21, s3  }
0xa3: {  	[timem:s7], [sflag:s22] =	dma.local [hbm:s5], s20  }
0xa4: {  	_ =	swait.ge [sflag:s22], s20  }
0xa5: {  	s4 =	ssub.s32 $0x0, s20;
	[sflag:s22] =	ssyncset.done $0x0  }
0xa6: {  	[sflag:s22] =	ssyncadd.s32 s4;
	_ =	sdelay $0x1  }
0xa7: {  	s23 =	simm.s32 $0x1B8B  }
0xa8: {  	_ =	swait.ge [sflag:s23], $0x1  }
0xa9: {  	[sflag:s23] =	ssyncset.done $0x0  }
0xaa: {  	s25 =	simm.s32 $0x1B8E;
	s24 =	sld [smem:$0x3FFE];
	[sflag:s23] =	ssyncadd.s32 $0xFFFFFFFF  }
0xab: {  	s26 =	simm.s32 $execute0_lowered;
	[smem:$0x3FD2] =	sst s25  }
0xac: {  	s5 =	sshll.u32 s26, $0x1;
	_ =	strace $0x80000046;
	[dreg:$0x1] =	wrdreg $0xFFFFFFFF  }
0xad: {  	s28 =	simm.s32 $_size_execute0_lowered;
	s3 =	sadd.s32 s3, s5;
	[dreg:$0x0] =	wrdreg $0x0  }
0xae: {  	s5 =	sshll.u32 s28, $0x1;
	[dreg:$0x2] =	wrdreg s3  }
0xaf: {  	[dreg:$0x3] =	wrdreg s5  }
0xb0: {  	[dreg:$0x4] =	wrdreg $0xC0  }
0xb1: {  	_ =	task [dreg:s7], $0x5FFFF  }
0xb2: {  	[dreg:$0x1] =	wrdreg $0xFFFFFFFF  }
0xb3: {  	[dreg:$0x0] =	wrdreg $0x60  }
0xb4: {  	[dreg:$0x2] =	wrdreg s24  }
0xb5: {  	[dreg:$0x3] =	wrdreg s16  }
0xb6: {  	[dreg:$0x4] =	wrdreg $0x9  }
0xb7: {  	_ =	task.clear_ibuf [dreg:s7], $0x5FFFF;
	_ =	strace $0x90000046  }
0xb8: {  	s29 =	simm.s32 $0x9;
	_ =	strace $0x80000048  }
0xb9: {  	_ =	swait.ge [sflag:s29], $0x1  }
0xba: {  	[sflag:s29] =	ssyncadd.s32 $0xFFFFFFFF  }
0xbb: {  	_ =	strace $0x90000048  }
0xbc: {  	_ =	sfence  }
0xbd: {  	s30 =	sld [smem:$0x0];
	_ =	sdelay $0x2  }
0xbe: {  	s31 =	sshll.u32 s1, $0xD;
	s1 =	sshrl.u32 s1, $0x2  }
0xbf: {  	s3 =	sand.u32 $0x4000, s31;
	s1 =	sadd.s32 s1, s30  }
0xc0: {  	s0 =	sor.u32 s3, s0;
	s1 =	sshll.u32 s1, $0x11  }
0xc1: {  	s0 =	sor.u32 s1, s0  }
0xc2: {  	s0 =	sadd.s32 $0x8F2B, s0  }
0xc3: {  	[sflag:s0] =	ssyncadd.remote.s32 $0x1  }
0xc4: {  	_ =	sfence.sel $0xFFFF  }
0xc5: {  	[dreg:$0x0] =	wrdreg $0xFFFFFFFF;
	(pc) =	sbr.abs _section_cstart, $3  }
0xc6: {  	[dreg:$0x1] =	wrdreg $0xFFFFFFFF  }
0xc7: {  	_ =	task.clear_ibuf [dreg:s7], $0x2FFFF;
	_ =	strace $0x9FFFFFFF  }
0xc8: {  	(tm) =	ssettm $0x7FFFFFFF  }
0xc9: {  	_ =	shalt  }
tec
execute0_lowered:
.L_overlay_start_1:
0x0: {  	(tag) =	ssettag $0x1  }
0x1: {  	s5 =	rddreg [dreg:$0x0]  }
0x2: {  	s1 =	rddreg [dreg:$0x1]  }
0x3: {  	s0 =	rddreg [dreg:$0x2];
	s3 =	simm.s32 $0x0;
	s4 =	srdreg.scid  }
0x4: {  	s2 =	stileid.u32;
	s9 =	simm.s32 $0x1;
	s10 =	simm.s32 $0x2780  }
0x5: {  	s11 =	simm.s32 $0x4F00;
	s12 =	simm.s32 $0x8F00;
	s13 =	simm.s32 $0xCF00  }
0x6: {  	s14 =	simm.s32 $0x0;
	[smem:$0x7FF] =	sst s3;
	s4 =	sand.u32 $0x1, s4  }
0x7: {  	s7 =	sshll.u32 s2, $0xB;
	s6 =	ssub.s32 $0x2, s4;
	s4 =	sshll.u32 s4, $0xF  }
0x8: {  	_ =	strace $0x80000047;
	s8 =	sshrl.u32 s6, $0x1;
	s7 =	sor.u32 s7, s4  }
0x9: {  	s4 =	sadd.s32 $0x20000, s5;
	s8 =	ssub.s32 s6, s8;
	s5 =	sadd.s32 s5, s7  }
0xa: {  	s6 =	sadd.s32 $0x10000, s5;
	s7 =	sadd.s32 $0x20600, s5;
	s8 =	smax.u32 s8, $0x1  }
.LBB2_1:
0xb: {  	[tilespmem:s3], [sflag:$0x1] =	stream.linear.gather [hbm4b:s4+s3], $0x2780, $0x38;
	[tilespmem:$0x10F00] =	vst v63  }
0xc: {  	_ =	swait.ge [sflag:s9], $0x2780  }
0xd: {  	[sflag:s9] =	ssyncset.done $0x0  }
0xe: {  	[sflag:s9] =	ssyncadd.s32 $0xFFFFD880  }
0xf: {  	[tilespmem:s10], [sflag:$0x1] =	stream.linear.gather [hbm4b:s1+s3], $0x2780, $0x38;
	[tilespmem:$0x10F00] =	vst v63  }
0x10: {  	_ =	swait.ge [sflag:s9], $0x2780  }
0x11: {  	[sflag:s9] =	ssyncset.done $0x0  }
0x12: {  	[sflag:s9] =	ssyncadd.s32 $0xFFFFD880  }
0x13: {  	[tilespmem:s11], [sflag:$0x1] =	stream.linear.gather [hbm4b:s6+s3], $0x3E80, $0x38;
	[tilespmem:$0x10F00] =	vst v63  }
0x14: {  	_ =	swait.ge [sflag:s9], $0x3E80  }
0x15: {  	[sflag:s9] =	ssyncset.done $0x0  }
0x16: {  	[sflag:s9] =	ssyncadd.s32 $0xFFFFC180  }
0x17: {  	[tilespmem:s12], [sflag:$0x1] =	stream.linear.gather [hbm4b:s5+s3], $0x3E80, $0x38;
	[tilespmem:$0x10F00] =	vst v63  }
0x18: {  	_ =	swait.ge [sflag:s9], $0x3E80  }
0x19: {  	[sflag:s9] =	ssyncset.done $0x0  }
0x1a: {  	s15 =	simm.s32 $0x0;
	[sflag:s9] =	ssyncadd.s32 $0xFFFFC180  }
0x1b: {  	v0 =	vld [tilespmem:s15+$0x4F00]  }
0x1c: {  	v1 =	vld [tilespmem:s15+$0x8F00];
	_ =	sdelay $0x6  }
0x1d: {  	v0 =	vld.idx.msk [tilespmem:v0+s3+$0x0], $0xffff  }
0x1e: {  	v1 =	vld.idx.msk [tilespmem:v1+s10+$0x0], $0xffff;
	_ =	sdelay $0x2  }
0x1f: {  	v2 =	vld [tilespmem:s15+$0x4F10]  }
0x20: {  	v3 =	vld [tilespmem:s15+$0x8F10]  }
0x21: {  	v0 =	vadd.f32 v1, v0;
	_ =	sdelay $0x1  }
0x22: {  	v1 =	vmul.f32 $2.000000030e-01, v0;
	_ =	sdelay $0x1  }
0x23: {  	v0 =	vmax.f32 v0, v1  }
0x24: {  	[tilespmem:s15+$0xCF00] =	vst v0  }
0x25: {  	v0 =	vld.idx.msk [tilespmem:v2+s3+$0x0], $0xffff  }
0x26: {  	v1 =	vld.idx.msk [tilespmem:v3+s10+$0x0], $0xffff;
	_ =	sdelay $0x2  }
0x27: {  	v2 =	vld [tilespmem:s15+$0x4F20]  }
0x28: {  	v3 =	vld [tilespmem:s15+$0x8F20]  }
0x29: {  	v0 =	vadd.f32 v1, v0;
	_ =	sdelay $0x1  }
0x2a: {  	v1 =	vmul.f32 $2.000000030e-01, v0;
	_ =	sdelay $0x1  }
0x2b: {  	v0 =	vmax.f32 v0, v1  }
0x2c: {  	[tilespmem:s15+$0xCF10] =	vst v0  }
0x2d: {  	v0 =	vld.idx.msk [tilespmem:v2+s3+$0x0], $0xffff  }
0x2e: {  	v1 =	vld.idx.msk [tilespmem:v3+s10+$0x0], $0xffff;
	_ =	sdelay $0x2  }
0x2f: {  	v2 =	vld [tilespmem:s15+$0x4F30]  }
0x30: {  	v3 =	vld [tilespmem:s15+$0x8F30]  }
0x31: {  	v0 =	vadd.f32 v1, v0;
	_ =	sdelay $0x1  }
0x32: {  	v1 =	vmul.f32 $2.000000030e-01, v0;
	_ =	sdelay $0x1  }
0x33: {  	v0 =	vmax.f32 v0, v1  }
0x34: {  	[tilespmem:s15+$0xCF20] =	vst v0  }
0x35: {  	v0 =	vld.idx.msk [tilespmem:v2+s3+$0x0], $0xffff  }
0x36: {  	v1 =	vld.idx.msk [tilespmem:v3+s10+$0x0], $0xffff;
	_ =	sdelay $0x2  }
0x37: {  	v2 =	vld [tilespmem:s15+$0x4F40]  }
0x38: {  	v3 =	vld [tilespmem:s15+$0x8F40]  }
0x39: {  	v0 =	vadd.f32 v1, v0;
	_ =	sdelay $0x1  }
0x3a: {  	v1 =	vmul.f32 $2.000000030e-01, v0;
	_ =	sdelay $0x1  }
0x3b: {  	v0 =	vmax.f32 v0, v1  }
0x3c: {  	[tilespmem:s15+$0xCF30] =	vst v0  }
0x3d: {  	v2 =	vld.idx.msk [tilespmem:v2+s3+$0x0], $0xffff  }
0x3e: {  	v3 =	vld.idx.msk [tilespmem:v3+s10+$0x0], $0xffff;
	_ =	sdelay $0x1  }
0x3f: {  	s18 =	simm.s32 $0x80  }
0x40: {  	v0 =	vld [tilespmem:s18+$0x4F00]  }
0x41: {  	s16 =	simm.s32 $0x400;
	v1 =	vld [tilespmem:s18+$0x8F00]  }
.LBB2_2:
0x42: {  	p0 =	sne.s32 s16, $0xF800;
	v2 =	vadd.f32 v3, v2;
	s17 =	smov.u32 s16;
	s16 =	sadd.s32 $0x200, s16  }
0x43: {  	_ = 	snop  }
0x44: {  	v3 =	vmul.f32 $2.000000030e-01, v2;
	_ =	sdelay $0x1  }
0x45: {  	v2 =	vmax.f32 v2, v3  }
0x46: {  	[tilespmem:s15+$0xCF40] =	vst v2;
	s15 =	smov.u32 s18  }
0x47: {  	v0 =	vld.idx.msk [tilespmem:v0+s3+$0x0], $0xffff  }
0x48: {  	v1 =	vld.idx.msk [tilespmem:v1+s10+$0x0], $0xffff;
	_ =	sdelay $0x2  }
0x49: {  	v2 =	vld [tilespmem:s15+$0x8F10]  }
0x4a: {  	v3 =	vld [tilespmem:s15+$0x4F10];
	_ =	sdelay $0x1  }
0x4b: {  	v0 =	vadd.f32 v1, v0;
	_ =	sdelay $0x1  }
0x4c: {  	v1 =	vmul.f32 $2.000000030e-01, v0;
	_ =	sdelay $0x1  }
0x4d: {  	v0 =	vmax.f32 v0, v1  }
0x4e: {  	[tilespmem:s15+$0xCF00] =	vst v0  }
0x4f: {  	v0 =	vld.idx.msk [tilespmem:v3+s3+$0x0], $0xffff  }
0x50: {  	v1 =	vld.idx.msk [tilespmem:v2+s10+$0x0], $0xffff;
	_ =	sdelay $0x2  }
0x51: {  	v2 =	vld [tilespmem:s15+$0x8F20]  }
0x52: {  	v3 =	vld [tilespmem:s15+$0x4F20];
	_ =	sdelay $0x1  }
0x53: {  	v0 =	vadd.f32 v1, v0;
	_ =	sdelay $0x1  }
0x54: {  	v1 =	vmul.f32 $2.000000030e-01, v0;
	_ =	sdelay $0x1  }
0x55: {  	v0 =	vmax.f32 v0, v1  }
0x56: {  	[tilespmem:s15+$0xCF10] =	vst v0  }
0x57: {  	v0 =	vld.idx.msk [tilespmem:v3+s3+$0x0], $0xffff  }
0x58: {  	v1 =	vld.idx.msk [tilespmem:v2+s10+$0x0], $0xffff;
	_ =	sdelay $0x2  }
0x59: {  	v2 =	vld [tilespmem:s15+$0x8F30]  }
0x5a: {  	v3 =	vld [tilespmem:s15+$0x4F30];
	_ =	sdelay $0x1  }
0x5b: {  	v0 =	vadd.f32 v1, v0;
	_ =	sdelay $0x1  }
0x5c: {  	v1 =	vmul.f32 $2.000000030e-01, v0;
	_ =	sdelay $0x1  }
0x5d: {  	v0 =	vmax.f32 v0, v1  }
0x5e: {  	[tilespmem:s15+$0xCF20] =	vst v0  }
0x5f: {  	v0 =	vld.idx.msk [tilespmem:v3+s3+$0x0], $0xffff  }
0x60: {  	v1 =	vld.idx.msk [tilespmem:v2+s10+$0x0], $0xffff;
	_ =	sdelay $0x2  }
0x61: {  	v3 =	vld [tilespmem:s15+$0x8F40]  }
0x62: {  	v2 =	vld [tilespmem:s15+$0x4F40];
	_ =	sdelay $0x1  }
0x63: {  	v0 =	vadd.f32 v1, v0;
	_ =	sdelay $0x1  }
0x64: {  	v1 =	vmul.f32 $2.000000030e-01, v0;
	_ =	sdelay $0x1  }
0x65: {  	v0 =	vmax.f32 v0, v1  }
0x66: {  	[tilespmem:s15+$0xCF30] =	vst v0  }
0x67: {  	v2 =	vld.idx.msk [tilespmem:v2+s3+$0x0], $0xffff  }
0x68: {  	v3 =	vld.idx.msk [tilespmem:v3+s10+$0x0], $0xffff  }
.Ltmp0:
0x69: {  	(pc) =	sbr.rel @p0 .LBB2_2-.Ltmp0, $4  }
0x6a: {  	_ = 	snop  }
0x6b: {  	s18 =	sshra.s32 s17, $0x2  }
0x6c: {  	v0 =	vld [tilespmem:s18+$0x4F00]  }
0x6d: {  	v1 =	vld [tilespmem:s18+$0x8F00]  }
0x6e: {  	_ = 	snop  }
0x6f: {  	v2 =	vadd.f32 v3, v2;
	_ =	sdelay $0x1  }
0x70: {  	v3 =	vmul.f32 $2.000000030e-01, v2;
	_ =	sdelay $0x1  }
0x71: {  	v2 =	vmax.f32 v2, v3  }
0x72: {  	[tilespmem:s15+$0xCF40] =	vst v2  }
0x73: {  	v0 =	vld.idx.msk [tilespmem:v0+s3+$0x0], $0xffff  }
0x74: {  	v1 =	vld.idx.msk [tilespmem:v1+s10+$0x0], $0xffff;
	_ =	sdelay $0x2  }
0x75: {  	v2 =	vld [tilespmem:s18+$0x4F10]  }
0x76: {  	v53 =	vld [tilespmem:s18+$0x8F10]  }
0x77: {  	v0 =	vadd.f32 v1, v0;
	_ =	sdelay $0x1  }
0x78: {  	v1 =	vmul.f32 $2.000000030e-01, v0;
	_ =	sdelay $0x1  }
0x79: {  	v0 =	vmax.f32 v0, v1  }
0x7a: {  	[tilespmem:s18+$0xCF00] =	vst v0  }
0x7b: {  	v0 =	vld.idx.msk [tilespmem:v2+s3+$0x0], $0xffff  }
0x7c: {  	v54 =	vld.idx.msk [tilespmem:v53+s10+$0x0], $0xffff;
	_ =	sdelay $0x2  }
0x7d: {  	v55 =	vld [tilespmem:s18+$0x4F20]  }
0x7e: {  	v56 =	vld [tilespmem:s18+$0x8F20]  }
0x7f: {  	v0 =	vadd.f32 v54, v0;
	_ =	sdelay $0x1  }
0x80: {  	v1 =	vmul.f32 $2.000000030e-01, v0;
	_ =	sdelay $0x1  }
0x81: {  	v0 =	vmax.f32 v0, v1  }
0x82: {  	[tilespmem:s18+$0xCF10] =	vst v0  }
0x83: {  	v0 =	vld.idx.msk [tilespmem:v55+s3+$0x0], $0xffff  }
0x84: {  	v57 =	vld.idx.msk [tilespmem:v56+s10+$0x0], $0xffff;
	_ =	sdelay $0x2  }
0x85: {  	v58 =	vld [tilespmem:s18+$0x4F30]  }
0x86: {  	v59 =	vld [tilespmem:s18+$0x8F30]  }
0x87: {  	v0 =	vadd.f32 v57, v0;
	_ =	sdelay $0x1  }
0x88: {  	v1 =	vmul.f32 $2.000000030e-01, v0;
	_ =	sdelay $0x1  }
0x89: {  	v0 =	vmax.f32 v0, v1  }
0x8a: {  	[tilespmem:s18+$0xCF20] =	vst v0  }
0x8b: {  	v0 =	vld.idx.msk [tilespmem:v58+s3+$0x0], $0xffff  }
0x8c: {  	v60 =	vld.idx.msk [tilespmem:v59+s10+$0x0], $0xffff;
	_ =	sdelay $0x2  }
0x8d: {  	v61 =	vld [tilespmem:s18+$0x4F40]  }
0x8e: {  	v62 =	vld [tilespmem:s18+$0x8F40]  }
0x8f: {  	v0 =	vadd.f32 v60, v0;
	_ =	sdelay $0x1  }
0x90: {  	v1 =	vmul.f32 $2.000000030e-01, v0;
	_ =	sdelay $0x1  }
0x91: {  	v0 =	vmax.f32 v0, v1  }
0x92: {  	[tilespmem:s18+$0xCF30] =	vst v0  }
0x93: {  	v0 =	vld.idx.msk [tilespmem:v61+s3+$0x0], $0xffff  }
0x94: {  	v63 =	vld.idx.msk [tilespmem:v62+s10+$0x0], $0xffff;
	_ =	sdelay $0x4  }
0x95: {  	v0 =	vadd.f32 v63, v0;
	_ =	sdelay $0x1  }
0x96: {  	v1 =	vmul.f32 $2.000000030e-01, v0  }
0x97: {  	s14 =	sadd.s32 $0x1, s14  }
0x98: {  	p0 =	sne.s32 s14, s8;
	v0 =	vmax.f32 v0, v1  }
.Ltmp1:
0x99: {  	[tilespmem:s18+$0xCF40] =	vst v0;
	(pc) =	sbr.rel @p0 .LBB2_1-.Ltmp1, $4  }
0x9a: {  	[hbm4b:s7+s3] =	stream.linear.scatter [tilespmem:s13], [sflag:$0x1], $0x3E80, $0x38;
	[tilespmem:$0x10F00] =	vst v63  }
0x9b: {  	_ =	swait.ge [sflag:s9], $0x3E80  }
0x9c: {  	[sflag:s9] =	ssyncset.done $0x0  }
0x9d: {  	[sflag:s9] =	ssyncadd.s32 $0xFFFFC180  }
0x9e: {  	_ =	sfence.sel $0x180000  }
0x9f: {  	[bflag:$0x0] =	sbarrier.arrive $0xFFFF  }
0xa0: {  	p0 =	sne.s32 s2, $0x0;
	_ =	strace $0x90000047  }
0xa1: {  	s0 =	sadd.s32 @!p0 $0x100000, s0;
	[bflag:$0x2] =	sbarrier.arrive $0xFFFF  }
0xa2: {  	[sflag:s0] =	ssyncadd.tile.s32 @!p0 $0x1;
	_ =	shalt  }
.Lfunc_end2:
_tile_overlayer_lowered:
.L_overlay_start_2:
0xa3: {  	(tag) =	ssettag $0x2  }
0xa4: {  	s0 =	rddreg [dreg:$0x0];
	s2 =	stileid.u32  }
0xa5: {  	s1 =	rddreg [dreg:$0x1];
	p0 =	sne.s32 s2, $0x0  }
0xa6: {  	s3 =	rddreg [dreg:$0x2];
	[bflag:$0x3] =	sbarrier.arrive $0xFFFF;
	s2 =	simm.s32 @!p0 $0x1C01  }
0xa7: {  	[timem:s3], [sflag:s2] =	dma.local @!p0 [hbm:s0], s1  }
0xa8: {  	s0 =	simm.s32 @!p0 $0x1  }
0xa9: {  	_ =	swait.ge @!p0 [sflag:s0], s1  }
0xaa: {  	s1 =	ssub.s32 @!p0 $0x0, s1;
	[sflag:s0] =	ssyncset.done @!p0 $0x0  }
0xab: {  	[sflag:s0] =	ssyncadd.s32 @!p0 s1  }
0xac: {  	[bflag:$0x3] =	sbarrier.arrive $0xFFFF  }
0xad: {  	_ =	shalt  }

</sc_bundles>
